<compile_context>
chip_gen: v7x
topology: tpu7x:2x2x1
jax: 0.10.2.dev20260603
libtpu: 0.0.44.dev20260713+nightly
codegen_flags: <defaults>
</compile_context>

<pallas_src>
import jax
import jax.numpy as jnp
from jax import lax
from jax.experimental import pallas as pl
from jax.experimental.pallas import tpu as pltpu
from jax.experimental.pallas import tpu_sc as plsc

_K = 40
_NC = 2
_NS = 16
_L = 16
_TW = 32
_CH = 16


def _tc1_body(x_ref, Ws_ref, bs_ref, Wp_ref, bp_ref,
              packed_ref, thresh_ref, feat_ref):
    S = x_ref.shape[0]
    ND = Ws_ref.shape[1]
    xb = x_ref[...]
    coords = jnp.dot(xb, Ws_ref[...],
                     preferred_element_type=jnp.float32) + bs_ref[...]
    feat_ref[...] = jnp.dot(xb, Wp_ref[...],
                            preferred_element_type=jnp.float32) + bp_ref[...]

    d2 = jnp.zeros((S, S), jnp.float32)
    for d in range(ND):
        col = coords[:, d:d + 1]
        diff = col - col.reshape(1, S)
        d2 = d2 + diff * diff

    colids = lax.broadcasted_iota(jnp.int32, (S, S), 1)
    packed = jnp.bitwise_or(
        jnp.bitwise_and(lax.bitcast_convert_type(d2, jnp.int32), ~(S - 1)),
        colids)
    packed_ref[...] = packed

    ones_col = jnp.ones((S, 1), jnp.bfloat16)

    def bs_step(t, carry):
        lo, hi = carry
        mid = lo + ((hi - lo) >> 1)
        cnt = jnp.dot((packed <= mid).astype(jnp.bfloat16), ones_col,
                      preferred_element_type=jnp.float32)
        ge = cnt >= jnp.float32(_K + 1)
        return jnp.where(ge, lo, mid + 1), jnp.where(ge, mid, hi)

    lo0 = jnp.zeros((S, 1), jnp.int32)
    hi0 = jnp.full((S, 1), jnp.int32(0x7FFFFFFF))
    _, hi = lax.fori_loop(0, 18, bs_step, (lo0, hi0))
    rowmin = jnp.min(packed, axis=1, keepdims=True)
    thresh_ref[...] = jnp.concatenate(
        [jnp.broadcast_to(hi, (S, _L)), jnp.broadcast_to(rowmin, (S, _L))],
        axis=1)


def _sc_body(packed_hbm, thresh_hbm, feat_hbm, agg_hbm,
             feat_v, th_v, pk_v, sel_v, out_v):
    NP = feat_hbm.shape[0]
    S = 1024
    P = 32
    N = NP // P
    RW = N // (_NC * _NS)
    NV = S // _L

    wid = lax.axis_index("s") * _NC + lax.axis_index("c")
    base = wid * RW
    seg = base // S
    pltpu.sync_copy(feat_hbm.at[pl.ds(seg * S * P, S * P)], feat_v)
    pltpu.sync_copy(thresh_hbm.at[pl.ds(base * _TW, RW * _TW)], th_v)

    iota = lax.broadcasted_iota(jnp.int32, (_L,), 0)
    HMASK = jnp.int32(~(S - 1))
    NEG = jnp.float32(-3.0e38)

    zero16 = jnp.zeros((_L,), jnp.int32)
    lane15 = jnp.full((_L, 1), 15, jnp.int32)
    _gdn = lax.GatherDimensionNumbers(
        offset_dims=(), collapsed_slice_dims=(0,), start_index_map=(0,))

    def _bcast_last(v):
        return lax.gather(v, lane15, _gdn, (1,),
                          mode=lax.GatherScatterMode.PROMISE_IN_BOUNDS)

    def chunk_body(g, _):
        row0 = base + g * _CH
        pltpu.sync_copy(packed_hbm.at[pl.ds(row0 * S, _CH * S)], pk_v)

        def row_body(rp, _):
            ra = 2 * rp
            rb = ra + 1
            tba = (g * _CH + ra) * _TW
            tbb = (g * _CH + rb) * _TW
            tspla = th_v[pl.ds(tba, _L)]
            minspla = th_v[pl.ds(tba + _L, _L)]
            tsplb = th_v[pl.ds(tbb, _L)]
            minsplb = th_v[pl.ds(tbb + _L, _L)]
            rbasea = ra * S
            rbaseb = rb * S

            def sel1(pv, tspl, off, trash, sbase):
                m = pv <= tspl
                cs = plsc.cumsum(m.astype(jnp.int32))
                idx = jnp.where(m, off + cs - 1, trash)
                plsc.store_scatter(sel_v, [idx], pv)
                return jnp.minimum(off + _bcast_last(cs), sbase + 64)

            def selbody(v, carry):
                offa, offb = carry
                for u in range(2):
                    vb = (v * 2 + u) * _L
                    pva = pk_v[pl.ds(rbasea + vb, _L)]
                    pvb = pk_v[pl.ds(rbaseb + vb, _L)]
                    offa = sel1(pva, tspla, offa, 79, 0)
                    offb = sel1(pvb, tsplb, offb, 159, 80)
                return offa, offb

            offa, offb = lax.fori_loop(0, NV // 2, selbody,
                                       (zero16, zero16 + 80))

            def pool1(kv, minspl, offv, carry):
                mx0, mx1, ac0, ac1 = carry
                ps = plsc.load_gather(sel_v, [kv])
                d2s = plsc.bitcast(jnp.bitwise_and(ps, HMASK), jnp.float32)
                w = jnp.exp(-10.0 * d2s)
                excl = (ps == minspl) | (kv >= offv)
                wm = jnp.where(excl, 0.0, w)
                bsv = jnp.where(excl, NEG, 0.0)
                jbase = jnp.bitwise_and(ps, S - 1) * P
                g0 = plsc.load_gather(feat_v, [jbase + iota])
                g1 = plsc.load_gather(feat_v, [jbase + _L + iota])
                s0 = wm * g0
                s1 = wm * g1
                return (jnp.maximum(mx0, s0 + bsv), jnp.maximum(mx1, s1 + bsv),
                        ac0 + s0, ac1 + s1)

            def poolbody(t, carry):
                ca, cb = carry
                for u in range(3):
                    k = t * 3 + u
                    ca = pool1(zero16 + k, minspla, offa, ca)
                    cb = pool1(zero16 + (80 + k), minsplb, offb, cb)
                return ca, cb

            negs = jnp.full((_L,), NEG)
            zers = jnp.zeros((_L,), jnp.float32)
            init = (negs, negs, zers, zers)
            ca, cb = lax.fori_loop(0, _L, poolbody, (init, init))
            inv_k = jnp.float32(1.0 / _K)
            for r, (mx0, mx1, ac0, ac1) in ((ra, ca), (rb, cb)):
                ob = r * 4 * _L
                out_v[pl.ds(ob, _L)] = mx0
                out_v[pl.ds(ob + _L, _L)] = mx1
                out_v[pl.ds(ob + 2 * _L, _L)] = ac0 * inv_k
                out_v[pl.ds(ob + 3 * _L, _L)] = ac1 * inv_k
            return 0

        lax.fori_loop(0, _CH // 2, row_body, 0)
        pltpu.sync_copy(out_v, agg_hbm.at[pl.ds(row0 * 2 * P, _CH * 2 * P)])
        return 0

    lax.fori_loop(0, RW // _CH, chunk_body, 0)


def _tc2_body(agg_ref, x_ref, Wo_ref, bo_ref, out_ref):
    P2 = agg_ref.shape[1]
    Wo = Wo_ref[...]
    acc = jnp.dot(agg_ref[...], Wo[:P2, :], preferred_element_type=jnp.float32)
    acc = acc + jnp.dot(x_ref[...], Wo[P2:, :],
                        preferred_element_type=jnp.float32)
    out_ref[...] = jnp.tanh(acc + bo_ref[...])


def _tc1_call(xh, Ws, bs, Wp, bp, nseg, S, D, ND, P):
    Nh = xh.shape[0]
    return pl.pallas_call(
        _tc1_body,
        grid=(nseg,),
        in_specs=[
            pl.BlockSpec((S, D), lambda b: (b, 0)),
            pl.BlockSpec((D, ND), lambda b: (0, 0)),
            pl.BlockSpec((1, ND), lambda b: (0, 0)),
            pl.BlockSpec((D, P), lambda b: (0, 0)),
            pl.BlockSpec((1, P), lambda b: (0, 0)),
        ],
        out_specs=[
            pl.BlockSpec((S, S), lambda b: (b, 0)),
            pl.BlockSpec((S, _TW), lambda b: (b, 0)),
            pl.BlockSpec((S, P), lambda b: (b, 0)),
        ],
        out_shape=[
            jax.ShapeDtypeStruct((Nh, S), jnp.int32),
            jax.ShapeDtypeStruct((Nh, _TW), jnp.int32),
            jax.ShapeDtypeStruct((Nh, P), jnp.float32),
        ],
    )(xh, Ws, bs.reshape(1, ND), Wp, bp.reshape(1, P))


def _sc_call(packed, thresh, feat, S, P):
    Nh = packed.shape[0]
    mesh = plsc.VectorSubcoreMesh(core_axis_name="c", subcore_axis_name="s",
                                  num_cores=_NC, num_subcores=_NS)
    RW = Nh // (_NC * _NS)
    agg = pl.kernel(
        _sc_body,
        out_type=jax.ShapeDtypeStruct((Nh * 2 * P,), jnp.float32),
        mesh=mesh,
        compiler_params=pltpu.CompilerParams(needs_layout_passes=False),
        scratch_types=[
            pltpu.VMEM((S * P,), jnp.float32),
            pltpu.VMEM((RW * _TW,), jnp.int32),
            pltpu.VMEM((_CH * S,), jnp.int32),
            pltpu.VMEM((160,), jnp.int32),
            pltpu.VMEM((_CH * 2 * P,), jnp.float32),
        ],
    )(packed.reshape(Nh * S), thresh.reshape(Nh * _TW), feat.reshape(Nh * P))
    return agg.reshape(Nh, 2 * P)


def kernel(x, row_splits, Wp, bp, Ws, bs, Wo, bo):
    N, D = x.shape
    nseg = int(row_splits.shape[0]) - 1
    S = N // nseg
    P = Wp.shape[1]
    ND = Ws.shape[1]
    F = Wo.shape[1]

    N2 = N // 2
    xa, xb = x[:N2], x[N2:]
    pa, ta, fa = _tc1_call(xa, Ws, bs, Wp, bp, nseg // 2, S, D, ND, P)
    agg_a = _sc_call(pa, ta, fa, S, P)
    pb, tb, fb = _tc1_call(xb, Ws, bs, Wp, bp, nseg // 2, S, D, ND, P)
    agg_b = _sc_call(pb, tb, fb, S, P)
    agg = jnp.concatenate([agg_a, agg_b], axis=0)

    BR = 2048
    out = pl.pallas_call(
        _tc2_body,
        grid=(N // BR,),
        in_specs=[
            pl.BlockSpec((BR, 2 * P), lambda b: (b, 0)),
            pl.BlockSpec((BR, D), lambda b: (b, 0)),
            pl.BlockSpec((2 * P + D, F), lambda b: (0, 0)),
            pl.BlockSpec((1, F), lambda b: (0, 0)),
        ],
        out_specs=pl.BlockSpec((BR, F), lambda b: (b, 0)),
        out_shape=jax.ShapeDtypeStruct((N, F), jnp.float32),
    )(agg, x, Wo, bo.reshape(1, F))
    return out

# --- scband reference (transcript-rebuilt; emitter-appended) ---
"""Pipeline reference for scband-ragged-grav-net-simple-37091337568895 (READ-ONLY COPY).

The authoritative reference and input builder live on the scoring server;
editing this copy changes nothing except your own understanding.
"""

import jax, jax.numpy as jnp
import numpy as np

N = 16384   # total points
B = 16      # number of segments (events)
S = 1024    # points per segment (equal row_splits)
D = 128     # input feature dim
P = 32      # n_propagate
ND = 4      # n_dimensions (learned coordinate space)
K = 40      # n_neighbours (module internally uses K+1 including self, then drops self)
F = 128     # n_filters


def setup_inputs(seed: int = 0) -> dict:
    key = jax.random.key(seed)
    ks = jax.random.split(key, 8)
    x = jax.random.normal(ks[0], (N, D), dtype=jnp.float32)
    # equal-length segments: row_splits = [0, 1024, 2048, ..., 16384]
    row_splits = (jnp.arange(B + 1) * S).astype(jnp.int32)
    # learned parameters (Dense layers), sized per init_kwargs
    Wp = jax.random.normal(ks[1], (D, P), dtype=jnp.float32) * 0.1   # input_feature_transform[0]
    bp = jnp.zeros((P,), dtype=jnp.float32)
    Ws = jax.random.normal(ks[2], (D, ND), dtype=jnp.float32) * 0.1  # input_spatial_transform
    bs = jnp.zeros((ND,), dtype=jnp.float32)
    Wo = jax.random.normal(ks[3], (2 * P + D, F), dtype=jnp.float32) * 0.05  # output_feature_transform
    bo = jnp.zeros((F,), dtype=jnp.float32)
    return {"x": x, "row_splits": row_splits, "Wp": Wp, "bp": bp,
            "Ws": Ws, "bs": bs, "Wo": Wo, "bo": bo}


def reference(x, row_splits, Wp, bp, Ws, bs, Wo, bo):
    nseg = int(row_splits.shape[0]) - 1
    seg = N // nseg  # equal splits by construction

    # input_spatial_transform: learned coordinates
    coords = x @ Ws + bs                      # [N, ND]
    cb = coords.reshape(nseg, seg, ND)        # [B, S, ND]

    # SelectKnn (tf_compatible): per-segment brute-force kNN incl. self, then drop self
    d2_full = jnp.sum((cb[:, :, None, :] - cb[:, None, :, :]) ** 2, axis=-1)  # [B, S, S]
    _, idx = jax.lax.top_k(-d2_full, K + 1)   # [B, S, K+1] nearest first (self at 0)
    idx = idx[..., 1:]                        # [B, S, K] drop self

    bidx = jnp.arange(nseg)[:, None, None]
    nb_c = cb[bidx, idx]                      # gather neighbour coords [B, S, K, ND]
    distancesq = jnp.sum((cb[:, :, None, :] - nb_c) ** 2, axis=-1)  # [B, S, K]

    # collect_neighbours with gauss_of_lin(10*d2) = exp(-|10*d2|) weights
    w = jnp.exp(-jnp.abs(10.0 * distancesq))[..., None]  # [B, S, K, 1]

    feat = x @ Wp + bp                        # input_feature_transform [N, P]
    fb = feat.reshape(nseg, seg, P)
    nb_f = fb[bidx, idx] * w                  # [B, S, K, P]
    f_max = jnp.max(nb_f, axis=2)             # [B, S, P]
    f_mean = jnp.mean(nb_f, axis=2)           # [B, S, P]
    agg = jnp.concatenate([f_max, f_mean], axis=-1).reshape(N, 2 * P)

    # output_feature_transform: Dense(tanh) on concat([aggregated, x])
    out = jnp.tanh(jnp.concatenate([agg, x], axis=-1) @ Wo + bo)  # [N, F]
    return out

if __name__ == "__main__":
    import jax
    _d = setup_inputs()
    print(jax.jit(kernel)(*tuple(_d.values())))

</pallas_src>

<mosaic_0001>
#map = affine_map<(d0, d1) -> (0)>
module attributes {stable_mosaic.version = 14 : i64} {
  func.func @_sc_body(%arg0: i32, %arg1: i32, %arg2: memref<8388608xi32, #tpu.memory_space<hbm>>, %arg3: memref<262144xi32, #tpu.memory_space<hbm>>, %arg4: memref<262144xf32, #tpu.memory_space<hbm>>, %arg5: memref<524288xf32, #tpu.memory_space<hbm>>, %arg6: memref<32768xf32, #tpu.memory_space<vmem>>, %arg7: memref<8192xi32, #tpu.memory_space<vmem>>, %arg8: memref<16384xi32, #tpu.memory_space<vmem>>, %arg9: memref<160xi32, #tpu.memory_space<vmem>>, %arg10: memref<1024xf32, #tpu.memory_space<vmem>>) attributes {dimension_semantics = [#tpu.dimension_semantics<core_parallel>, #tpu.dimension_semantics<subcore_parallel>], iteration_bounds = array<i64: 2, 16>, scalar_prefetch = 0 : i64, scratch_operands = 5 : i64, tpu.core_type = #tpu.core_type<sc_vector_subcore>, window_params = [{transform_indices = #map}, {transform_indices = #map}, {transform_indices = #map}, {transform_indices = #map}]} {
    %mul3A = arith.constant 2 : i32
    %mul3A_0 = arith.muli %arg1, %mul3A : i32
    %add3A = arith.addi %mul3A_0, %arg0 : i32
    %mul3A_1 = arith.constant 256 : i32
    %mul3A_2 = arith.muli %add3A, %mul3A_1 : i32
    %jit3A = arith.constant 1024 : i32
    %div3A = arith.divsi %mul3A_2, %jit3A : i32
    %sign3A = arith.constant 0 : i32
    %sign3A_3 = arith.cmpi sgt, %mul3A_2, %sign3A : i32
    %sign3A_4 = arith.extui %sign3A_3 : i1 to i32
    %sign3A_5 = arith.constant 0 : i32
    %sign3A_6 = arith.cmpi slt, %mul3A_2, %sign3A_5 : i32
    %sign3A_7 = arith.extui %sign3A_6 : i1 to i32
    %sign3A_8 = arith.subi %sign3A_4, %sign3A_7 : i32
    %sign3A_9 = arith.constant 0 : i32
    %sign3A_10 = arith.cmpi sgt, %jit3A, %sign3A_9 : i32
    %sign3A_11 = arith.extui %sign3A_10 : i1 to i32
    %sign3A_12 = arith.constant 0 : i32
    %sign3A_13 = arith.cmpi slt, %jit3A, %sign3A_12 : i32
    %sign3A_14 = arith.extui %sign3A_13 : i1 to i32
    %sign3A_15 = arith.subi %sign3A_11, %sign3A_14 : i32
    %ne3A = arith.cmpi ne, %sign3A_8, %sign3A_15 : i32
    %rem3A = arith.remsi %mul3A_2, %jit3A : i32
    %ne3A_16 = arith.constant 0 : i32
    %ne3A_17 = arith.cmpi ne, %rem3A, %ne3A_16 : i32
    %and3A = arith.andi %ne3A, %ne3A_17 : i1
    %sub3A = arith.constant 1 : i32
    %sub3A_18 = arith.subi %div3A, %sub3A : i32
    %select_n3A = arith.select %and3A, %sub3A_18, %div3A : i32
    %mul3A_19 = arith.constant 1024 : i32
    %mul3A_20 = arith.muli %select_n3A, %mul3A_19 : i32
    %mul3A_21 = arith.constant 32 : i32
    %mul3A_22 = arith.muli %mul3A_20, %mul3A_21 : i32
    "tpu.region"() ({
      %run_scoped3A = tpu.sem_alloc : memref<!tpu.dma_semaphore, #tpu.memory_space<semaphore_mem>>
      %dma_start3A = tpu.memref_slice %arg4[%mul3A_22] : memref<262144xf32, #tpu.memory_space<hbm>> -> memref<32768xf32, #tpu.memory_space<hbm>>
      %dma_start3A_36 = tpu.memref_slice %arg4[%mul3A_22] : memref<262144xf32, #tpu.memory_space<hbm>> -> memref<32768xf32, #tpu.memory_space<hbm>>
      tpu.enqueue_dma source(%dma_start3A_36 : memref<32768xf32, #tpu.memory_space<hbm>>) target(%arg6 : memref<32768xf32, #tpu.memory_space<vmem>>) target_semaphore(%run_scoped3A : memref<!tpu.dma_semaphore, #tpu.memory_space<semaphore_mem>>)
      %dma_wait3A = tpu.memref_slice %arg4[%mul3A_22] : memref<262144xf32, #tpu.memory_space<hbm>> -> memref<32768xf32, #tpu.memory_space<hbm>>
      %dma_wait3A_37 = tpu.memref_slice %arg4[%mul3A_22] : memref<262144xf32, #tpu.memory_space<hbm>> -> memref<32768xf32, #tpu.memory_space<hbm>>
      tpu.wait_dma2 semaphore(%run_scoped3A : memref<!tpu.dma_semaphore, #tpu.memory_space<semaphore_mem>>) src(%dma_wait3A_37 : memref<32768xf32, #tpu.memory_space<hbm>>) dst(%arg6 : memref<32768xf32, #tpu.memory_space<vmem>>)
      tpu.yield
    }) : () -> ()
    %mul3A_23 = arith.constant 32 : i32
    %mul3A_24 = arith.muli %mul3A_2, %mul3A_23 : i32
    "tpu.region"() ({
      %run_scoped3A = tpu.sem_alloc : memref<!tpu.dma_semaphore, #tpu.memory_space<semaphore_mem>>
      %dma_start3A = tpu.memref_slice %arg3[%mul3A_24] : memref<262144xi32, #tpu.memory_space<hbm>> -> memref<8192xi32, #tpu.memory_space<hbm>>
      %dma_start3A_36 = tpu.memref_slice %arg3[%mul3A_24] : memref<262144xi32, #tpu.memory_space<hbm>> -> memref<8192xi32, #tpu.memory_space<hbm>>
      tpu.enqueue_dma source(%dma_start3A_36 : memref<8192xi32, #tpu.memory_space<hbm>>) target(%arg7 : memref<8192xi32, #tpu.memory_space<vmem>>) target_semaphore(%run_scoped3A : memref<!tpu.dma_semaphore, #tpu.memory_space<semaphore_mem>>)
      %dma_wait3A = tpu.memref_slice %arg3[%mul3A_24] : memref<262144xi32, #tpu.memory_space<hbm>> -> memref<8192xi32, #tpu.memory_space<hbm>>
      %dma_wait3A_37 = tpu.memref_slice %arg3[%mul3A_24] : memref<262144xi32, #tpu.memory_space<hbm>> -> memref<8192xi32, #tpu.memory_space<hbm>>
      tpu.wait_dma2 semaphore(%run_scoped3A : memref<!tpu.dma_semaphore, #tpu.memory_space<semaphore_mem>>) src(%dma_wait3A_37 : memref<8192xi32, #tpu.memory_space<hbm>>) dst(%arg7 : memref<8192xi32, #tpu.memory_space<vmem>>)
      tpu.yield
    }) : () -> ()
    %iota3A = tpu.iota {dimensions = array<i32: 0>} : vector<16xi32>
    %broadcast_in_dim3A = arith.constant 0 : i32
    %broadcast_in_dim3A_25 = vector.broadcast %broadcast_in_dim3A : i32 to vector<16xi32>
    %broadcast_in_dim3A_26 = arith.constant 15 : i32
    %broadcast_in_dim3A_27 = vector.broadcast %broadcast_in_dim3A_26 : i32 to vector<16x1xi32>
    %scan3A = arith.constant -3.000000e+38 : f32
    %scan3A_28 = arith.constant -1024 : i32
    %scan3A_29 = arith.constant 0 : i32
    %scan3A_30 = arith.constant 0 : i32
    %scan3A_31 = arith.constant 16 : i32
    %scan3A_32 = arith.addi %scan3A_30, %scan3A_31 : i32
    %scan3A_33 = arith.constant 1 : i32
    %scan3A_34 = scf.for %scan3A_36 = %scan3A_30 to %scan3A_32 step %scan3A_33 iter_args(%scan3A_37 = %scan3A_29) -> (i32)  : i32 {
      %mul3A_38 = arith.constant 16 : i32
      %mul3A_39 = arith.muli %scan3A_36, %mul3A_38 : i32
      %add3A_40 = arith.addi %mul3A_2, %mul3A_39 : i32
      %mul3A_41 = arith.constant 1024 : i32
      %mul3A_42 = arith.muli %add3A_40, %mul3A_41 : i32
      "tpu.region"() ({
        %run_scoped3A = tpu.sem_alloc : memref<!tpu.dma_semaphore, #tpu.memory_space<semaphore_mem>>
        %dma_start3A = tpu.memref_slice %arg2[%mul3A_42] : memref<8388608xi32, #tpu.memory_space<hbm>> -> memref<16384xi32, #tpu.memory_space<hbm>>
        %dma_start3A_55 = tpu.memref_slice %arg2[%mul3A_42] : memref<8388608xi32, #tpu.memory_space<hbm>> -> memref<16384xi32, #tpu.memory_space<hbm>>
        tpu.enqueue_dma source(%dma_start3A_55 : memref<16384xi32, #tpu.memory_space<hbm>>) target(%arg8 : memref<16384xi32, #tpu.memory_space<vmem>>) target_semaphore(%run_scoped3A : memref<!tpu.dma_semaphore, #tpu.memory_space<semaphore_mem>>)
        %dma_wait3A = tpu.memref_slice %arg2[%mul3A_42] : memref<8388608xi32, #tpu.memory_space<hbm>> -> memref<16384xi32, #tpu.memory_space<hbm>>
        %dma_wait3A_56 = tpu.memref_slice %arg2[%mul3A_42] : memref<8388608xi32, #tpu.memory_space<hbm>> -> memref<16384xi32, #tpu.memory_space<hbm>>
        tpu.wait_dma2 semaphore(%run_scoped3A : memref<!tpu.dma_semaphore, #tpu.memory_space<semaphore_mem>>) src(%dma_wait3A_56 : memref<16384xi32, #tpu.memory_space<hbm>>) dst(%arg8 : memref<16384xi32, #tpu.memory_space<vmem>>)
        tpu.yield
      }) : () -> ()
      %scan3A_43 = arith.constant 0 : i32
      %scan3A_44 = arith.constant 0 : i32
      %scan3A_45 = arith.constant 8 : i32
      %scan3A_46 = arith.addi %scan3A_44, %scan3A_45 : i32
      %scan3A_47 = arith.constant 1 : i32
      %scan3A_48 = scf.for %scan3A_55 = %scan3A_44 to %scan3A_46 step %scan3A_47 iter_args(%scan3A_56 = %scan3A_43) -> (i32)  : i32 {
        %mul3A_57 = arith.constant 2 : i32
        %mul3A_58 = arith.muli %mul3A_57, %scan3A_55 : i32
        %add3A_59 = arith.constant 1 : i32
        %add3A_60 = arith.addi %mul3A_58, %add3A_59 : i32
        %mul3A_61 = arith.constant 16 : i32
        %mul3A_62 = arith.muli %scan3A_36, %mul3A_61 : i32
        %add3A_63 = arith.addi %mul3A_62, %mul3A_58 : i32
        %mul3A_64 = arith.constant 32 : i32
        %mul3A_65 = arith.muli %add3A_63, %mul3A_64 : i32
        %mul3A_66 = arith.constant 16 : i32
        %mul3A_67 = arith.muli %scan3A_36, %mul3A_66 : i32
        %add3A_68 = arith.addi %mul3A_67, %add3A_60 : i32
        %mul3A_69 = arith.constant 32 : i32
        %mul3A_70 = arith.muli %add3A_68, %mul3A_69 : i32
        %get3A = arith.index_cast %mul3A_65 : i32 to index
        %get3A_71 = tpu.vector_load %arg7[%get3A] {strides = array<i32>} : memref<8192xi32, #tpu.memory_space<vmem>>, vector<16xi32>,
        %add3A_72 = arith.constant 16 : i32
        %add3A_73 = arith.addi %mul3A_65, %add3A_72 : i32
        %get3A_74 = arith.index_cast %add3A_73 : i32 to index
        %get3A_75 = tpu.vector_load %arg7[%get3A_74] {strides = array<i32>} : memref<8192xi32, #tpu.memory_space<vmem>>, vector<16xi32>,
        %get3A_76 = arith.index_cast %mul3A_70 : i32 to index
        %get3A_77 = tpu.vector_load %arg7[%get3A_76] {strides = array<i32>} : memref<8192xi32, #tpu.memory_space<vmem>>, vector<16xi32>,
        %add3A_78 = arith.constant 16 : i32
        %add3A_79 = arith.addi %mul3A_70, %add3A_78 : i32
        %get3A_80 = arith.index_cast %add3A_79 : i32 to index
        %get3A_81 = tpu.vector_load %arg7[%get3A_80] {strides = array<i32>} : memref<8192xi32, #tpu.memory_space<vmem>>, vector<16xi32>,
        %mul3A_82 = arith.constant 1024 : i32
        %mul3A_83 = arith.muli %mul3A_58, %mul3A_82 : i32
        %mul3A_84 = arith.constant 1024 : i32
        %mul3A_85 = arith.muli %add3A_60, %mul3A_84 : i32
        %add3A_86 = arith.constant 80 : i32
        %add3A_87 = vector.broadcast %add3A_86 : i32 to vector<16xi32>
        %add3A_88 = arith.addi %broadcast_in_dim3A_25, %add3A_87 : vector<16xi32>
        %scan3A_89 = arith.constant 0 : i32
        %scan3A_90 = arith.constant 32 : i32
        %scan3A_91 = arith.addi %scan3A_89, %scan3A_90 : i32
        %scan3A_92 = arith.constant 1 : i32
        %scan3A_93:2 = scf.for %scan3A_152 = %scan3A_89 to %scan3A_91 step %scan3A_92 iter_args(%scan3A_153 = %broadcast_in_dim3A_25, %scan3A_154 = %add3A_88) -> (vector<16xi32>, vector<16xi32>)  : i32 {
          %mul3A_155 = arith.constant 2 : i32
          %mul3A_156 = arith.muli %scan3A_152, %mul3A_155 : i32
          %add3A_157 = arith.constant 0 : i32
          %add3A_158 = arith.addi %mul3A_156, %add3A_157 : i32
          %mul3A_159 = arith.constant 16 : i32
          %mul3A_160 = arith.muli %add3A_158, %mul3A_159 : i32
          %add3A_161 = arith.addi %mul3A_83, %mul3A_160 : i32
          %get3A_162 = arith.index_cast %add3A_161 : i32 to index
          %get3A_163 = tpu.vector_load %arg8[%get3A_162] {strides = array<i32>} : memref<16384xi32, #tpu.memory_space<vmem>>, vector<16xi32>,
          %add3A_164 = arith.addi %mul3A_85, %mul3A_160 : i32
          %get3A_165 = arith.index_cast %add3A_164 : i32 to index
          %get3A_166 = tpu.vector_load %arg8[%get3A_165] {strides = array<i32>} : memref<16384xi32, #tpu.memory_space<vmem>>, vector<16xi32>,
          %le3A = arith.cmpi sle, %get3A_163, %get3A_71 : vector<16xi32>
          %convert_element_type3A = arith.extui %le3A : vector<16xi1> to vector<16xi32>
          %broadcast_in_dim3A_167 = arith.constant true
          %broadcast_in_dim3A_168 = vector.broadcast %broadcast_in_dim3A_167 : i1 to vector<16xi1>
          %masked_cumsum3A = tpu.scan <sum>, %convert_element_type3A masked %broadcast_in_dim3A_168 : vector<16xi32>, vector<16xi1> -> vector<16xi32>
          %add3A_169 = arith.addi %scan3A_153, %masked_cumsum3A : vector<16xi32>
          %sub3A_170 = arith.constant 1 : i32
          %sub3A_171 = vector.broadcast %sub3A_170 : i32 to vector<16xi32>
          %sub3A_172 = arith.subi %add3A_169, %sub3A_171 : vector<16xi32>
          %jit3A_173 = arith.constant 79 : i32
          %broadcast_in_dim3A_174 = vector.broadcast %jit3A_173 : i32 to vector<16xi32>
          %select_n3A_175 = arith.select %le3A, %sub3A_172, %broadcast_in_dim3A_174 : vector<16xi1>, vector<16xi32>
          tpu.vector_store_idx %arg9[%select_n3A_175], %get3A_163 : memref<160xi32, #tpu.memory_space<vmem>>[vector<16xi32>], vector<16xi32>,
          %gather3A = vector.shape_cast %broadcast_in_dim3A_27 : vector<16x1xi32> to vector<16xi32>
          %gather3A_176 = tpu.dynamic_gather %masked_cumsum3A[%gather3A] in [0] : vector<16xi32>, vector<16xi32> -> vector<16xi32>
          %add3A_177 = arith.addi %scan3A_153, %gather3A_176 : vector<16xi32>
          %min3A = arith.constant 64 : i32
          %min3A_178 = vector.broadcast %min3A : i32 to vector<16xi32>
          %min3A_179 = arith.minsi %add3A_177, %min3A_178 : vector<16xi32>
          %le3A_180 = arith.cmpi sle, %get3A_166, %get3A_77 : vector<16xi32>
          %convert_element_type3A_181 = arith.extui %le3A_180 : vector<16xi1> to vector<16xi32>
          %broadcast_in_dim3A_182 = arith.constant true
          %broadcast_in_dim3A_183 = vector.broadcast %broadcast_in_dim3A_182 : i1 to vector<16xi1>
          %masked_cumsum3A_184 = tpu.scan <sum>, %convert_element_type3A_181 masked %broadcast_in_dim3A_183 : vector<16xi32>, vector<16xi1> -> vector<16xi32>
          %add3A_185 = arith.addi %scan3A_154, %masked_cumsum3A_184 : vector<16xi32>
          %sub3A_186 = arith.constant 1 : i32
          %sub3A_187 = vector.broadcast %sub3A_186 : i32 to vector<16xi32>
          %sub3A_188 = arith.subi %add3A_185, %sub3A_187 : vector<16xi32>
          %jit3A_189 = arith.constant 159 : i32
          %broadcast_in_dim3A_190 = vector.broadcast %jit3A_189 : i32 to vector<16xi32>
          %select_n3A_191 = arith.select %le3A_180, %sub3A_188, %broadcast_in_dim3A_190 : vector<16xi1>, vector<16xi32>
          tpu.vector_store_idx %arg9[%select_n3A_191], %get3A_166 : memref<160xi32, #tpu.memory_space<vmem>>[vector<16xi32>], vector<16xi32>,
          %gather3A_192 = vector.shape_cast %broadcast_in_dim3A_27 : vector<16x1xi32> to vector<16xi32>
          %gather3A_193 = tpu.dynamic_gather %masked_cumsum3A_184[%gather3A_192] in [0] : vector<16xi32>, vector<16xi32> -> vector<16xi32>
          %add3A_194 = arith.addi %scan3A_154, %gather3A_193 : vector<16xi32>
          %min3A_195 = arith.constant 144 : i32
          %min3A_196 = vector.broadcast %min3A_195 : i32 to vector<16xi32>
          %min3A_197 = arith.minsi %add3A_194, %min3A_196 : vector<16xi32>
          %mul3A_198 = arith.constant 2 : i32
          %mul3A_199 = arith.muli %scan3A_152, %mul3A_198 : i32
          %add3A_200 = arith.constant 1 : i32
          %add3A_201 = arith.addi %mul3A_199, %add3A_200 : i32
          %mul3A_202 = arith.constant 16 : i32
          %mul3A_203 = arith.muli %add3A_201, %mul3A_202 : i32
          %add3A_204 = arith.addi %mul3A_83, %mul3A_203 : i32
          %get3A_205 = arith.index_cast %add3A_204 : i32 to index
          %get3A_206 = tpu.vector_load %arg8[%get3A_205] {strides = array<i32>} : memref<16384xi32, #tpu.memory_space<vmem>>, vector<16xi32>,
          %add3A_207 = arith.addi %mul3A_85, %mul3A_203 : i32
          %get3A_208 = arith.index_cast %add3A_207 : i32 to index
          %get3A_209 = tpu.vector_load %arg8[%get3A_208] {strides = array<i32>} : memref<16384xi32, #tpu.memory_space<vmem>>, vector<16xi32>,
          %le3A_210 = arith.cmpi sle, %get3A_206, %get3A_71 : vector<16xi32>
          %convert_element_type3A_211 = arith.extui %le3A_210 : vector<16xi1> to vector<16xi32>
          %broadcast_in_dim3A_212 = arith.constant true
          %broadcast_in_dim3A_213 = vector.broadcast %broadcast_in_dim3A_212 : i1 to vector<16xi1>
          %masked_cumsum3A_214 = tpu.scan <sum>, %convert_element_type3A_211 masked %broadcast_in_dim3A_213 : vector<16xi32>, vector<16xi1> -> vector<16xi32>
          %add3A_215 = arith.addi %min3A_179, %masked_cumsum3A_214 : vector<16xi32>
          %sub3A_216 = arith.constant 1 : i32
          %sub3A_217 = vector.broadcast %sub3A_216 : i32 to vector<16xi32>
          %sub3A_218 = arith.subi %add3A_215, %sub3A_217 : vector<16xi32>
          %jit3A_219 = arith.constant 79 : i32
          %broadcast_in_dim3A_220 = vector.broadcast %jit3A_219 : i32 to vector<16xi32>
          %select_n3A_221 = arith.select %le3A_210, %sub3A_218, %broadcast_in_dim3A_220 : vector<16xi1>, vector<16xi32>
          tpu.vector_store_idx %arg9[%select_n3A_221], %get3A_206 : memref<160xi32, #tpu.memory_space<vmem>>[vector<16xi32>], vector<16xi32>,
          %gather3A_222 = vector.shape_cast %broadcast_in_dim3A_27 : vector<16x1xi32> to vector<16xi32>
          %gather3A_223 = tpu.dynamic_gather %masked_cumsum3A_214[%gather3A_222] in [0] : vector<16xi32>, vector<16xi32> -> vector<16xi32>
          %add3A_224 = arith.addi %min3A_179, %gather3A_223 : vector<16xi32>
          %min3A_225 = arith.constant 64 : i32
          %min3A_226 = vector.broadcast %min3A_225 : i32 to vector<16xi32>
          %min3A_227 = arith.minsi %add3A_224, %min3A_226 : vector<16xi32>
          %le3A_228 = arith.cmpi sle, %get3A_209, %get3A_77 : vector<16xi32>
          %convert_element_type3A_229 = arith.extui %le3A_228 : vector<16xi1> to vector<16xi32>
          %broadcast_in_dim3A_230 = arith.constant true
          %broadcast_in_dim3A_231 = vector.broadcast %broadcast_in_dim3A_230 : i1 to vector<16xi1>
          %masked_cumsum3A_232 = tpu.scan <sum>, %convert_element_type3A_229 masked %broadcast_in_dim3A_231 : vector<16xi32>, vector<16xi1> -> vector<16xi32>
          %add3A_233 = arith.addi %min3A_197, %masked_cumsum3A_232 : vector<16xi32>
          %sub3A_234 = arith.constant 1 : i32
          %sub3A_235 = vector.broadcast %sub3A_234 : i32 to vector<16xi32>
          %sub3A_236 = arith.subi %add3A_233, %sub3A_235 : vector<16xi32>
          %jit3A_237 = arith.constant 159 : i32
          %broadcast_in_dim3A_238 = vector.broadcast %jit3A_237 : i32 to vector<16xi32>
          %select_n3A_239 = arith.select %le3A_228, %sub3A_236, %broadcast_in_dim3A_238 : vector<16xi1>, vector<16xi32>
          tpu.vector_store_idx %arg9[%select_n3A_239], %get3A_209 : memref<160xi32, #tpu.memory_space<vmem>>[vector<16xi32>], vector<16xi32>,
          %gather3A_240 = vector.shape_cast %broadcast_in_dim3A_27 : vector<16x1xi32> to vector<16xi32>
          %gather3A_241 = tpu.dynamic_gather %masked_cumsum3A_232[%gather3A_240] in [0] : vector<16xi32>, vector<16xi32> -> vector<16xi32>
          %add3A_242 = arith.addi %min3A_197, %gather3A_241 : vector<16xi32>
          %min3A_243 = arith.constant 144 : i32
          %min3A_244 = vector.broadcast %min3A_243 : i32 to vector<16xi32>
          %min3A_245 = arith.minsi %add3A_242, %min3A_244 : vector<16xi32>
          scf.yield %min3A_227, %min3A_245 : vector<16xi32>, vector<16xi32>
        }
        %scan3A_94 = arith.constant 32 : i32
        %broadcast_in_dim3A_95 = vector.broadcast %scan3A : f32 to vector<16xf32>
        %broadcast_in_dim3A_96 = arith.constant 0.000000e+00 : f32
        %broadcast_in_dim3A_97 = vector.broadcast %broadcast_in_dim3A_96 : f32 to vector<16xf32>
        %scan3A_98 = arith.constant 0 : i32
        %scan3A_99 = arith.constant 16 : i32
        %scan3A_100 = arith.addi %scan3A_98, %scan3A_99 : i32
        %scan3A_101 = arith.constant 1 : i32
        %scan3A_102:8 = scf.for %scan3A_152 = %scan3A_98 to %scan3A_100 step %scan3A_101 iter_args(%scan3A_153 = %broadcast_in_dim3A_95, %scan3A_154 = %broadcast_in_dim3A_95, %scan3A_155 = %broadcast_in_dim3A_97, %scan3A_156 = %broadcast_in_dim3A_97, %scan3A_157 = %broadcast_in_dim3A_95, %scan3A_158 = %broadcast_in_dim3A_95, %scan3A_159 = %broadcast_in_dim3A_97, %scan3A_160 = %broadcast_in_dim3A_97) -> (vector<16xf32>, vector<16xf32>, vector<16xf32>, vector<16xf32>, vector<16xf32>, vector<16xf32>, vector<16xf32>, vector<16xf32>)  : i32 {
          %mul3A_161 = arith.constant 3 : i32
          %mul3A_162 = arith.muli %scan3A_152, %mul3A_161 : i32
          %add3A_163 = arith.constant 0 : i32
          %add3A_164 = arith.addi %mul3A_162, %add3A_163 : i32
          %add3A_165 = vector.broadcast %add3A_164 : i32 to vector<16xi32>
          %add3A_166 = arith.addi %broadcast_in_dim3A_25, %add3A_165 : vector<16xi32>
          %gather3A = tpu.vector_load_idx %arg9[%add3A_166] : memref<160xi32, #tpu.memory_space<vmem>>[vector<16xi32>], vector<16xi32>,
          %and3A_167 = vector.broadcast %scan3A_28 : i32 to vector<16xi32>
          %and3A_168 = arith.andi %gather3A, %and3A_167 : vector<16xi32>
          %bitcast3A = vector.bitcast %and3A_168 : vector<16xi32> to vector<16xf32>
          %mul3A_169 = arith.constant -1.000000e+01 : f32
          %mul3A_170 = vector.broadcast %mul3A_169 : f32 to vector<16xf32>
          %mul3A_171 = arith.mulf %mul3A_170, %bitcast3A : vector<16xf32>
          %exp3A = math.exp %mul3A_171 : vector<16xf32>
          %eq3A = arith.cmpi eq, %gather3A, %get3A_75 : vector<16xi32>
          %ge3A = arith.cmpi sge, %add3A_166, %scan3A_93#0 : vector<16xi32>
          %or3A = arith.ori %eq3A, %ge3A : vector<16xi1>
          %jit3A_172 = arith.constant 0.000000e+00 : f32
          %broadcast_in_dim3A_173 = vector.broadcast %jit3A_172 : f32 to vector<16xf32>
          %select_n3A_174 = arith.select %or3A, %broadcast_in_dim3A_173, %exp3A : vector<16xi1>, vector<16xf32>
          %jit3A_175 = arith.constant 0.000000e+00 : f32
          %broadcast_in_dim3A_176 = vector.broadcast %scan3A : f32 to vector<16xf32>
          %broadcast_in_dim3A_177 = vector.broadcast %jit3A_175 : f32 to vector<16xf32>
          %select_n3A_178 = arith.select %or3A, %broadcast_in_dim3A_176, %broadcast_in_dim3A_177 : vector<16xi1>, vector<16xf32>
          %and3A_179 = arith.constant 1023 : i32
          %and3A_180 = vector.broadcast %and3A_179 : i32 to vector<16xi32>
          %and3A_181 = arith.andi %gather3A, %and3A_180 : vector<16xi32>
          %mul3A_182 = arith.constant 32 : i32
          %mul3A_183 = vector.broadcast %mul3A_182 : i32 to vector<16xi32>
          %mul3A_184 = arith.muli %and3A_181, %mul3A_183 : vector<16xi32>
          %add3A_185 = arith.addi %mul3A_184, %iota3A : vector<16xi32>
          %gather3A_186 = tpu.vector_load_idx %arg6[%add3A_185] : memref<32768xf32, #tpu.memory_space<vmem>>[vector<16xi32>], vector<16xf32>,
          %add3A_187 = arith.constant 16 : i32
          %add3A_188 = vector.broadcast %add3A_187 : i32 to vector<16xi32>
          %add3A_189 = arith.addi %mul3A_184, %add3A_188 : vector<16xi32>
          %add3A_190 = arith.addi %add3A_189, %iota3A : vector<16xi32>
          %gather3A_191 = tpu.vector_load_idx %arg6[%add3A_190] : memref<32768xf32, #tpu.memory_space<vmem>>[vector<16xi32>], vector<16xf32>,
          %mul3A_192 = arith.mulf %select_n3A_174, %gather3A_186 : vector<16xf32>
          %mul3A_193 = arith.mulf %select_n3A_174, %gather3A_191 : vector<16xf32>
          %add3A_194 = arith.addf %mul3A_192, %select_n3A_178 : vector<16xf32>
          %max3A = arith.maximumf %scan3A_153, %add3A_194 : vector<16xf32>
          %add3A_195 = arith.addf %mul3A_193, %select_n3A_178 : vector<16xf32>
          %max3A_196 = arith.maximumf %scan3A_154, %add3A_195 : vector<16xf32>
          %add3A_197 = arith.addf %scan3A_155, %mul3A_192 : vector<16xf32>
          %add3A_198 = arith.addf %scan3A_156, %mul3A_193 : vector<16xf32>
          %add3A_199 = arith.constant 80 : i32
          %add3A_200 = arith.addi %add3A_199, %add3A_164 : i32
          %add3A_201 = vector.broadcast %add3A_200 : i32 to vector<16xi32>
          %add3A_202 = arith.addi %broadcast_in_dim3A_25, %add3A_201 : vector<16xi32>
          %gather3A_203 = tpu.vector_load_idx %arg9[%add3A_202] : memref<160xi32, #tpu.memory_space<vmem>>[vector<16xi32>], vector<16xi32>,
          %and3A_204 = vector.broadcast %scan3A_28 : i32 to vector<16xi32>
          %and3A_205 = arith.andi %gather3A_203, %and3A_204 : vector<16xi32>
          %bitcast3A_206 = vector.bitcast %and3A_205 : vector<16xi32> to vector<16xf32>
          %mul3A_207 = arith.constant -1.000000e+01 : f32
          %mul3A_208 = vector.broadcast %mul3A_207 : f32 to vector<16xf32>
          %mul3A_209 = arith.mulf %mul3A_208, %bitcast3A_206 : vector<16xf32>
          %exp3A_210 = math.exp %mul3A_209 : vector<16xf32>
          %eq3A_211 = arith.cmpi eq, %gather3A_203, %get3A_81 : vector<16xi32>
          %ge3A_212 = arith.cmpi sge, %add3A_202, %scan3A_93#1 : vector<16xi32>
          %or3A_213 = arith.ori %eq3A_211, %ge3A_212 : vector<16xi1>
          %jit3A_214 = arith.constant 0.000000e+00 : f32
          %broadcast_in_dim3A_215 = vector.broadcast %jit3A_214 : f32 to vector<16xf32>
          %select_n3A_216 = arith.select %or3A_213, %broadcast_in_dim3A_215, %exp3A_210 : vector<16xi1>, vector<16xf32>
          %jit3A_217 = arith.constant 0.000000e+00 : f32
          %broadcast_in_dim3A_218 = vector.broadcast %scan3A : f32 to vector<16xf32>
          %broadcast_in_dim3A_219 = vector.broadcast %jit3A_217 : f32 to vector<16xf32>
          %select_n3A_220 = arith.select %or3A_213, %broadcast_in_dim3A_218, %broadcast_in_dim3A_219 : vector<16xi1>, vector<16xf32>
          %and3A_221 = arith.constant 1023 : i32
          %and3A_222 = vector.broadcast %and3A_221 : i32 to vector<16xi32>
          %and3A_223 = arith.andi %gather3A_203, %and3A_222 : vector<16xi32>
          %mul3A_224 = arith.constant 32 : i32
          %mul3A_225 = vector.broadcast %mul3A_224 : i32 to vector<16xi32>
          %mul3A_226 = arith.muli %and3A_223, %mul3A_225 : vector<16xi32>
          %add3A_227 = arith.addi %mul3A_226, %iota3A : vector<16xi32>
          %gather3A_228 = tpu.vector_load_idx %arg6[%add3A_227] : memref<32768xf32, #tpu.memory_space<vmem>>[vector<16xi32>], vector<16xf32>,
          %add3A_229 = arith.constant 16 : i32
          %add3A_230 = vector.broadcast %add3A_229 : i32 to vector<16xi32>
          %add3A_231 = arith.addi %mul3A_226, %add3A_230 : vector<16xi32>
          %add3A_232 = arith.addi %add3A_231, %iota3A : vector<16xi32>
          %gather3A_233 = tpu.vector_load_idx %arg6[%add3A_232] : memref<32768xf32, #tpu.memory_space<vmem>>[vector<16xi32>], vector<16xf32>,
          %mul3A_234 = arith.mulf %select_n3A_216, %gather3A_228 : vector<16xf32>
          %mul3A_235 = arith.mulf %select_n3A_216, %gather3A_233 : vector<16xf32>
          %add3A_236 = arith.addf %mul3A_234, %select_n3A_220 : vector<16xf32>
          %max3A_237 = arith.maximumf %scan3A_157, %add3A_236 : vector<16xf32>
          %add3A_238 = arith.addf %mul3A_235, %select_n3A_220 : vector<16xf32>
          %max3A_239 = arith.maximumf %scan3A_158, %add3A_238 : vector<16xf32>
          %add3A_240 = arith.addf %scan3A_159, %mul3A_234 : vector<16xf32>
          %add3A_241 = arith.addf %scan3A_160, %mul3A_235 : vector<16xf32>
          %mul3A_242 = arith.constant 3 : i32
          %mul3A_243 = arith.muli %scan3A_152, %mul3A_242 : i32
          %add3A_244 = arith.constant 1 : i32
          %add3A_245 = arith.addi %mul3A_243, %add3A_244 : i32
          %add3A_246 = vector.broadcast %add3A_245 : i32 to vector<16xi32>
          %add3A_247 = arith.addi %broadcast_in_dim3A_25, %add3A_246 : vector<16xi32>
          %gather3A_248 = tpu.vector_load_idx %arg9[%add3A_247] : memref<160xi32, #tpu.memory_space<vmem>>[vector<16xi32>], vector<16xi32>,
          %and3A_249 = vector.broadcast %scan3A_28 : i32 to vector<16xi32>
          %and3A_250 = arith.andi %gather3A_248, %and3A_249 : vector<16xi32>
          %bitcast3A_251 = vector.bitcast %and3A_250 : vector<16xi32> to vector<16xf32>
          %mul3A_252 = arith.constant -1.000000e+01 : f32
          %mul3A_253 = vector.broadcast %mul3A_252 : f32 to vector<16xf32>
          %mul3A_254 = arith.mulf %mul3A_253, %bitcast3A_251 : vector<16xf32>
          %exp3A_255 = math.exp %mul3A_254 : vector<16xf32>
          %eq3A_256 = arith.cmpi eq, %gather3A_248, %get3A_75 : vector<16xi32>
          %ge3A_257 = arith.cmpi sge, %add3A_247, %scan3A_93#0 : vector<16xi32>
          %or3A_258 = arith.ori %eq3A_256, %ge3A_257 : vector<16xi1>
          %jit3A_259 = arith.constant 0.000000e+00 : f32
          %broadcast_in_dim3A_260 = vector.broadcast %jit3A_259 : f32 to vector<16xf32>
          %select_n3A_261 = arith.select %or3A_258, %broadcast_in_dim3A_260, %exp3A_255 : vector<16xi1>, vector<16xf32>
          %jit3A_262 = arith.constant 0.000000e+00 : f32
          %broadcast_in_dim3A_263 = vector.broadcast %scan3A : f32 to vector<16xf32>
          %broadcast_in_dim3A_264 = vector.broadcast %jit3A_262 : f32 to vector<16xf32>
          %select_n3A_265 = arith.select %or3A_258, %broadcast_in_dim3A_263, %broadcast_in_dim3A_264 : vector<16xi1>, vector<16xf32>
          %and3A_266 = arith.constant 1023 : i32
          %and3A_267 = vector.broadcast %and3A_266 : i32 to vector<16xi32>
          %and3A_268 = arith.andi %gather3A_248, %and3A_267 : vector<16xi32>
          %mul3A_269 = arith.constant 32 : i32
          %mul3A_270 = vector.broadcast %mul3A_269 : i32 to vector<16xi32>
          %mul3A_271 = arith.muli %and3A_268, %mul3A_270 : vector<16xi32>
          %add3A_272 = arith.addi %mul3A_271, %iota3A : vector<16xi32>
          %gather3A_273 = tpu.vector_load_idx %arg6[%add3A_272] : memref<32768xf32, #tpu.memory_space<vmem>>[vector<16xi32>], vector<16xf32>,
          %add3A_274 = arith.constant 16 : i32
          %add3A_275 = vector.broadcast %add3A_274 : i32 to vector<16xi32>
          %add3A_276 = arith.addi %mul3A_271, %add3A_275 : vector<16xi32>
          %add3A_277 = arith.addi %add3A_276, %iota3A : vector<16xi32>
          %gather3A_278 = tpu.vector_load_idx %arg6[%add3A_277] : memref<32768xf32, #tpu.memory_space<vmem>>[vector<16xi32>], vector<16xf32>,
          %mul3A_279 = arith.mulf %select_n3A_261, %gather3A_273 : vector<16xf32>
          %mul3A_280 = arith.mulf %select_n3A_261, %gather3A_278 : vector<16xf32>
          %add3A_281 = arith.addf %mul3A_279, %select_n3A_265 : vector<16xf32>
          %max3A_282 = arith.maximumf %max3A, %add3A_281 : vector<16xf32>
          %add3A_283 = arith.addf %mul3A_280, %select_n3A_265 : vector<16xf32>
          %max3A_284 = arith.maximumf %max3A_196, %add3A_283 : vector<16xf32>
          %add3A_285 = arith.addf %add3A_197, %mul3A_279 : vector<16xf32>
          %add3A_286 = arith.addf %add3A_198, %mul3A_280 : vector<16xf32>
          %add3A_287 = arith.constant 80 : i32
          %add3A_288 = arith.addi %add3A_287, %add3A_245 : i32
          %add3A_289 = vector.broadcast %add3A_288 : i32 to vector<16xi32>
          %add3A_290 = arith.addi %broadcast_in_dim3A_25, %add3A_289 : vector<16xi32>
          %gather3A_291 = tpu.vector_load_idx %arg9[%add3A_290] : memref<160xi32, #tpu.memory_space<vmem>>[vector<16xi32>], vector<16xi32>,
          %and3A_292 = vector.broadcast %scan3A_28 : i32 to vector<16xi32>
          %and3A_293 = arith.andi %gather3A_291, %and3A_292 : vector<16xi32>
          %bitcast3A_294 = vector.bitcast %and3A_293 : vector<16xi32> to vector<16xf32>
          %mul3A_295 = arith.constant -1.000000e+01 : f32
          %mul3A_296 = vector.broadcast %mul3A_295 : f32 to vector<16xf32>
          %mul3A_297 = arith.mulf %mul3A_296, %bitcast3A_294 : vector<16xf32>
          %exp3A_298 = math.exp %mul3A_297 : vector<16xf32>
          %eq3A_299 = arith.cmpi eq, %gather3A_291, %get3A_81 : vector<16xi32>
          %ge3A_300 = arith.cmpi sge, %add3A_290, %scan3A_93#1 : vector<16xi32>
          %or3A_301 = arith.ori %eq3A_299, %ge3A_300 : vector<16xi1>
          %jit3A_302 = arith.constant 0.000000e+00 : f32
          %broadcast_in_dim3A_303 = vector.broadcast %jit3A_302 : f32 to vector<16xf32>
          %select_n3A_304 = arith.select %or3A_301, %broadcast_in_dim3A_303, %exp3A_298 : vector<16xi1>, vector<16xf32>
          %jit3A_305 = arith.constant 0.000000e+00 : f32
          %broadcast_in_dim3A_306 = vector.broadcast %scan3A : f32 to vector<16xf32>
          %broadcast_in_dim3A_307 = vector.broadcast %jit3A_305 : f32 to vector<16xf32>
          %select_n3A_308 = arith.select %or3A_301, %broadcast_in_dim3A_306, %broadcast_in_dim3A_307 : vector<16xi1>, vector<16xf32>
          %and3A_309 = arith.constant 1023 : i32
          %and3A_310 = vector.broadcast %and3A_309 : i32 to vector<16xi32>
          %and3A_311 = arith.andi %gather3A_291, %and3A_310 : vector<16xi32>
          %mul3A_312 = arith.constant 32 : i32
          %mul3A_313 = vector.broadcast %mul3A_312 : i32 to vector<16xi32>
          %mul3A_314 = arith.muli %and3A_311, %mul3A_313 : vector<16xi32>
          %add3A_315 = arith.addi %mul3A_314, %iota3A : vector<16xi32>
          %gather3A_316 = tpu.vector_load_idx %arg6[%add3A_315] : memref<32768xf32, #tpu.memory_space<vmem>>[vector<16xi32>], vector<16xf32>,
          %add3A_317 = arith.constant 16 : i32
          %add3A_318 = vector.broadcast %add3A_317 : i32 to vector<16xi32>
          %add3A_319 = arith.addi %mul3A_314, %add3A_318 : vector<16xi32>
          %add3A_320 = arith.addi %add3A_319, %iota3A : vector<16xi32>
          %gather3A_321 = tpu.vector_load_idx %arg6[%add3A_320] : memref<32768xf32, #tpu.memory_space<vmem>>[vector<16xi32>], vector<16xf32>,
          %mul3A_322 = arith.mulf %select_n3A_304, %gather3A_316 : vector<16xf32>
          %mul3A_323 = arith.mulf %select_n3A_304, %gather3A_321 : vector<16xf32>
          %add3A_324 = arith.addf %mul3A_322, %select_n3A_308 : vector<16xf32>
          %max3A_325 = arith.maximumf %max3A_237, %add3A_324 : vector<16xf32>
          %add3A_326 = arith.addf %mul3A_323, %select_n3A_308 : vector<16xf32>
          %max3A_327 = arith.maximumf %max3A_239, %add3A_326 : vector<16xf32>
          %add3A_328 = arith.addf %add3A_240, %mul3A_322 : vector<16xf32>
          %add3A_329 = arith.addf %add3A_241, %mul3A_323 : vector<16xf32>
          %mul3A_330 = arith.constant 3 : i32
          %mul3A_331 = arith.muli %scan3A_152, %mul3A_330 : i32
          %add3A_332 = arith.constant 2 : i32
          %add3A_333 = arith.addi %mul3A_331, %add3A_332 : i32
          %add3A_334 = vector.broadcast %add3A_333 : i32 to vector<16xi32>
          %add3A_335 = arith.addi %broadcast_in_dim3A_25, %add3A_334 : vector<16xi32>
          %gather3A_336 = tpu.vector_load_idx %arg9[%add3A_335] : memref<160xi32, #tpu.memory_space<vmem>>[vector<16xi32>], vector<16xi32>,
          %and3A_337 = vector.broadcast %scan3A_28 : i32 to vector<16xi32>
          %and3A_338 = arith.andi %gather3A_336, %and3A_337 : vector<16xi32>
          %bitcast3A_339 = vector.bitcast %and3A_338 : vector<16xi32> to vector<16xf32>
          %mul3A_340 = arith.constant -1.000000e+01 : f32
          %mul3A_341 = vector.broadcast %mul3A_340 : f32 to vector<16xf32>
          %mul3A_342 = arith.mulf %mul3A_341, %bitcast3A_339 : vector<16xf32>
          %exp3A_343 = math.exp %mul3A_342 : vector<16xf32>
          %eq3A_344 = arith.cmpi eq, %gather3A_336, %get3A_75 : vector<16xi32>
          %ge3A_345 = arith.cmpi sge, %add3A_335, %scan3A_93#0 : vector<16xi32>
          %or3A_346 = arith.ori %eq3A_344, %ge3A_345 : vector<16xi1>
          %jit3A_347 = arith.constant 0.000000e+00 : f32
          %broadcast_in_dim3A_348 = vector.broadcast %jit3A_347 : f32 to vector<16xf32>
          %select_n3A_349 = arith.select %or3A_346, %broadcast_in_dim3A_348, %exp3A_343 : vector<16xi1>, vector<16xf32>
          %jit3A_350 = arith.constant 0.000000e+00 : f32
          %broadcast_in_dim3A_351 = vector.broadcast %scan3A : f32 to vector<16xf32>
          %broadcast_in_dim3A_352 = vector.broadcast %jit3A_350 : f32 to vector<16xf32>
          %select_n3A_353 = arith.select %or3A_346, %broadcast_in_dim3A_351, %broadcast_in_dim3A_352 : vector<16xi1>, vector<16xf32>
          %and3A_354 = arith.constant 1023 : i32
          %and3A_355 = vector.broadcast %and3A_354 : i32 to vector<16xi32>
          %and3A_356 = arith.andi %gather3A_336, %and3A_355 : vector<16xi32>
          %mul3A_357 = arith.constant 32 : i32
          %mul3A_358 = vector.broadcast %mul3A_357 : i32 to vector<16xi32>
          %mul3A_359 = arith.muli %and3A_356, %mul3A_358 : vector<16xi32>
          %add3A_360 = arith.addi %mul3A_359, %iota3A : vector<16xi32>
          %gather3A_361 = tpu.vector_load_idx %arg6[%add3A_360] : memref<32768xf32, #tpu.memory_space<vmem>>[vector<16xi32>], vector<16xf32>,
          %add3A_362 = arith.constant 16 : i32
          %add3A_363 = vector.broadcast %add3A_362 : i32 to vector<16xi32>
          %add3A_364 = arith.addi %mul3A_359, %add3A_363 : vector<16xi32>
          %add3A_365 = arith.addi %add3A_364, %iota3A : vector<16xi32>
          %gather3A_366 = tpu.vector_load_idx %arg6[%add3A_365] : memref<32768xf32, #tpu.memory_space<vmem>>[vector<16xi32>], vector<16xf32>,
          %mul3A_367 = arith.mulf %select_n3A_349, %gather3A_361 : vector<16xf32>
          %mul3A_368 = arith.mulf %select_n3A_349, %gather3A_366 : vector<16xf32>
          %add3A_369 = arith.addf %mul3A_367, %select_n3A_353 : vector<16xf32>
          %max3A_370 = arith.maximumf %max3A_282, %add3A_369 : vector<16xf32>
          %add3A_371 = arith.addf %mul3A_368, %select_n3A_353 : vector<16xf32>
          %max3A_372 = arith.maximumf %max3A_284, %add3A_371 : vector<16xf32>
          %add3A_373 = arith.addf %add3A_285, %mul3A_367 : vector<16xf32>
          %add3A_374 = arith.addf %add3A_286, %mul3A_368 : vector<16xf32>
          %add3A_375 = arith.constant 80 : i32
          %add3A_376 = arith.addi %add3A_375, %add3A_333 : i32
          %add3A_377 = vector.broadcast %add3A_376 : i32 to vector<16xi32>
          %add3A_378 = arith.addi %broadcast_in_dim3A_25, %add3A_377 : vector<16xi32>
          %gather3A_379 = tpu.vector_load_idx %arg9[%add3A_378] : memref<160xi32, #tpu.memory_space<vmem>>[vector<16xi32>], vector<16xi32>,
          %and3A_380 = vector.broadcast %scan3A_28 : i32 to vector<16xi32>
          %and3A_381 = arith.andi %gather3A_379, %and3A_380 : vector<16xi32>
          %bitcast3A_382 = vector.bitcast %and3A_381 : vector<16xi32> to vector<16xf32>
          %mul3A_383 = arith.constant -1.000000e+01 : f32
          %mul3A_384 = vector.broadcast %mul3A_383 : f32 to vector<16xf32>
          %mul3A_385 = arith.mulf %mul3A_384, %bitcast3A_382 : vector<16xf32>
          %exp3A_386 = math.exp %mul3A_385 : vector<16xf32>
          %eq3A_387 = arith.cmpi eq, %gather3A_379, %get3A_81 : vector<16xi32>
          %ge3A_388 = arith.cmpi sge, %add3A_378, %scan3A_93#1 : vector<16xi32>
          %or3A_389 = arith.ori %eq3A_387, %ge3A_388 : vector<16xi1>
          %jit3A_390 = arith.constant 0.000000e+00 : f32
          %broadcast_in_dim3A_391 = vector.broadcast %jit3A_390 : f32 to vector<16xf32>
          %select_n3A_392 = arith.select %or3A_389, %broadcast_in_dim3A_391, %exp3A_386 : vector<16xi1>, vector<16xf32>
          %jit3A_393 = arith.constant 0.000000e+00 : f32
          %broadcast_in_dim3A_394 = vector.broadcast %scan3A : f32 to vector<16xf32>
          %broadcast_in_dim3A_395 = vector.broadcast %jit3A_393 : f32 to vector<16xf32>
          %select_n3A_396 = arith.select %or3A_389, %broadcast_in_dim3A_394, %broadcast_in_dim3A_395 : vector<16xi1>, vector<16xf32>
          %and3A_397 = arith.constant 1023 : i32
          %and3A_398 = vector.broadcast %and3A_397 : i32 to vector<16xi32>
          %and3A_399 = arith.andi %gather3A_379, %and3A_398 : vector<16xi32>
          %mul3A_400 = arith.constant 32 : i32
          %mul3A_401 = vector.broadcast %mul3A_400 : i32 to vector<16xi32>
          %mul3A_402 = arith.muli %and3A_399, %mul3A_401 : vector<16xi32>
          %add3A_403 = arith.addi %mul3A_402, %iota3A : vector<16xi32>
          %gather3A_404 = tpu.vector_load_idx %arg6[%add3A_403] : memref<32768xf32, #tpu.memory_space<vmem>>[vector<16xi32>], vector<16xf32>,
          %add3A_405 = arith.constant 16 : i32
          %add3A_406 = vector.broadcast %add3A_405 : i32 to vector<16xi32>
          %add3A_407 = arith.addi %mul3A_402, %add3A_406 : vector<16xi32>
          %add3A_408 = arith.addi %add3A_407, %iota3A : vector<16xi32>
          %gather3A_409 = tpu.vector_load_idx %arg6[%add3A_408] : memref<32768xf32, #tpu.memory_space<vmem>>[vector<16xi32>], vector<16xf32>,
          %mul3A_410 = arith.mulf %select_n3A_392, %gather3A_404 : vector<16xf32>
          %mul3A_411 = arith.mulf %select_n3A_392, %gather3A_409 : vector<16xf32>
          %add3A_412 = arith.addf %mul3A_410, %select_n3A_396 : vector<16xf32>
          %max3A_413 = arith.maximumf %max3A_325, %add3A_412 : vector<16xf32>
          %add3A_414 = arith.addf %mul3A_411, %select_n3A_396 : vector<16xf32>
          %max3A_415 = arith.maximumf %max3A_327, %add3A_414 : vector<16xf32>
          %add3A_416 = arith.addf %add3A_328, %mul3A_410 : vector<16xf32>
          %add3A_417 = arith.addf %add3A_329, %mul3A_411 : vector<16xf32>
          scf.yield %max3A_370, %max3A_372, %add3A_373, %add3A_374, %max3A_413, %max3A_415, %add3A_416, %add3A_417 : vector<16xf32>, vector<16xf32>, vector<16xf32>, vector<16xf32>, vector<16xf32>, vector<16xf32>, vector<16xf32>, vector<16xf32>
        }
        %scan3A_103 = arith.constant 16 : i32
        %mul3A_104 = arith.constant 4 : i32
        %mul3A_105 = arith.muli %mul3A_58, %mul3A_104 : i32
        %mul3A_106 = arith.constant 16 : i32
        %mul3A_107 = arith.muli %mul3A_105, %mul3A_106 : i32
        %swap3A = arith.index_cast %mul3A_107 : i32 to index
        %swap3A_108 = tpu.vector_load %arg10[%swap3A] {strides = array<i32>} : memref<1024xf32, #tpu.memory_space<vmem>>, vector<16xf32>,
        tpu.vector_store %arg10[%swap3A], %scan3A_102#0 {strides = array<i32>} : memref<1024xf32, #tpu.memory_space<vmem>>, vector<16xf32>,
        %add3A_109 = arith.constant 16 : i32
        %add3A_110 = arith.addi %mul3A_107, %add3A_109 : i32
        %swap3A_111 = arith.index_cast %add3A_110 : i32 to index
        %swap3A_112 = tpu.vector_load %arg10[%swap3A_111] {strides = array<i32>} : memref<1024xf32, #tpu.memory_space<vmem>>, vector<16xf32>,
        tpu.vector_store %arg10[%swap3A_111], %scan3A_102#1 {strides = array<i32>} : memref<1024xf32, #tpu.memory_space<vmem>>, vector<16xf32>,
        %mul3A_113 = arith.constant 2.500000e-02 : f32
        %mul3A_114 = vector.broadcast %mul3A_113 : f32 to vector<16xf32>
        %mul3A_115 = arith.mulf %scan3A_102#2, %mul3A_114 : vector<16xf32>
        %add3A_116 = arith.constant 32 : i32
        %add3A_117 = arith.addi %mul3A_107, %add3A_116 : i32
        %swap3A_118 = arith.index_cast %add3A_117 : i32 to index
        %swap3A_119 = tpu.vector_load %arg10[%swap3A_118] {strides = array<i32>} : memref<1024xf32, #tpu.memory_space<vmem>>, vector<16xf32>,
        tpu.vector_store %arg10[%swap3A_118], %mul3A_115 {strides = array<i32>} : memref<1024xf32, #tpu.memory_space<vmem>>, vector<16xf32>,
        %mul3A_120 = arith.constant 2.500000e-02 : f32
        %mul3A_121 = vector.broadcast %mul3A_120 : f32 to vector<16xf32>
        %mul3A_122 = arith.mulf %scan3A_102#3, %mul3A_121 : vector<16xf32>
        %add3A_123 = arith.constant 48 : i32
        %add3A_124 = arith.addi %mul3A_107, %add3A_123 : i32
        %swap3A_125 = arith.index_cast %add3A_124 : i32 to index
        %swap3A_126 = tpu.vector_load %arg10[%swap3A_125] {strides = array<i32>} : memref<1024xf32, #tpu.memory_space<vmem>>, vector<16xf32>,
        tpu.vector_store %arg10[%swap3A_125], %mul3A_122 {strides = array<i32>} : memref<1024xf32, #tpu.memory_space<vmem>>, vector<16xf32>,
        %mul3A_127 = arith.constant 4 : i32
        %mul3A_128 = arith.muli %add3A_60, %mul3A_127 : i32
        %mul3A_129 = arith.constant 16 : i32
        %mul3A_130 = arith.muli %mul3A_128, %mul3A_129 : i32
        %swap3A_131 = arith.index_cast %mul3A_130 : i32 to index
        %swap3A_132 = tpu.vector_load %arg10[%swap3A_131] {strides = array<i32>} : memref<1024xf32, #tpu.memory_space<vmem>>, vector<16xf32>,
        tpu.vector_store %arg10[%swap3A_131], %scan3A_102#4 {strides = array<i32>} : memref<1024xf32, #tpu.memory_space<vmem>>, vector<16xf32>,
        %add3A_133 = arith.constant 16 : i32
        %add3A_134 = arith.addi %mul3A_130, %add3A_133 : i32
        %swap3A_135 = arith.index_cast %add3A_134 : i32 to index
        %swap3A_136 = tpu.vector_load %arg10[%swap3A_135] {strides = array<i32>} : memref<1024xf32, #tpu.memory_space<vmem>>, vector<16xf32>,
        tpu.vector_store %arg10[%swap3A_135], %scan3A_102#5 {strides = array<i32>} : memref<1024xf32, #tpu.memory_space<vmem>>, vector<16xf32>,
        %mul3A_137 = arith.constant 2.500000e-02 : f32
        %mul3A_138 = vector.broadcast %mul3A_137 : f32 to vector<16xf32>
        %mul3A_139 = arith.mulf %scan3A_102#6, %mul3A_138 : vector<16xf32>
        %add3A_140 = arith.constant 32 : i32
        %add3A_141 = arith.addi %mul3A_130, %add3A_140 : i32
        %swap3A_142 = arith.index_cast %add3A_141 : i32 to index
        %swap3A_143 = tpu.vector_load %arg10[%swap3A_142] {strides = array<i32>} : memref<1024xf32, #tpu.memory_space<vmem>>, vector<16xf32>,
        tpu.vector_store %arg10[%swap3A_142], %mul3A_139 {strides = array<i32>} : memref<1024xf32, #tpu.memory_space<vmem>>, vector<16xf32>,
        %mul3A_144 = arith.constant 2.500000e-02 : f32
        %mul3A_145 = vector.broadcast %mul3A_144 : f32 to vector<16xf32>
        %mul3A_146 = arith.mulf %scan3A_102#7, %mul3A_145 : vector<16xf32>
        %add3A_147 = arith.constant 48 : i32
        %add3A_148 = arith.addi %mul3A_130, %add3A_147 : i32
        %swap3A_149 = arith.index_cast %add3A_148 : i32 to index
        %swap3A_150 = tpu.vector_load %arg10[%swap3A_149] {strides = array<i32>} : memref<1024xf32, #tpu.memory_space<vmem>>, vector<16xf32>,
        tpu.vector_store %arg10[%swap3A_149], %mul3A_146 {strides = array<i32>} : memref<1024xf32, #tpu.memory_space<vmem>>, vector<16xf32>,
        %scan3A_151 = arith.constant 0 : i32
        scf.yield %scan3A_151 : i32
      }
      %scan3A_49 = arith.constant 8 : i32
      %mul3A_50 = arith.constant 2 : i32
      %mul3A_51 = arith.muli %add3A_40, %mul3A_50 : i32
      %mul3A_52 = arith.constant 32 : i32
      %mul3A_53 = arith.muli %mul3A_51, %mul3A_52 : i32
      "tpu.region"() ({
        %run_scoped3A = tpu.sem_alloc : memref<!tpu.dma_semaphore, #tpu.memory_space<semaphore_mem>>
        %dma_start3A = tpu.memref_slice %arg5[%mul3A_53] : memref<524288xf32, #tpu.memory_space<hbm>> -> memref<1024xf32, #tpu.memory_space<hbm>>
        %dma_start3A_55 = tpu.memref_slice %arg5[%mul3A_53] : memref<524288xf32, #tpu.memory_space<hbm>> -> memref<1024xf32, #tpu.memory_space<hbm>>
        tpu.enqueue_dma source(%arg10 : memref<1024xf32, #tpu.memory_space<vmem>>) target(%dma_start3A_55 : memref<1024xf32, #tpu.memory_space<hbm>>) target_semaphore(%run_scoped3A : memref<!tpu.dma_semaphore, #tpu.memory_space<semaphore_mem>>)
        %dma_wait3A = tpu.memref_slice %arg5[%mul3A_53] : memref<524288xf32, #tpu.memory_space<hbm>> -> memref<1024xf32, #tpu.memory_space<hbm>>
        %dma_wait3A_56 = tpu.memref_slice %arg5[%mul3A_53] : memref<524288xf32, #tpu.memory_space<hbm>> -> memref<1024xf32, #tpu.memory_space<hbm>>
        tpu.wait_dma2 semaphore(%run_scoped3A : memref<!tpu.dma_semaphore, #tpu.memory_space<semaphore_mem>>) src(%arg10 : memref<1024xf32, #tpu.memory_space<vmem>>) dst(%dma_wait3A_56 : memref<1024xf32, #tpu.memory_space<hbm>>)
        tpu.yield
      }) : () -> ()
      %scan3A_54 = arith.constant 0 : i32
      scf.yield %scan3A_54 : i32
    }
    %scan3A_35 = arith.constant 16 : i32
    return
  }
}

#map = affine_map<(d0, d1) -> (0)>
module attributes {stable_mosaic.version = 14 : i64} {
  func.func @_sc_body(%arg0: i32, %arg1: i32, %arg2: memref<8388608xi32, #tpu.memory_space<hbm>>, %arg3: memref<262144xi32, #tpu.memory_space<hbm>>, %arg4: memref<262144xf32, #tpu.memory_space<hbm>>, %arg5: memref<524288xf32, #tpu.memory_space<hbm>>, %arg6: memref<32768xf32, #tpu.memory_space<vmem>>, %arg7: memref<8192xi32, #tpu.memory_space<vmem>>, %arg8: memref<16384xi32, #tpu.memory_space<vmem>>, %arg9: memref<160xi32, #tpu.memory_space<vmem>>, %arg10: memref<1024xf32, #tpu.memory_space<vmem>>) attributes {dimension_semantics = [#tpu.dimension_semantics<core_parallel>, #tpu.dimension_semantics<subcore_parallel>], iteration_bounds = array<i64: 2, 16>, scalar_prefetch = 0 : i64, scratch_operands = 5 : i64, tpu.core_type = #tpu.core_type<sc_vector_subcore>, window_params = [{transform_indices = #map}, {transform_indices = #map}, {transform_indices = #map}, {transform_indices = #map}]} {
    %mul3A = arith.constant 2 : i32
    %mul3A_0 = arith.muli %arg1, %mul3A : i32
    %add3A = arith.addi %mul3A_0, %arg0 : i32
    %mul3A_1 = arith.constant 256 : i32
    %mul3A_2 = arith.muli %add3A, %mul3A_1 : i32
    %jit3A = arith.constant 1024 : i32
    %div3A = arith.divsi %mul3A_2, %jit3A : i32
    %sign3A = arith.constant 0 : i32
    %sign3A_3 = arith.cmpi sgt, %mul3A_2, %sign3A : i32
    %sign3A_4 = arith.extui %sign3A_3 : i1 to i32
    %sign3A_5 = arith.constant 0 : i32
    %sign3A_6 = arith.cmpi slt, %mul3A_2, %sign3A_5 : i32
    %sign3A_7 = arith.extui %sign3A_6 : i1 to i32
    %sign3A_8 = arith.subi %sign3A_4, %sign3A_7 : i32
    %sign3A_9 = arith.constant 0 : i32
    %sign3A_10 = arith.cmpi sgt, %jit3A, %sign3A_9 : i32
    %sign3A_11 = arith.extui %sign3A_10 : i1 to i32
    %sign3A_12 = arith.constant 0 : i32
    %sign3A_13 = arith.cmpi slt, %jit3A, %sign3A_12 : i32
    %sign3A_14 = arith.extui %sign3A_13 : i1 to i32
    %sign3A_15 = arith.subi %sign3A_11, %sign3A_14 : i32
    %ne3A = arith.cmpi ne, %sign3A_8, %sign3A_15 : i32
    %rem3A = arith.remsi %mul3A_2, %jit3A : i32
    %ne3A_16 = arith.constant 0 : i32
    %ne3A_17 = arith.cmpi ne, %rem3A, %ne3A_16 : i32
    %and3A = arith.andi %ne3A, %ne3A_17 : i1
    %sub3A = arith.constant 1 : i32
    %sub3A_18 = arith.subi %div3A, %sub3A : i32
    %select_n3A = arith.select %and3A, %sub3A_18, %div3A : i32
    %mul3A_19 = arith.constant 1024 : i32
    %mul3A_20 = arith.muli %select_n3A, %mul3A_19 : i32
    %mul3A_21 = arith.constant 32 : i32
    %mul3A_22 = arith.muli %mul3A_20, %mul3A_21 : i32
    "tpu.region"() ({
      %run_scoped3A = tpu.sem_alloc : memref<!tpu.dma_semaphore, #tpu.memory_space<semaphore_mem>>
      %dma_start3A = tpu.memref_slice %arg4[%mul3A_22] : memref<262144xf32, #tpu.memory_space<hbm>> -> memref<32768xf32, #tpu.memory_space<hbm>>
      %dma_start3A_36 = tpu.memref_slice %arg4[%mul3A_22] : memref<262144xf32, #tpu.memory_space<hbm>> -> memref<32768xf32, #tpu.memory_space<hbm>>
      tpu.enqueue_dma source(%dma_start3A_36 : memref<32768xf32, #tpu.memory_space<hbm>>) target(%arg6 : memref<32768xf32, #tpu.memory_space<vmem>>) target_semaphore(%run_scoped3A : memref<!tpu.dma_semaphore, #tpu.memory_space<semaphore_mem>>)
      %dma_wait3A = tpu.memref_slice %arg4[%mul3A_22] : memref<262144xf32, #tpu.memory_space<hbm>> -> memref<32768xf32, #tpu.memory_space<hbm>>
      %dma_wait3A_37 = tpu.memref_slice %arg4[%mul3A_22] : memref<262144xf32, #tpu.memory_space<hbm>> -> memref<32768xf32, #tpu.memory_space<hbm>>
      tpu.wait_dma2 semaphore(%run_scoped3A : memref<!tpu.dma_semaphore, #tpu.memory_space<semaphore_mem>>) src(%dma_wait3A_37 : memref<32768xf32, #tpu.memory_space<hbm>>) dst(%arg6 : memref<32768xf32, #tpu.memory_space<vmem>>)
      tpu.yield
    }) : () -> ()
    %mul3A_23 = arith.constant 32 : i32
    %mul3A_24 = arith.muli %mul3A_2, %mul3A_23 : i32
    "tpu.region"() ({
      %run_scoped3A = tpu.sem_alloc : memref<!tpu.dma_semaphore, #tpu.memory_space<semaphore_mem>>
      %dma_start3A = tpu.memref_slice %arg3[%mul3A_24] : memref<262144xi32, #tpu.memory_space<hbm>> -> memref<8192xi32, #tpu.memory_space<hbm>>
      %dma_start3A_36 = tpu.memref_slice %arg3[%mul3A_24] : memref<262144xi32, #tpu.memory_space<hbm>> -> memref<8192xi32, #tpu.memory_space<hbm>>
      tpu.enqueue_dma source(%dma_start3A_36 : memref<8192xi32, #tpu.memory_space<hbm>>) target(%arg7 : memref<8192xi32, #tpu.memory_space<vmem>>) target_semaphore(%run_scoped3A : memref<!tpu.dma_semaphore, #tpu.memory_space<semaphore_mem>>)
      %dma_wait3A = tpu.memref_slice %arg3[%mul3A_24] : memref<262144xi32, #tpu.memory_space<hbm>> -> memref<8192xi32, #tpu.memory_space<hbm>>
      %dma_wait3A_37 = tpu.memref_slice %arg3[%mul3A_24] : memref<262144xi32, #tpu.memory_space<hbm>> -> memref<8192xi32, #tpu.memory_space<hbm>>
      tpu.wait_dma2 semaphore(%run_scoped3A : memref<!tpu.dma_semaphore, #tpu.memory_space<semaphore_mem>>) src(%dma_wait3A_37 : memref<8192xi32, #tpu.memory_space<hbm>>) dst(%arg7 : memref<8192xi32, #tpu.memory_space<vmem>>)
      tpu.yield
    }) : () -> ()
    %iota3A = tpu.iota {dimensions = array<i32: 0>} : vector<16xi32>
    %broadcast_in_dim3A = arith.constant 0 : i32
    %broadcast_in_dim3A_25 = vector.broadcast %broadcast_in_dim3A : i32 to vector<16xi32>
    %broadcast_in_dim3A_26 = arith.constant 15 : i32
    %broadcast_in_dim3A_27 = vector.broadcast %broadcast_in_dim3A_26 : i32 to vector<16x1xi32>
    %scan3A = arith.constant -3.000000e+38 : f32
    %scan3A_28 = arith.constant -1024 : i32
    %scan3A_29 = arith.constant 0 : i32
    %scan3A_30 = arith.constant 0 : i32
    %scan3A_31 = arith.constant 16 : i32
    %scan3A_32 = arith.addi %scan3A_30, %scan3A_31 : i32
    %scan3A_33 = arith.constant 1 : i32
    %scan3A_34 = scf.for %scan3A_36 = %scan3A_30 to %scan3A_32 step %scan3A_33 iter_args(%scan3A_37 = %scan3A_29) -> (i32)  : i32 {
      %mul3A_38 = arith.constant 16 : i32
      %mul3A_39 = arith.muli %scan3A_36, %mul3A_38 : i32
      %add3A_40 = arith.addi %mul3A_2, %mul3A_39 : i32
      %mul3A_41 = arith.constant 1024 : i32
      %mul3A_42 = arith.muli %add3A_40, %mul3A_41 : i32
      "tpu.region"() ({
        %run_scoped3A = tpu.sem_alloc : memref<!tpu.dma_semaphore, #tpu.memory_space<semaphore_mem>>
        %dma_start3A = tpu.memref_slice %arg2[%mul3A_42] : memref<8388608xi32, #tpu.memory_space<hbm>> -> memref<16384xi32, #tpu.memory_space<hbm>>
        %dma_start3A_55 = tpu.memref_slice %arg2[%mul3A_42] : memref<8388608xi32, #tpu.memory_space<hbm>> -> memref<16384xi32, #tpu.memory_space<hbm>>
        tpu.enqueue_dma source(%dma_start3A_55 : memref<16384xi32, #tpu.memory_space<hbm>>) target(%arg8 : memref<16384xi32, #tpu.memory_space<vmem>>) target_semaphore(%run_scoped3A : memref<!tpu.dma_semaphore, #tpu.memory_space<semaphore_mem>>)
        %dma_wait3A = tpu.memref_slice %arg2[%mul3A_42] : memref<8388608xi32, #tpu.memory_space<hbm>> -> memref<16384xi32, #tpu.memory_space<hbm>>
        %dma_wait3A_56 = tpu.memref_slice %arg2[%mul3A_42] : memref<8388608xi32, #tpu.memory_space<hbm>> -> memref<16384xi32, #tpu.memory_space<hbm>>
        tpu.wait_dma2 semaphore(%run_scoped3A : memref<!tpu.dma_semaphore, #tpu.memory_space<semaphore_mem>>) src(%dma_wait3A_56 : memref<16384xi32, #tpu.memory_space<hbm>>) dst(%arg8 : memref<16384xi32, #tpu.memory_space<vmem>>)
        tpu.yield
      }) : () -> ()
      %scan3A_43 = arith.constant 0 : i32
      %scan3A_44 = arith.constant 0 : i32
      %scan3A_45 = arith.constant 8 : i32
      %scan3A_46 = arith.addi %scan3A_44, %scan3A_45 : i32
      %scan3A_47 = arith.constant 1 : i32
      %scan3A_48 = scf.for %scan3A_55 = %scan3A_44 to %scan3A_46 step %scan3A_47 iter_args(%scan3A_56 = %scan3A_43) -> (i32)  : i32 {
        %mul3A_57 = arith.constant 2 : i32
        %mul3A_58 = arith.muli %mul3A_57, %scan3A_55 : i32
        %add3A_59 = arith.constant 1 : i32
        %add3A_60 = arith.addi %mul3A_58, %add3A_59 : i32
        %mul3A_61 = arith.constant 16 : i32
        %mul3A_62 = arith.muli %scan3A_36, %mul3A_61 : i32
        %add3A_63 = arith.addi %mul3A_62, %mul3A_58 : i32
        %mul3A_64 = arith.constant 32 : i32
        %mul3A_65 = arith.muli %add3A_63, %mul3A_64 : i32
        %mul3A_66 = arith.constant 16 : i32
        %mul3A_67 = arith.muli %scan3A_36, %mul3A_66 : i32
        %add3A_68 = arith.addi %mul3A_67, %add3A_60 : i32
        %mul3A_69 = arith.constant 32 : i32
        %mul3A_70 = arith.muli %add3A_68, %mul3A_69 : i32
        %get3A = arith.index_cast %mul3A_65 : i32 to index
        %get3A_71 = tpu.vector_load %arg7[%get3A] {strides = array<i32>} : memref<8192xi32, #tpu.memory_space<vmem>>, vector<16xi32>,
        %add3A_72 = arith.constant 16 : i32
        %add3A_73 = arith.addi %mul3A_65, %add3A_72 : i32
        %get3A_74 = arith.index_cast %add3A_73 : i32 to index
        %get3A_75 = tpu.vector_load %arg7[%get3A_74] {strides = array<i32>} : memref<8192xi32, #tpu.memory_space<vmem>>, vector<16xi32>,
        %get3A_76 = arith.index_cast %mul3A_70 : i32 to index
        %get3A_77 = tpu.vector_load %arg7[%get3A_76] {strides = array<i32>} : memref<8192xi32, #tpu.memory_space<vmem>>, vector<16xi32>,
        %add3A_78 = arith.constant 16 : i32
        %add3A_79 = arith.addi %mul3A_70, %add3A_78 : i32
        %get3A_80 = arith.index_cast %add3A_79 : i32 to index
        %get3A_81 = tpu.vector_load %arg7[%get3A_80] {strides = array<i32>} : memref<8192xi32, #tpu.memory_space<vmem>>, vector<16xi32>,
        %mul3A_82 = arith.constant 1024 : i32
        %mul3A_83 = arith.muli %mul3A_58, %mul3A_82 : i32
        %mul3A_84 = arith.constant 1024 : i32
        %mul3A_85 = arith.muli %add3A_60, %mul3A_84 : i32
        %add3A_86 = arith.constant 80 : i32
        %add3A_87 = vector.broadcast %add3A_86 : i32 to vector<16xi32>
        %add3A_88 = arith.addi %broadcast_in_dim3A_25, %add3A_87 : vector<16xi32>
        %scan3A_89 = arith.constant 0 : i32
        %scan3A_90 = arith.constant 32 : i32
        %scan3A_91 = arith.addi %scan3A_89, %scan3A_90 : i32
        %scan3A_92 = arith.constant 1 : i32
        %scan3A_93:2 = scf.for %scan3A_152 = %scan3A_89 to %scan3A_91 step %scan3A_92 iter_args(%scan3A_153 = %broadcast_in_dim3A_25, %scan3A_154 = %add3A_88) -> (vector<16xi32>, vector<16xi32>)  : i32 {
          %mul3A_155 = arith.constant 2 : i32
          %mul3A_156 = arith.muli %scan3A_152, %mul3A_155 : i32
          %add3A_157 = arith.constant 0 : i32
          %add3A_158 = arith.addi %mul3A_156, %add3A_157 : i32
          %mul3A_159 = arith.constant 16 : i32
          %mul3A_160 = arith.muli %add3A_158, %mul3A_159 : i32
          %add3A_161 = arith.addi %mul3A_83, %mul3A_160 : i32
          %get3A_162 = arith.index_cast %add3A_161 : i32 to index
          %get3A_163 = tpu.vector_load %arg8[%get3A_162] {strides = array<i32>} : memref<16384xi32, #tpu.memory_space<vmem>>, vector<16xi32>,
          %add3A_164 = arith.addi %mul3A_85, %mul3A_160 : i32
          %get3A_165 = arith.index_cast %add3A_164 : i32 to index
          %get3A_166 = tpu.vector_load %arg8[%get3A_165] {strides = array<i32>} : memref<16384xi32, #tpu.memory_space<vmem>>, vector<16xi32>,
          %le3A = arith.cmpi sle, %get3A_163, %get3A_71 : vector<16xi32>
          %convert_element_type3A = arith.extui %le3A : vector<16xi1> to vector<16xi32>
          %broadcast_in_dim3A_167 = arith.constant true
          %broadcast_in_dim3A_168 = vector.broadcast %broadcast_in_dim3A_167 : i1 to vector<16xi1>
          %masked_cumsum3A = tpu.scan <sum>, %convert_element_type3A masked %broadcast_in_dim3A_168 : vector<16xi32>, vector<16xi1> -> vector<16xi32>
          %add3A_169 = arith.addi %scan3A_153, %masked_cumsum3A : vector<16xi32>
          %sub3A_170 = arith.constant 1 : i32
          %sub3A_171 = vector.broadcast %sub3A_170 : i32 to vector<16xi32>
          %sub3A_172 = arith.subi %add3A_169, %sub3A_171 : vector<16xi32>
          %jit3A_173 = arith.constant 79 : i32
          %broadcast_in_dim3A_174 = vector.broadcast %jit3A_173 : i32 to vector<16xi32>
          %select_n3A_175 = arith.select %le3A, %sub3A_172, %broadcast_in_dim3A_174 : vector<16xi1>, vector<16xi32>
          tpu.vector_store_idx %arg9[%select_n3A_175], %get3A_163 : memref<160xi32, #tpu.memory_space<vmem>>[vector<16xi32>], vector<16xi32>,
          %gather3A = vector.shape_cast %broadcast_in_dim3A_27 : vector<16x1xi32> to vector<16xi32>
          %gather3A_176 = tpu.dynamic_gather %masked_cumsum3A[%gather3A] in [0] : vector<16xi32>, vector<16xi32> -> vector<16xi32>
          %add3A_177 = arith.addi %scan3A_153, %gather3A_176 : vector<16xi32>
          %min3A = arith.constant 64 : i32
          %min3A_178 = vector.broadcast %min3A : i32 to vector<16xi32>
          %min3A_179 = arith.minsi %add3A_177, %min3A_178 : vector<16xi32>
          %le3A_180 = arith.cmpi sle, %get3A_166, %get3A_77 : vector<16xi32>
          %convert_element_type3A_181 = arith.extui %le3A_180 : vector<16xi1> to vector<16xi32>
          %broadcast_in_dim3A_182 = arith.constant true
          %broadcast_in_dim3A_183 = vector.broadcast %broadcast_in_dim3A_182 : i1 to vector<16xi1>
          %masked_cumsum3A_184 = tpu.scan <sum>, %convert_element_type3A_181 masked %broadcast_in_dim3A_183 : vector<16xi32>, vector<16xi1> -> vector<16xi32>
          %add3A_185 = arith.addi %scan3A_154, %masked_cumsum3A_184 : vector<16xi32>
          %sub3A_186 = arith.constant 1 : i32
          %sub3A_187 = vector.broadcast %sub3A_186 : i32 to vector<16xi32>
          %sub3A_188 = arith.subi %add3A_185, %sub3A_187 : vector<16xi32>
          %jit3A_189 = arith.constant 159 : i32
          %broadcast_in_dim3A_190 = vector.broadcast %jit3A_189 : i32 to vector<16xi32>
          %select_n3A_191 = arith.select %le3A_180, %sub3A_188, %broadcast_in_dim3A_190 : vector<16xi1>, vector<16xi32>
          tpu.vector_store_idx %arg9[%select_n3A_191], %get3A_166 : memref<160xi32, #tpu.memory_space<vmem>>[vector<16xi32>], vector<16xi32>,
          %gather3A_192 = vector.shape_cast %broadcast_in_dim3A_27 : vector<16x1xi32> to vector<16xi32>
          %gather3A_193 = tpu.dynamic_gather %masked_cumsum3A_184[%gather3A_192] in [0] : vector<16xi32>, vector<16xi32> -> vector<16xi32>
          %add3A_194 = arith.addi %scan3A_154, %gather3A_193 : vector<16xi32>
          %min3A_195 = arith.constant 144 : i32
          %min3A_196 = vector.broadcast %min3A_195 : i32 to vector<16xi32>
          %min3A_197 = arith.minsi %add3A_194, %min3A_196 : vector<16xi32>
          %mul3A_198 = arith.constant 2 : i32
          %mul3A_199 = arith.muli %scan3A_152, %mul3A_198 : i32
          %add3A_200 = arith.constant 1 : i32
          %add3A_201 = arith.addi %mul3A_199, %add3A_200 : i32
          %mul3A_202 = arith.constant 16 : i32
          %mul3A_203 = arith.muli %add3A_201, %mul3A_202 : i32
          %add3A_204 = arith.addi %mul3A_83, %mul3A_203 : i32
          %get3A_205 = arith.index_cast %add3A_204 : i32 to index
          %get3A_206 = tpu.vector_load %arg8[%get3A_205] {strides = array<i32>} : memref<16384xi32, #tpu.memory_space<vmem>>, vector<16xi32>,
          %add3A_207 = arith.addi %mul3A_85, %mul3A_203 : i32
          %get3A_208 = arith.index_cast %add3A_207 : i32 to index
          %get3A_209 = tpu.vector_load %arg8[%get3A_208] {strides = array<i32>} : memref<16384xi32, #tpu.memory_space<vmem>>, vector<16xi32>,
          %le3A_210 = arith.cmpi sle, %get3A_206, %get3A_71 : vector<16xi32>
          %convert_element_type3A_211 = arith.extui %le3A_210 : vector<16xi1> to vector<16xi32>
          %broadcast_in_dim3A_212 = arith.constant true
          %broadcast_in_dim3A_213 = vector.broadcast %broadcast_in_dim3A_212 : i1 to vector<16xi1>
          %masked_cumsum3A_214 = tpu.scan <sum>, %convert_element_type3A_211 masked %broadcast_in_dim3A_213 : vector<16xi32>, vector<16xi1> -> vector<16xi32>
          %add3A_215 = arith.addi %min3A_179, %masked_cumsum3A_214 : vector<16xi32>
          %sub3A_216 = arith.constant 1 : i32
          %sub3A_217 = vector.broadcast %sub3A_216 : i32 to vector<16xi32>
          %sub3A_218 = arith.subi %add3A_215, %sub3A_217 : vector<16xi32>
          %jit3A_219 = arith.constant 79 : i32
          %broadcast_in_dim3A_220 = vector.broadcast %jit3A_219 : i32 to vector<16xi32>
          %select_n3A_221 = arith.select %le3A_210, %sub3A_218, %broadcast_in_dim3A_220 : vector<16xi1>, vector<16xi32>
          tpu.vector_store_idx %arg9[%select_n3A_221], %get3A_206 : memref<160xi32, #tpu.memory_space<vmem>>[vector<16xi32>], vector<16xi32>,
          %gather3A_222 = vector.shape_cast %broadcast_in_dim3A_27 : vector<16x1xi32> to vector<16xi32>
          %gather3A_223 = tpu.dynamic_gather %masked_cumsum3A_214[%gather3A_222] in [0] : vector<16xi32>, vector<16xi32> -> vector<16xi32>
          %add3A_224 = arith.addi %min3A_179, %gather3A_223 : vector<16xi32>
          %min3A_225 = arith.constant 64 : i32
          %min3A_226 = vector.broadcast %min3A_225 : i32 to vector<16xi32>
          %min3A_227 = arith.minsi %add3A_224, %min3A_226 : vector<16xi32>
          %le3A_228 = arith.cmpi sle, %get3A_209, %get3A_77 : vector<16xi32>
          %convert_element_type3A_229 = arith.extui %le3A_228 : vector<16xi1> to vector<16xi32>
          %broadcast_in_dim3A_230 = arith.constant true
          %broadcast_in_dim3A_231 = vector.broadcast %broadcast_in_dim3A_230 : i1 to vector<16xi1>
          %masked_cumsum3A_232 = tpu.scan <sum>, %convert_element_type3A_229 masked %broadcast_in_dim3A_231 : vector<16xi32>, vector<16xi1> -> vector<16xi32>
          %add3A_233 = arith.addi %min3A_197, %masked_cumsum3A_232 : vector<16xi32>
          %sub3A_234 = arith.constant 1 : i32
          %sub3A_235 = vector.broadcast %sub3A_234 : i32 to vector<16xi32>
          %sub3A_236 = arith.subi %add3A_233, %sub3A_235 : vector<16xi32>
          %jit3A_237 = arith.constant 159 : i32
          %broadcast_in_dim3A_238 = vector.broadcast %jit3A_237 : i32 to vector<16xi32>
          %select_n3A_239 = arith.select %le3A_228, %sub3A_236, %broadcast_in_dim3A_238 : vector<16xi1>, vector<16xi32>
          tpu.vector_store_idx %arg9[%select_n3A_239], %get3A_209 : memref<160xi32, #tpu.memory_space<vmem>>[vector<16xi32>], vector<16xi32>,
          %gather3A_240 = vector.shape_cast %broadcast_in_dim3A_27 : vector<16x1xi32> to vector<16xi32>
          %gather3A_241 = tpu.dynamic_gather %masked_cumsum3A_232[%gather3A_240] in [0] : vector<16xi32>, vector<16xi32> -> vector<16xi32>
          %add3A_242 = arith.addi %min3A_197, %gather3A_241 : vector<16xi32>
          %min3A_243 = arith.constant 144 : i32
          %min3A_244 = vector.broadcast %min3A_243 : i32 to vector<16xi32>
          %min3A_245 = arith.minsi %add3A_242, %min3A_244 : vector<16xi32>
          scf.yield %min3A_227, %min3A_245 : vector<16xi32>, vector<16xi32>
        }
        %scan3A_94 = arith.constant 32 : i32
        %broadcast_in_dim3A_95 = vector.broadcast %scan3A : f32 to vector<16xf32>
        %broadcast_in_dim3A_96 = arith.constant 0.000000e+00 : f32
        %broadcast_in_dim3A_97 = vector.broadcast %broadcast_in_dim3A_96 : f32 to vector<16xf32>
        %scan3A_98 = arith.constant 0 : i32
        %scan3A_99 = arith.constant 16 : i32
        %scan3A_100 = arith.addi %scan3A_98, %scan3A_99 : i32
        %scan3A_101 = arith.constant 1 : i32
        %scan3A_102:8 = scf.for %scan3A_152 = %scan3A_98 to %scan3A_100 step %scan3A_101 iter_args(%scan3A_153 = %broadcast_in_dim3A_95, %scan3A_154 = %broadcast_in_dim3A_95, %scan3A_155 = %broadcast_in_dim3A_97, %scan3A_156 = %broadcast_in_dim3A_97, %scan3A_157 = %broadcast_in_dim3A_95, %scan3A_158 = %broadcast_in_dim3A_95, %scan3A_159 = %broadcast_in_dim3A_97, %scan3A_160 = %broadcast_in_dim3A_97) -> (vector<16xf32>, vector<16xf32>, vector<16xf32>, vector<16xf32>, vector<16xf32>, vector<16xf32>, vector<16xf32>, vector<16xf32>)  : i32 {
          %mul3A_161 = arith.constant 3 : i32
          %mul3A_162 = arith.muli %scan3A_152, %mul3A_161 : i32
          %add3A_163 = arith.constant 0 : i32
          %add3A_164 = arith.addi %mul3A_162, %add3A_163 : i32
          %add3A_165 = vector.broadcast %add3A_164 : i32 to vector<16xi32>
          %add3A_166 = arith.addi %broadcast_in_dim3A_25, %add3A_165 : vector<16xi32>
          %gather3A = tpu.vector_load_idx %arg9[%add3A_166] : memref<160xi32, #tpu.memory_space<vmem>>[vector<16xi32>], vector<16xi32>,
          %and3A_167 = vector.broadcast %scan3A_28 : i32 to vector<16xi32>
          %and3A_168 = arith.andi %gather3A, %and3A_167 : vector<16xi32>
          %bitcast3A = vector.bitcast %and3A_168 : vector<16xi32> to vector<16xf32>
          %mul3A_169 = arith.constant -1.000000e+01 : f32
          %mul3A_170 = vector.broadcast %mul3A_169 : f32 to vector<16xf32>
          %mul3A_171 = arith.mulf %mul3A_170, %bitcast3A : vector<16xf32>
          %exp3A = math.exp %mul3A_171 : vector<16xf32>
          %eq3A = arith.cmpi eq, %gather3A, %get3A_75 : vector<16xi32>
          %ge3A = arith.cmpi sge, %add3A_166, %scan3A_93#0 : vector<16xi32>
          %or3A = arith.ori %eq3A, %ge3A : vector<16xi1>
          %jit3A_172 = arith.constant 0.000000e+00 : f32
          %broadcast_in_dim3A_173 = vector.broadcast %jit3A_172 : f32 to vector<16xf32>
          %select_n3A_174 = arith.select %or3A, %broadcast_in_dim3A_173, %exp3A : vector<16xi1>, vector<16xf32>
          %jit3A_175 = arith.constant 0.000000e+00 : f32
          %broadcast_in_dim3A_176 = vector.broadcast %scan3A : f32 to vector<16xf32>
          %broadcast_in_dim3A_177 = vector.broadcast %jit3A_175 : f32 to vector<16xf32>
          %select_n3A_178 = arith.select %or3A, %broadcast_in_dim3A_176, %broadcast_in_dim3A_177 : vector<16xi1>, vector<16xf32>
          %and3A_179 = arith.constant 1023 : i32
          %and3A_180 = vector.broadcast %and3A_179 : i32 to vector<16xi32>
          %and3A_181 = arith.andi %gather3A, %and3A_180 : vector<16xi32>
          %mul3A_182 = arith.constant 32 : i32
          %mul3A_183 = vector.broadcast %mul3A_182 : i32 to vector<16xi32>
          %mul3A_184 = arith.muli %and3A_181, %mul3A_183 : vector<16xi32>
          %add3A_185 = arith.addi %mul3A_184, %iota3A : vector<16xi32>
          %gather3A_186 = tpu.vector_load_idx %arg6[%add3A_185] : memref<32768xf32, #tpu.memory_space<vmem>>[vector<16xi32>], vector<16xf32>,
          %add3A_187 = arith.constant 16 : i32
          %add3A_188 = vector.broadcast %add3A_187 : i32 to vector<16xi32>
          %add3A_189 = arith.addi %mul3A_184, %add3A_188 : vector<16xi32>
          %add3A_190 = arith.addi %add3A_189, %iota3A : vector<16xi32>
          %gather3A_191 = tpu.vector_load_idx %arg6[%add3A_190] : memref<32768xf32, #tpu.memory_space<vmem>>[vector<16xi32>], vector<16xf32>,
          %mul3A_192 = arith.mulf %select_n3A_174, %gather3A_186 : vector<16xf32>
          %mul3A_193 = arith.mulf %select_n3A_174, %gather3A_191 : vector<16xf32>
          %add3A_194 = arith.addf %mul3A_192, %select_n3A_178 : vector<16xf32>
          %max3A = arith.maximumf %scan3A_153, %add3A_194 : vector<16xf32>
          %add3A_195 = arith.addf %mul3A_193, %select_n3A_178 : vector<16xf32>
          %max3A_196 = arith.maximumf %scan3A_154, %add3A_195 : vector<16xf32>
          %add3A_197 = arith.addf %scan3A_155, %mul3A_192 : vector<16xf32>
          %add3A_198 = arith.addf %scan3A_156, %mul3A_193 : vector<16xf32>
          %add3A_199 = arith.constant 80 : i32
          %add3A_200 = arith.addi %add3A_199, %add3A_164 : i32
          %add3A_201 = vector.broadcast %add3A_200 : i32 to vector<16xi32>
          %add3A_202 = arith.addi %broadcast_in_dim3A_25, %add3A_201 : vector<16xi32>
          %gather3A_203 = tpu.vector_load_idx %arg9[%add3A_202] : memref<160xi32, #tpu.memory_space<vmem>>[vector<16xi32>], vector<16xi32>,
          %and3A_204 = vector.broadcast %scan3A_28 : i32 to vector<16xi32>
          %and3A_205 = arith.andi %gather3A_203, %and3A_204 : vector<16xi32>
          %bitcast3A_206 = vector.bitcast %and3A_205 : vector<16xi32> to vector<16xf32>
          %mul3A_207 = arith.constant -1.000000e+01 : f32
          %mul3A_208 = vector.broadcast %mul3A_207 : f32 to vector<16xf32>
          %mul3A_209 = arith.mulf %mul3A_208, %bitcast3A_206 : vector<16xf32>
          %exp3A_210 = math.exp %mul3A_209 : vector<16xf32>
          %eq3A_211 = arith.cmpi eq, %gather3A_203, %get3A_81 : vector<16xi32>
          %ge3A_212 = arith.cmpi sge, %add3A_202, %scan3A_93#1 : vector<16xi32>
          %or3A_213 = arith.ori %eq3A_211, %ge3A_212 : vector<16xi1>
          %jit3A_214 = arith.constant 0.000000e+00 : f32
          %broadcast_in_dim3A_215 = vector.broadcast %jit3A_214 : f32 to vector<16xf32>
          %select_n3A_216 = arith.select %or3A_213, %broadcast_in_dim3A_215, %exp3A_210 : vector<16xi1>, vector<16xf32>
          %jit3A_217 = arith.constant 0.000000e+00 : f32
          %broadcast_in_dim3A_218 = vector.broadcast %scan3A : f32 to vector<16xf32>
          %broadcast_in_dim3A_219 = vector.broadcast %jit3A_217 : f32 to vector<16xf32>
          %select_n3A_220 = arith.select %or3A_213, %broadcast_in_dim3A_218, %broadcast_in_dim3A_219 : vector<16xi1>, vector<16xf32>
          %and3A_221 = arith.constant 1023 : i32
          %and3A_222 = vector.broadcast %and3A_221 : i32 to vector<16xi32>
          %and3A_223 = arith.andi %gather3A_203, %and3A_222 : vector<16xi32>
          %mul3A_224 = arith.constant 32 : i32
          %mul3A_225 = vector.broadcast %mul3A_224 : i32 to vector<16xi32>
          %mul3A_226 = arith.muli %and3A_223, %mul3A_225 : vector<16xi32>
          %add3A_227 = arith.addi %mul3A_226, %iota3A : vector<16xi32>
          %gather3A_228 = tpu.vector_load_idx %arg6[%add3A_227] : memref<32768xf32, #tpu.memory_space<vmem>>[vector<16xi32>], vector<16xf32>,
          %add3A_229 = arith.constant 16 : i32
          %add3A_230 = vector.broadcast %add3A_229 : i32 to vector<16xi32>
          %add3A_231 = arith.addi %mul3A_226, %add3A_230 : vector<16xi32>
          %add3A_232 = arith.addi %add3A_231, %iota3A : vector<16xi32>
          %gather3A_233 = tpu.vector_load_idx %arg6[%add3A_232] : memref<32768xf32, #tpu.memory_space<vmem>>[vector<16xi32>], vector<16xf32>,
          %mul3A_234 = arith.mulf %select_n3A_216, %gather3A_228 : vector<16xf32>
          %mul3A_235 = arith.mulf %select_n3A_216, %gather3A_233 : vector<16xf32>
          %add3A_236 = arith.addf %mul3A_234, %select_n3A_220 : vector<16xf32>
          %max3A_237 = arith.maximumf %scan3A_157, %add3A_236 : vector<16xf32>
          %add3A_238 = arith.addf %mul3A_235, %select_n3A_220 : vector<16xf32>
          %max3A_239 = arith.maximumf %scan3A_158, %add3A_238 : vector<16xf32>
          %add3A_240 = arith.addf %scan3A_159, %mul3A_234 : vector<16xf32>
          %add3A_241 = arith.addf %scan3A_160, %mul3A_235 : vector<16xf32>
          %mul3A_242 = arith.constant 3 : i32
          %mul3A_243 = arith.muli %scan3A_152, %mul3A_242 : i32
          %add3A_244 = arith.constant 1 : i32
          %add3A_245 = arith.addi %mul3A_243, %add3A_244 : i32
          %add3A_246 = vector.broadcast %add3A_245 : i32 to vector<16xi32>
          %add3A_247 = arith.addi %broadcast_in_dim3A_25, %add3A_246 : vector<16xi32>
          %gather3A_248 = tpu.vector_load_idx %arg9[%add3A_247] : memref<160xi32, #tpu.memory_space<vmem>>[vector<16xi32>], vector<16xi32>,
          %and3A_249 = vector.broadcast %scan3A_28 : i32 to vector<16xi32>
          %and3A_250 = arith.andi %gather3A_248, %and3A_249 : vector<16xi32>
          %bitcast3A_251 = vector.bitcast %and3A_250 : vector<16xi32> to vector<16xf32>
          %mul3A_252 = arith.constant -1.000000e+01 : f32
          %mul3A_253 = vector.broadcast %mul3A_252 : f32 to vector<16xf32>
          %mul3A_254 = arith.mulf %mul3A_253, %bitcast3A_251 : vector<16xf32>
          %exp3A_255 = math.exp %mul3A_254 : vector<16xf32>
          %eq3A_256 = arith.cmpi eq, %gather3A_248, %get3A_75 : vector<16xi32>
          %ge3A_257 = arith.cmpi sge, %add3A_247, %scan3A_93#0 : vector<16xi32>
          %or3A_258 = arith.ori %eq3A_256, %ge3A_257 : vector<16xi1>
          %jit3A_259 = arith.constant 0.000000e+00 : f32
          %broadcast_in_dim3A_260 = vector.broadcast %jit3A_259 : f32 to vector<16xf32>
          %select_n3A_261 = arith.select %or3A_258, %broadcast_in_dim3A_260, %exp3A_255 : vector<16xi1>, vector<16xf32>
          %jit3A_262 = arith.constant 0.000000e+00 : f32
          %broadcast_in_dim3A_263 = vector.broadcast %scan3A : f32 to vector<16xf32>
          %broadcast_in_dim3A_264 = vector.broadcast %jit3A_262 : f32 to vector<16xf32>
          %select_n3A_265 = arith.select %or3A_258, %broadcast_in_dim3A_263, %broadcast_in_dim3A_264 : vector<16xi1>, vector<16xf32>
          %and3A_266 = arith.constant 1023 : i32
          %and3A_267 = vector.broadcast %and3A_266 : i32 to vector<16xi32>
          %and3A_268 = arith.andi %gather3A_248, %and3A_267 : vector<16xi32>
          %mul3A_269 = arith.constant 32 : i32
          %mul3A_270 = vector.broadcast %mul3A_269 : i32 to vector<16xi32>
          %mul3A_271 = arith.muli %and3A_268, %mul3A_270 : vector<16xi32>
          %add3A_272 = arith.addi %mul3A_271, %iota3A : vector<16xi32>
          %gather3A_273 = tpu.vector_load_idx %arg6[%add3A_272] : memref<32768xf32, #tpu.memory_space<vmem>>[vector<16xi32>], vector<16xf32>,
          %add3A_274 = arith.constant 16 : i32
          %add3A_275 = vector.broadcast %add3A_274 : i32 to vector<16xi32>
          %add3A_276 = arith.addi %mul3A_271, %add3A_275 : vector<16xi32>
          %add3A_277 = arith.addi %add3A_276, %iota3A : vector<16xi32>
          %gather3A_278 = tpu.vector_load_idx %arg6[%add3A_277] : memref<32768xf32, #tpu.memory_space<vmem>>[vector<16xi32>], vector<16xf32>,
          %mul3A_279 = arith.mulf %select_n3A_261, %gather3A_273 : vector<16xf32>
          %mul3A_280 = arith.mulf %select_n3A_261, %gather3A_278 : vector<16xf32>
          %add3A_281 = arith.addf %mul3A_279, %select_n3A_265 : vector<16xf32>
          %max3A_282 = arith.maximumf %max3A, %add3A_281 : vector<16xf32>
          %add3A_283 = arith.addf %mul3A_280, %select_n3A_265 : vector<16xf32>
          %max3A_284 = arith.maximumf %max3A_196, %add3A_283 : vector<16xf32>
          %add3A_285 = arith.addf %add3A_197, %mul3A_279 : vector<16xf32>
          %add3A_286 = arith.addf %add3A_198, %mul3A_280 : vector<16xf32>
          %add3A_287 = arith.constant 80 : i32
          %add3A_288 = arith.addi %add3A_287, %add3A_245 : i32
          %add3A_289 = vector.broadcast %add3A_288 : i32 to vector<16xi32>
          %add3A_290 = arith.addi %broadcast_in_dim3A_25, %add3A_289 : vector<16xi32>
          %gather3A_291 = tpu.vector_load_idx %arg9[%add3A_290] : memref<160xi32, #tpu.memory_space<vmem>>[vector<16xi32>], vector<16xi32>,
          %and3A_292 = vector.broadcast %scan3A_28 : i32 to vector<16xi32>
          %and3A_293 = arith.andi %gather3A_291, %and3A_292 : vector<16xi32>
          %bitcast3A_294 = vector.bitcast %and3A_293 : vector<16xi32> to vector<16xf32>
          %mul3A_295 = arith.constant -1.000000e+01 : f32
          %mul3A_296 = vector.broadcast %mul3A_295 : f32 to vector<16xf32>
          %mul3A_297 = arith.mulf %mul3A_296, %bitcast3A_294 : vector<16xf32>
          %exp3A_298 = math.exp %mul3A_297 : vector<16xf32>
          %eq3A_299 = arith.cmpi eq, %gather3A_291, %get3A_81 : vector<16xi32>
          %ge3A_300 = arith.cmpi sge, %add3A_290, %scan3A_93#1 : vector<16xi32>
          %or3A_301 = arith.ori %eq3A_299, %ge3A_300 : vector<16xi1>
          %jit3A_302 = arith.constant 0.000000e+00 : f32
          %broadcast_in_dim3A_303 = vector.broadcast %jit3A_302 : f32 to vector<16xf32>
          %select_n3A_304 = arith.select %or3A_301, %broadcast_in_dim3A_303, %exp3A_298 : vector<16xi1>, vector<16xf32>
          %jit3A_305 = arith.constant 0.000000e+00 : f32
          %broadcast_in_dim3A_306 = vector.broadcast %scan3A : f32 to vector<16xf32>
          %broadcast_in_dim3A_307 = vector.broadcast %jit3A_305 : f32 to vector<16xf32>
          %select_n3A_308 = arith.select %or3A_301, %broadcast_in_dim3A_306, %broadcast_in_dim3A_307 : vector<16xi1>, vector<16xf32>
          %and3A_309 = arith.constant 1023 : i32
          %and3A_310 = vector.broadcast %and3A_309 : i32 to vector<16xi32>
          %and3A_311 = arith.andi %gather3A_291, %and3A_310 : vector<16xi32>
          %mul3A_312 = arith.constant 32 : i32
          %mul3A_313 = vector.broadcast %mul3A_312 : i32 to vector<16xi32>
          %mul3A_314 = arith.muli %and3A_311, %mul3A_313 : vector<16xi32>
          %add3A_315 = arith.addi %mul3A_314, %iota3A : vector<16xi32>
          %gather3A_316 = tpu.vector_load_idx %arg6[%add3A_315] : memref<32768xf32, #tpu.memory_space<vmem>>[vector<16xi32>], vector<16xf32>,
          %add3A_317 = arith.constant 16 : i32
          %add3A_318 = vector.broadcast %add3A_317 : i32 to vector<16xi32>
          %add3A_319 = arith.addi %mul3A_314, %add3A_318 : vector<16xi32>
          %add3A_320 = arith.addi %add3A_319, %iota3A : vector<16xi32>
          %gather3A_321 = tpu.vector_load_idx %arg6[%add3A_320] : memref<32768xf32, #tpu.memory_space<vmem>>[vector<16xi32>], vector<16xf32>,
          %mul3A_322 = arith.mulf %select_n3A_304, %gather3A_316 : vector<16xf32>
          %mul3A_323 = arith.mulf %select_n3A_304, %gather3A_321 : vector<16xf32>
          %add3A_324 = arith.addf %mul3A_322, %select_n3A_308 : vector<16xf32>
          %max3A_325 = arith.maximumf %max3A_237, %add3A_324 : vector<16xf32>
          %add3A_326 = arith.addf %mul3A_323, %select_n3A_308 : vector<16xf32>
          %max3A_327 = arith.maximumf %max3A_239, %add3A_326 : vector<16xf32>
          %add3A_328 = arith.addf %add3A_240, %mul3A_322 : vector<16xf32>
          %add3A_329 = arith.addf %add3A_241, %mul3A_323 : vector<16xf32>
          %mul3A_330 = arith.constant 3 : i32
          %mul3A_331 = arith.muli %scan3A_152, %mul3A_330 : i32
          %add3A_332 = arith.constant 2 : i32
          %add3A_333 = arith.addi %mul3A_331, %add3A_332 : i32
          %add3A_334 = vector.broadcast %add3A_333 : i32 to vector<16xi32>
          %add3A_335 = arith.addi %broadcast_in_dim3A_25, %add3A_334 : vector<16xi32>
          %gather3A_336 = tpu.vector_load_idx %arg9[%add3A_335] : memref<160xi32, #tpu.memory_space<vmem>>[vector<16xi32>], vector<16xi32>,
          %and3A_337 = vector.broadcast %scan3A_28 : i32 to vector<16xi32>
          %and3A_338 = arith.andi %gather3A_336, %and3A_337 : vector<16xi32>
          %bitcast3A_339 = vector.bitcast %and3A_338 : vector<16xi32> to vector<16xf32>
          %mul3A_340 = arith.constant -1.000000e+01 : f32
          %mul3A_341 = vector.broadcast %mul3A_340 : f32 to vector<16xf32>
          %mul3A_342 = arith.mulf %mul3A_341, %bitcast3A_339 : vector<16xf32>
          %exp3A_343 = math.exp %mul3A_342 : vector<16xf32>
          %eq3A_344 = arith.cmpi eq, %gather3A_336, %get3A_75 : vector<16xi32>
          %ge3A_345 = arith.cmpi sge, %add3A_335, %scan3A_93#0 : vector<16xi32>
          %or3A_346 = arith.ori %eq3A_344, %ge3A_345 : vector<16xi1>
          %jit3A_347 = arith.constant 0.000000e+00 : f32
          %broadcast_in_dim3A_348 = vector.broadcast %jit3A_347 : f32 to vector<16xf32>
          %select_n3A_349 = arith.select %or3A_346, %broadcast_in_dim3A_348, %exp3A_343 : vector<16xi1>, vector<16xf32>
          %jit3A_350 = arith.constant 0.000000e+00 : f32
          %broadcast_in_dim3A_351 = vector.broadcast %scan3A : f32 to vector<16xf32>
          %broadcast_in_dim3A_352 = vector.broadcast %jit3A_350 : f32 to vector<16xf32>
          %select_n3A_353 = arith.select %or3A_346, %broadcast_in_dim3A_351, %broadcast_in_dim3A_352 : vector<16xi1>, vector<16xf32>
          %and3A_354 = arith.constant 1023 : i32
          %and3A_355 = vector.broadcast %and3A_354 : i32 to vector<16xi32>
          %and3A_356 = arith.andi %gather3A_336, %and3A_355 : vector<16xi32>
          %mul3A_357 = arith.constant 32 : i32
          %mul3A_358 = vector.broadcast %mul3A_357 : i32 to vector<16xi32>
          %mul3A_359 = arith.muli %and3A_356, %mul3A_358 : vector<16xi32>
          %add3A_360 = arith.addi %mul3A_359, %iota3A : vector<16xi32>
          %gather3A_361 = tpu.vector_load_idx %arg6[%add3A_360] : memref<32768xf32, #tpu.memory_space<vmem>>[vector<16xi32>], vector<16xf32>,
          %add3A_362 = arith.constant 16 : i32
          %add3A_363 = vector.broadcast %add3A_362 : i32 to vector<16xi32>
          %add3A_364 = arith.addi %mul3A_359, %add3A_363 : vector<16xi32>
          %add3A_365 = arith.addi %add3A_364, %iota3A : vector<16xi32>
          %gather3A_366 = tpu.vector_load_idx %arg6[%add3A_365] : memref<32768xf32, #tpu.memory_space<vmem>>[vector<16xi32>], vector<16xf32>,
          %mul3A_367 = arith.mulf %select_n3A_349, %gather3A_361 : vector<16xf32>
          %mul3A_368 = arith.mulf %select_n3A_349, %gather3A_366 : vector<16xf32>
          %add3A_369 = arith.addf %mul3A_367, %select_n3A_353 : vector<16xf32>
          %max3A_370 = arith.maximumf %max3A_282, %add3A_369 : vector<16xf32>
          %add3A_371 = arith.addf %mul3A_368, %select_n3A_353 : vector<16xf32>
          %max3A_372 = arith.maximumf %max3A_284, %add3A_371 : vector<16xf32>
          %add3A_373 = arith.addf %add3A_285, %mul3A_367 : vector<16xf32>
          %add3A_374 = arith.addf %add3A_286, %mul3A_368 : vector<16xf32>
          %add3A_375 = arith.constant 80 : i32
          %add3A_376 = arith.addi %add3A_375, %add3A_333 : i32
          %add3A_377 = vector.broadcast %add3A_376 : i32 to vector<16xi32>
          %add3A_378 = arith.addi %broadcast_in_dim3A_25, %add3A_377 : vector<16xi32>
          %gather3A_379 = tpu.vector_load_idx %arg9[%add3A_378] : memref<160xi32, #tpu.memory_space<vmem>>[vector<16xi32>], vector<16xi32>,
          %and3A_380 = vector.broadcast %scan3A_28 : i32 to vector<16xi32>
          %and3A_381 = arith.andi %gather3A_379, %and3A_380 : vector<16xi32>
          %bitcast3A_382 = vector.bitcast %and3A_381 : vector<16xi32> to vector<16xf32>
          %mul3A_383 = arith.constant -1.000000e+01 : f32
          %mul3A_384 = vector.broadcast %mul3A_383 : f32 to vector<16xf32>
          %mul3A_385 = arith.mulf %mul3A_384, %bitcast3A_382 : vector<16xf32>
          %exp3A_386 = math.exp %mul3A_385 : vector<16xf32>
          %eq3A_387 = arith.cmpi eq, %gather3A_379, %get3A_81 : vector<16xi32>
          %ge3A_388 = arith.cmpi sge, %add3A_378, %scan3A_93#1 : vector<16xi32>
          %or3A_389 = arith.ori %eq3A_387, %ge3A_388 : vector<16xi1>
          %jit3A_390 = arith.constant 0.000000e+00 : f32
          %broadcast_in_dim3A_391 = vector.broadcast %jit3A_390 : f32 to vector<16xf32>
          %select_n3A_392 = arith.select %or3A_389, %broadcast_in_dim3A_391, %exp3A_386 : vector<16xi1>, vector<16xf32>
          %jit3A_393 = arith.constant 0.000000e+00 : f32
          %broadcast_in_dim3A_394 = vector.broadcast %scan3A : f32 to vector<16xf32>
          %broadcast_in_dim3A_395 = vector.broadcast %jit3A_393 : f32 to vector<16xf32>
          %select_n3A_396 = arith.select %or3A_389, %broadcast_in_dim3A_394, %broadcast_in_dim3A_395 : vector<16xi1>, vector<16xf32>
          %and3A_397 = arith.constant 1023 : i32
          %and3A_398 = vector.broadcast %and3A_397 : i32 to vector<16xi32>
          %and3A_399 = arith.andi %gather3A_379, %and3A_398 : vector<16xi32>
          %mul3A_400 = arith.constant 32 : i32
          %mul3A_401 = vector.broadcast %mul3A_400 : i32 to vector<16xi32>
          %mul3A_402 = arith.muli %and3A_399, %mul3A_401 : vector<16xi32>
          %add3A_403 = arith.addi %mul3A_402, %iota3A : vector<16xi32>
          %gather3A_404 = tpu.vector_load_idx %arg6[%add3A_403] : memref<32768xf32, #tpu.memory_space<vmem>>[vector<16xi32>], vector<16xf32>,
          %add3A_405 = arith.constant 16 : i32
          %add3A_406 = vector.broadcast %add3A_405 : i32 to vector<16xi32>
          %add3A_407 = arith.addi %mul3A_402, %add3A_406 : vector<16xi32>
          %add3A_408 = arith.addi %add3A_407, %iota3A : vector<16xi32>
          %gather3A_409 = tpu.vector_load_idx %arg6[%add3A_408] : memref<32768xf32, #tpu.memory_space<vmem>>[vector<16xi32>], vector<16xf32>,
          %mul3A_410 = arith.mulf %select_n3A_392, %gather3A_404 : vector<16xf32>
          %mul3A_411 = arith.mulf %select_n3A_392, %gather3A_409 : vector<16xf32>
          %add3A_412 = arith.addf %mul3A_410, %select_n3A_396 : vector<16xf32>
          %max3A_413 = arith.maximumf %max3A_325, %add3A_412 : vector<16xf32>
          %add3A_414 = arith.addf %mul3A_411, %select_n3A_396 : vector<16xf32>
          %max3A_415 = arith.maximumf %max3A_327, %add3A_414 : vector<16xf32>
          %add3A_416 = arith.addf %add3A_328, %mul3A_410 : vector<16xf32>
          %add3A_417 = arith.addf %add3A_329, %mul3A_411 : vector<16xf32>
          scf.yield %max3A_370, %max3A_372, %add3A_373, %add3A_374, %max3A_413, %max3A_415, %add3A_416, %add3A_417 : vector<16xf32>, vector<16xf32>, vector<16xf32>, vector<16xf32>, vector<16xf32>, vector<16xf32>, vector<16xf32>, vector<16xf32>
        }
        %scan3A_103 = arith.constant 16 : i32
        %mul3A_104 = arith.constant 4 : i32
        %mul3A_105 = arith.muli %mul3A_58, %mul3A_104 : i32
        %mul3A_106 = arith.constant 16 : i32
        %mul3A_107 = arith.muli %mul3A_105, %mul3A_106 : i32
        %swap3A = arith.index_cast %mul3A_107 : i32 to index
        %swap3A_108 = tpu.vector_load %arg10[%swap3A] {strides = array<i32>} : memref<1024xf32, #tpu.memory_space<vmem>>, vector<16xf32>,
        tpu.vector_store %arg10[%swap3A], %scan3A_102#0 {strides = array<i32>} : memref<1024xf32, #tpu.memory_space<vmem>>, vector<16xf32>,
        %add3A_109 = arith.constant 16 : i32
        %add3A_110 = arith.addi %mul3A_107, %add3A_109 : i32
        %swap3A_111 = arith.index_cast %add3A_110 : i32 to index
        %swap3A_112 = tpu.vector_load %arg10[%swap3A_111] {strides = array<i32>} : memref<1024xf32, #tpu.memory_space<vmem>>, vector<16xf32>,
        tpu.vector_store %arg10[%swap3A_111], %scan3A_102#1 {strides = array<i32>} : memref<1024xf32, #tpu.memory_space<vmem>>, vector<16xf32>,
        %mul3A_113 = arith.constant 2.500000e-02 : f32
        %mul3A_114 = vector.broadcast %mul3A_113 : f32 to vector<16xf32>
        %mul3A_115 = arith.mulf %scan3A_102#2, %mul3A_114 : vector<16xf32>
        %add3A_116 = arith.constant 32 : i32
        %add3A_117 = arith.addi %mul3A_107, %add3A_116 : i32
        %swap3A_118 = arith.index_cast %add3A_117 : i32 to index
        %swap3A_119 = tpu.vector_load %arg10[%swap3A_118] {strides = array<i32>} : memref<1024xf32, #tpu.memory_space<vmem>>, vector<16xf32>,
        tpu.vector_store %arg10[%swap3A_118], %mul3A_115 {strides = array<i32>} : memref<1024xf32, #tpu.memory_space<vmem>>, vector<16xf32>,
        %mul3A_120 = arith.constant 2.500000e-02 : f32
        %mul3A_121 = vector.broadcast %mul3A_120 : f32 to vector<16xf32>
        %mul3A_122 = arith.mulf %scan3A_102#3, %mul3A_121 : vector<16xf32>
        %add3A_123 = arith.constant 48 : i32
        %add3A_124 = arith.addi %mul3A_107, %add3A_123 : i32
        %swap3A_125 = arith.index_cast %add3A_124 : i32 to index
        %swap3A_126 = tpu.vector_load %arg10[%swap3A_125] {strides = array<i32>} : memref<1024xf32, #tpu.memory_space<vmem>>, vector<16xf32>,
        tpu.vector_store %arg10[%swap3A_125], %mul3A_122 {strides = array<i32>} : memref<1024xf32, #tpu.memory_space<vmem>>, vector<16xf32>,
        %mul3A_127 = arith.constant 4 : i32
        %mul3A_128 = arith.muli %add3A_60, %mul3A_127 : i32
        %mul3A_129 = arith.constant 16 : i32
        %mul3A_130 = arith.muli %mul3A_128, %mul3A_129 : i32
        %swap3A_131 = arith.index_cast %mul3A_130 : i32 to index
        %swap3A_132 = tpu.vector_load %arg10[%swap3A_131] {strides = array<i32>} : memref<1024xf32, #tpu.memory_space<vmem>>, vector<16xf32>,
        tpu.vector_store %arg10[%swap3A_131], %scan3A_102#4 {strides = array<i32>} : memref<1024xf32, #tpu.memory_space<vmem>>, vector<16xf32>,
        %add3A_133 = arith.constant 16 : i32
        %add3A_134 = arith.addi %mul3A_130, %add3A_133 : i32
        %swap3A_135 = arith.index_cast %add3A_134 : i32 to index
        %swap3A_136 = tpu.vector_load %arg10[%swap3A_135] {strides = array<i32>} : memref<1024xf32, #tpu.memory_space<vmem>>, vector<16xf32>,
        tpu.vector_store %arg10[%swap3A_135], %scan3A_102#5 {strides = array<i32>} : memref<1024xf32, #tpu.memory_space<vmem>>, vector<16xf32>,
        %mul3A_137 = arith.constant 2.500000e-02 : f32
        %mul3A_138 = vector.broadcast %mul3A_137 : f32 to vector<16xf32>
        %mul3A_139 = arith.mulf %scan3A_102#6, %mul3A_138 : vector<16xf32>
        %add3A_140 = arith.constant 32 : i32
        %add3A_141 = arith.addi %mul3A_130, %add3A_140 : i32
        %swap3A_142 = arith.index_cast %add3A_141 : i32 to index
        %swap3A_143 = tpu.vector_load %arg10[%swap3A_142] {strides = array<i32>} : memref<1024xf32, #tpu.memory_space<vmem>>, vector<16xf32>,
        tpu.vector_store %arg10[%swap3A_142], %mul3A_139 {strides = array<i32>} : memref<1024xf32, #tpu.memory_space<vmem>>, vector<16xf32>,
        %mul3A_144 = arith.constant 2.500000e-02 : f32
        %mul3A_145 = vector.broadcast %mul3A_144 : f32 to vector<16xf32>
        %mul3A_146 = arith.mulf %scan3A_102#7, %mul3A_145 : vector<16xf32>
        %add3A_147 = arith.constant 48 : i32
        %add3A_148 = arith.addi %mul3A_130, %add3A_147 : i32
        %swap3A_149 = arith.index_cast %add3A_148 : i32 to index
        %swap3A_150 = tpu.vector_load %arg10[%swap3A_149] {strides = array<i32>} : memref<1024xf32, #tpu.memory_space<vmem>>, vector<16xf32>,
        tpu.vector_store %arg10[%swap3A_149], %mul3A_146 {strides = array<i32>} : memref<1024xf32, #tpu.memory_space<vmem>>, vector<16xf32>,
        %scan3A_151 = arith.constant 0 : i32
        scf.yield %scan3A_151 : i32
      }
      %scan3A_49 = arith.constant 8 : i32
      %mul3A_50 = arith.constant 2 : i32
      %mul3A_51 = arith.muli %add3A_40, %mul3A_50 : i32
      %mul3A_52 = arith.constant 32 : i32
      %mul3A_53 = arith.muli %mul3A_51, %mul3A_52 : i32
      "tpu.region"() ({
        %run_scoped3A = tpu.sem_alloc : memref<!tpu.dma_semaphore, #tpu.memory_space<semaphore_mem>>
        %dma_start3A = tpu.memref_slice %arg5[%mul3A_53] : memref<524288xf32, #tpu.memory_space<hbm>> -> memref<1024xf32, #tpu.memory_space<hbm>>
        %dma_start3A_55 = tpu.memref_slice %arg5[%mul3A_53] : memref<524288xf32, #tpu.memory_space<hbm>> -> memref<1024xf32, #tpu.memory_space<hbm>>
        tpu.enqueue_dma source(%arg10 : memref<1024xf32, #tpu.memory_space<vmem>>) target(%dma_start3A_55 : memref<1024xf32, #tpu.memory_space<hbm>>) target_semaphore(%run_scoped3A : memref<!tpu.dma_semaphore, #tpu.memory_space<semaphore_mem>>)
        %dma_wait3A = tpu.memref_slice %arg5[%mul3A_53] : memref<524288xf32, #tpu.memory_space<hbm>> -> memref<1024xf32, #tpu.memory_space<hbm>>
        %dma_wait3A_56 = tpu.memref_slice %arg5[%mul3A_53] : memref<524288xf32, #tpu.memory_space<hbm>> -> memref<1024xf32, #tpu.memory_space<hbm>>
        tpu.wait_dma2 semaphore(%run_scoped3A : memref<!tpu.dma_semaphore, #tpu.memory_space<semaphore_mem>>) src(%arg10 : memref<1024xf32, #tpu.memory_space<vmem>>) dst(%dma_wait3A_56 : memref<1024xf32, #tpu.memory_space<hbm>>)
        tpu.yield
      }) : () -> ()
      %scan3A_54 = arith.constant 0 : i32
      scf.yield %scan3A_54 : i32
    }
    %scan3A_35 = arith.constant 16 : i32
    return
  }
}

module attributes {stable_mosaic.version = 14 : i64} {
  func.func @_tc1_body(%arg0: i32, %arg1: memref<1024x128xf32, #tpu.memory_space<vmem>>, %arg2: memref<128x4xf32, #tpu.memory_space<vmem>>, %arg3: memref<1x4xf32, #tpu.memory_space<vmem>>, %arg4: memref<128x32xf32, #tpu.memory_space<vmem>>, %arg5: memref<1x32xf32, #tpu.memory_space<vmem>>, %arg6: memref<1024x1024xi32, #tpu.memory_space<vmem>>, %arg7: memref<1024x32xi32, #tpu.memory_space<vmem>>, %arg8: memref<1024x32xf32, #tpu.memory_space<vmem>>) attributes {dimension_semantics = [#tpu.dimension_semantics<arbitrary>], iteration_bounds = array<i64: 8>, scalar_prefetch = 0 : i64, scratch_operands = 0 : i64, tpu.core_type = #tpu.core_type<tc>, window_params = [{transform_indices = @transform_0, window_bounds = array<i64: 1024, 128>}, {pipeline_mode = #tpu.pipeline_mode<synchronous>, transform_indices = @transform_1, window_bounds = array<i64: 128, 4>}, {pipeline_mode = #tpu.pipeline_mode<synchronous>, transform_indices = @transform_2, window_bounds = array<i64: 1, 4>}, {pipeline_mode = #tpu.pipeline_mode<synchronous>, transform_indices = @transform_3, window_bounds = array<i64: 128, 32>}, {pipeline_mode = #tpu.pipeline_mode<synchronous>, transform_indices = @transform_4, window_bounds = array<i64: 1, 32>}, {transform_indices = @transform_5, window_bounds = array<i64: 1024, 1024>}, {transform_indices = @transform_6, window_bounds = array<i64: 1024, 32>}, {transform_indices = @transform_7, window_bounds = array<i64: 1024, 32>}]} {
    %get3A = arith.constant 0 : index
    %get3A_0 = arith.constant 0 : index
    %get3A_1 = vector.load %arg1[%get3A, %get3A_0] : memref<1024x128xf32, #tpu.memory_space<vmem>>, vector<1024x128xf32>
    %get3A_2 = arith.constant 0 : index
    %get3A_3 = arith.constant 0 : index
    %get3A_4 = vector.load %arg2[%get3A_2, %get3A_3] : memref<128x4xf32, #tpu.memory_space<vmem>>, vector<128x4xf32>
    %dot_general3A = arith.constant dense<0.000000e+00> : vector<1024x4xf32>
    %dot_general3A_5 = tpu.matmul %get3A_1, %get3A_4, %dot_general3A {dimension_numbers = #tpu.dot_dimension_numbers<[1], [0], [0], [1], [0, 0, 1, 1], [], []>, transpose_lhs_hint = false} : vector<1024x128xf32>, vector<128x4xf32>, vector<1024x4xf32> -> vector<1024x4xf32>
    %get3A_6 = arith.constant 0 : index
    %get3A_7 = arith.constant 0 : index
    %get3A_8 = vector.load %arg3[%get3A_6, %get3A_7] : memref<1x4xf32, #tpu.memory_space<vmem>>, vector<1x4xf32>
    %add3A = vector.broadcast %get3A_8 : vector<1x4xf32> to vector<1024x4xf32>
    %add3A_9 = arith.addf %dot_general3A_5, %add3A : vector<1024x4xf32>
    %get3A_10 = arith.constant 0 : index
    %get3A_11 = arith.constant 0 : index
    %get3A_12 = vector.load %arg4[%get3A_10, %get3A_11] : memref<128x32xf32, #tpu.memory_space<vmem>>, vector<128x32xf32>
    %dot_general3A_13 = arith.constant dense<0.000000e+00> : vector<1024x32xf32>
    %dot_general3A_14 = tpu.matmul %get3A_1, %get3A_12, %dot_general3A_13 {dimension_numbers = #tpu.dot_dimension_numbers<[1], [0], [0], [1], [0, 0, 1, 1], [], []>, transpose_lhs_hint = false} : vector<1024x128xf32>, vector<128x32xf32>, vector<1024x32xf32> -> vector<1024x32xf32>
    %get3A_15 = arith.constant 0 : index
    %get3A_16 = arith.constant 0 : index
    %get3A_17 = vector.load %arg5[%get3A_15, %get3A_16] : memref<1x32xf32, #tpu.memory_space<vmem>>, vector<1x32xf32>
    %add3A_18 = vector.broadcast %get3A_17 : vector<1x32xf32> to vector<1024x32xf32>
    %add3A_19 = arith.addf %dot_general3A_14, %add3A_18 : vector<1024x32xf32>
    %swap3A = arith.constant 0 : index
    %swap3A_20 = arith.constant 0 : index
    %swap3A_21 = vector.load %arg8[%swap3A, %swap3A_20] : memref<1024x32xf32, #tpu.memory_space<vmem>>, vector<1024x32xf32>
    tpu.vector_store %arg8[%swap3A, %swap3A_20], %add3A_19 {strides = array<i32>} : memref<1024x32xf32, #tpu.memory_space<vmem>>, vector<1024x32xf32>,
    %broadcast_in_dim3A = arith.constant 0.000000e+00 : f32
    %broadcast_in_dim3A_22 = vector.broadcast %broadcast_in_dim3A : f32 to vector<1024x1024xf32>
    %slice3A = vector.extract_strided_slice %add3A_9 {offsets = [0, 0], sizes = [1024, 1], strides = [1, 1]} : vector<1024x4xf32> to vector<1024x1xf32>
    %reshape3A = vector.shape_cast %slice3A : vector<1024x1xf32> to vector<1x1024xf32>
    %sub3A = vector.broadcast %slice3A : vector<1024x1xf32> to vector<1024x1024xf32>
    %sub3A_23 = vector.broadcast %reshape3A : vector<1x1024xf32> to vector<1024x1024xf32>
    %sub3A_24 = arith.subf %sub3A, %sub3A_23 : vector<1024x1024xf32>
    %mul3A = arith.mulf %sub3A_24, %sub3A_24 : vector<1024x1024xf32>
    %add3A_25 = arith.addf %broadcast_in_dim3A_22, %mul3A : vector<1024x1024xf32>
    %slice3A_26 = vector.extract_strided_slice %add3A_9 {offsets = [0, 1], sizes = [1024, 1], strides = [1, 1]} : vector<1024x4xf32> to vector<1024x1xf32>
    %reshape3A_27 = vector.shape_cast %slice3A_26 : vector<1024x1xf32> to vector<1x1024xf32>
    %sub3A_28 = vector.broadcast %slice3A_26 : vector<1024x1xf32> to vector<1024x1024xf32>
    %sub3A_29 = vector.broadcast %reshape3A_27 : vector<1x1024xf32> to vector<1024x1024xf32>
    %sub3A_30 = arith.subf %sub3A_28, %sub3A_29 : vector<1024x1024xf32>
    %mul3A_31 = arith.mulf %sub3A_30, %sub3A_30 : vector<1024x1024xf32>
    %add3A_32 = arith.addf %add3A_25, %mul3A_31 : vector<1024x1024xf32>
    %slice3A_33 = vector.extract_strided_slice %add3A_9 {offsets = [0, 2], sizes = [1024, 1], strides = [1, 1]} : vector<1024x4xf32> to vector<1024x1xf32>
    %reshape3A_34 = vector.shape_cast %slice3A_33 : vector<1024x1xf32> to vector<1x1024xf32>
    %sub3A_35 = vector.broadcast %slice3A_33 : vector<1024x1xf32> to vector<1024x1024xf32>
    %sub3A_36 = vector.broadcast %reshape3A_34 : vector<1x1024xf32> to vector<1024x1024xf32>
    %sub3A_37 = arith.subf %sub3A_35, %sub3A_36 : vector<1024x1024xf32>
    %mul3A_38 = arith.mulf %sub3A_37, %sub3A_37 : vector<1024x1024xf32>
    %add3A_39 = arith.addf %add3A_32, %mul3A_38 : vector<1024x1024xf32>
    %slice3A_40 = vector.extract_strided_slice %add3A_9 {offsets = [0, 3], sizes = [1024, 1], strides = [1, 1]} : vector<1024x4xf32> to vector<1024x1xf32>
    %reshape3A_41 = vector.shape_cast %slice3A_40 : vector<1024x1xf32> to vector<1x1024xf32>
    %sub3A_42 = vector.broadcast %slice3A_40 : vector<1024x1xf32> to vector<1024x1024xf32>
    %sub3A_43 = vector.broadcast %reshape3A_41 : vector<1x1024xf32> to vector<1024x1024xf32>
    %sub3A_44 = arith.subf %sub3A_42, %sub3A_43 : vector<1024x1024xf32>
    %mul3A_45 = arith.mulf %sub3A_44, %sub3A_44 : vector<1024x1024xf32>
    %add3A_46 = arith.addf %add3A_39, %mul3A_45 : vector<1024x1024xf32>
    %iota3A = tpu.iota {dimensions = array<i32: 1>} : vector<1024x1024xi32>
    %bitcast_convert_type3A = tpu.bitcast %add3A_46 : vector<1024x1024xf32> -> vector<1024x1024xi32>
    %and3A = arith.constant -1024 : i32
    %and3A_47 = vector.broadcast %and3A : i32 to vector<1024x1024xi32>
    %and3A_48 = arith.andi %bitcast_convert_type3A, %and3A_47 : vector<1024x1024xi32>
    %or3A = arith.ori %and3A_48, %iota3A : vector<1024x1024xi32>
    %swap3A_49 = arith.constant 0 : index
    %swap3A_50 = arith.constant 0 : index
    %swap3A_51 = vector.load %arg6[%swap3A_49, %swap3A_50] : memref<1024x1024xi32, #tpu.memory_space<vmem>>, vector<1024x1024xi32>
    tpu.vector_store %arg6[%swap3A_49, %swap3A_50], %or3A {strides = array<i32>} : memref<1024x1024xi32, #tpu.memory_space<vmem>>, vector<1024x1024xi32>,
    %broadcast_in_dim3A_52 = arith.constant 1.000000e+00 : bf16
    %broadcast_in_dim3A_53 = vector.broadcast %broadcast_in_dim3A_52 : bf16 to vector<1024x1xbf16>
    %broadcast_in_dim3A_54 = arith.constant 0 : i32
    %broadcast_in_dim3A_55 = vector.broadcast %broadcast_in_dim3A_54 : i32 to vector<1024x1xi32>
    %broadcast_in_dim3A_56 = arith.constant 2147483647 : i32
    %broadcast_in_dim3A_57 = vector.broadcast %broadcast_in_dim3A_56 : i32 to vector<1024x1xi32>
    %scan3A = arith.constant 0 : i32
    %scan3A_58 = arith.constant 18 : i32
    %scan3A_59 = arith.addi %scan3A, %scan3A_58 : i32
    %scan3A_60 = arith.constant 1 : i32
    %scan3A_61:2 = scf.for %scan3A_71 = %scan3A to %scan3A_59 step %scan3A_60 iter_args(%scan3A_72 = %broadcast_in_dim3A_55, %scan3A_73 = %broadcast_in_dim3A_57) -> (vector<1024x1xi32>, vector<1024x1xi32>)  : i32 {
      %sub3A_74 = arith.subi %scan3A_73, %scan3A_72 : vector<1024x1xi32>
      %shift_right_arithmetic3A = arith.constant 1 : i32
      %shift_right_arithmetic3A_75 = vector.broadcast %shift_right_arithmetic3A : i32 to vector<1024x1xi32>
      %shift_right_arithmetic3A_76 = arith.shrsi %sub3A_74, %shift_right_arithmetic3A_75 : vector<1024x1xi32>
      %add3A_77 = arith.addi %scan3A_72, %shift_right_arithmetic3A_76 : vector<1024x1xi32>
      %le3A = vector.broadcast %add3A_77 : vector<1024x1xi32> to vector<1024x1024xi32>
      %le3A_78 = arith.cmpi sle, %or3A, %le3A : vector<1024x1024xi32>
      %convert_element_type3A = arith.extui %le3A_78 : vector<1024x1024xi1> to vector<1024x1024xi32>
      %convert_element_type3A_79 = arith.sitofp %convert_element_type3A : vector<1024x1024xi32> to vector<1024x1024xf32>
      %convert_element_type3A_80 = arith.truncf %convert_element_type3A_79 : vector<1024x1024xf32> to vector<1024x1024xbf16>
      %dot_general3A_81 = arith.constant dense<0.000000e+00> : vector<1024x1xf32>
      %dot_general3A_82 = tpu.matmul %convert_element_type3A_80, %broadcast_in_dim3A_53, %dot_general3A_81 {dimension_numbers = #tpu.dot_dimension_numbers<[1], [0], [0], [1], [0, 0, 1, 1], [], []>, transpose_lhs_hint = false} : vector<1024x1024xbf16>, vector<1024x1xbf16>, vector<1024x1xf32> -> vector<1024x1xf32>
      %ge3A = arith.constant 4.100000e+01 : f32
      %ge3A_83 = vector.broadcast %ge3A : f32 to vector<1024x1xf32>
      %ge3A_84 = arith.cmpf oge, %dot_general3A_82, %ge3A_83 : vector<1024x1xf32>
      %add3A_85 = arith.constant 1 : i32
      %add3A_86 = vector.broadcast %add3A_85 : i32 to vector<1024x1xi32>
      %add3A_87 = arith.addi %add3A_77, %add3A_86 : vector<1024x1xi32>
      %select_n3A = arith.select %ge3A_84, %scan3A_72, %add3A_87 : vector<1024x1xi1>, vector<1024x1xi32>
      %select_n3A_88 = arith.select %ge3A_84, %add3A_77, %scan3A_73 : vector<1024x1xi1>, vector<1024x1xi32>
      scf.yield %select_n3A, %select_n3A_88 : vector<1024x1xi32>, vector<1024x1xi32>
    }
    %reduce_min3A = arith.constant dense<2147483647> : vector<1024xi32>
    %reduce_min3A_62 = vector.multi_reduction <minsi>, %or3A, %reduce_min3A [1] : vector<1024x1024xi32> to vector<1024xi32>
    %broadcast_in_dim3A_63 = vector.shape_cast %reduce_min3A_62 : vector<1024xi32> to vector<1024x1xi32>
    %broadcast_in_dim3A_64 = vector.shape_cast %scan3A_61#1 : vector<1024x1xi32> to vector<1024x1xi32>
    %broadcast_in_dim3A_65 = vector.broadcast %broadcast_in_dim3A_64 : vector<1024x1xi32> to vector<1024x16xi32>
    %broadcast_in_dim3A_66 = vector.shape_cast %broadcast_in_dim3A_63 : vector<1024x1xi32> to vector<1024x1xi32>
    %broadcast_in_dim3A_67 = vector.broadcast %broadcast_in_dim3A_66 : vector<1024x1xi32> to vector<1024x16xi32>
    %concatenate3A = tpu.concatenate %broadcast_in_dim3A_65, %broadcast_in_dim3A_67 in 1 : vector<1024x16xi32>, vector<1024x16xi32> -> vector<1024x32xi32>
    %swap3A_68 = arith.constant 0 : index
    %swap3A_69 = arith.constant 0 : index
    %swap3A_70 = vector.load %arg7[%swap3A_68, %swap3A_69] : memref<1024x32xi32, #tpu.memory_space<vmem>>, vector<1024x32xi32>
    tpu.vector_store %arg7[%swap3A_68, %swap3A_69], %concatenate3A {strides = array<i32>} : memref<1024x32xi32, #tpu.memory_space<vmem>>, vector<1024x32xi32>,
    return
  }
  func.func @transform_0(%arg0: i32) -> (i32, i32) {
    %c0_i32 = arith.constant 0 : i32
    %c0_i32_0 = arith.constant 0 : i32
    return %arg0, %c0_i32 : i32, i32
  }
  func.func @transform_1(%arg0: i32) -> (i32, i32) {
    %c0_i32 = arith.constant 0 : i32
    %c0_i32_0 = arith.constant 0 : i32
    %c0_i32_1 = arith.constant 0 : i32
    return %c0_i32, %c0_i32_0 : i32, i32
  }
  func.func @transform_2(%arg0: i32) -> (i32, i32) {
    %c0_i32 = arith.constant 0 : i32
    %c0_i32_0 = arith.constant 0 : i32
    %c0_i32_1 = arith.constant 0 : i32
    return %c0_i32, %c0_i32_0 : i32, i32
  }
  func.func @transform_3(%arg0: i32) -> (i32, i32) {
    %c0_i32 = arith.constant 0 : i32
    %c0_i32_0 = arith.constant 0 : i32
    %c0_i32_1 = arith.constant 0 : i32
    return %c0_i32, %c0_i32_0 : i32, i32
  }
  func.func @transform_4(%arg0: i32) -> (i32, i32) {
    %c0_i32 = arith.constant 0 : i32
    %c0_i32_0 = arith.constant 0 : i32
    %c0_i32_1 = arith.constant 0 : i32
    return %c0_i32, %c0_i32_0 : i32, i32
  }
  func.func @transform_5(%arg0: i32) -> (i32, i32) {
    %c0_i32 = arith.constant 0 : i32
    %c0_i32_0 = arith.constant 0 : i32
    return %arg0, %c0_i32 : i32, i32
  }
  func.func @transform_6(%arg0: i32) -> (i32, i32) {
    %c0_i32 = arith.constant 0 : i32
    %c0_i32_0 = arith.constant 0 : i32
    return %arg0, %c0_i32 : i32, i32
  }
  func.func @transform_7(%arg0: i32) -> (i32, i32) {
    %c0_i32 = arith.constant 0 : i32
    %c0_i32_0 = arith.constant 0 : i32
    return %arg0, %c0_i32 : i32, i32
  }
}

module attributes {stable_mosaic.version = 14 : i64} {
  func.func @_tc2_body(%arg0: i32, %arg1: memref<2048x64xf32, #tpu.memory_space<vmem>>, %arg2: memref<2048x128xf32, #tpu.memory_space<vmem>>, %arg3: memref<192x128xf32, #tpu.memory_space<vmem>>, %arg4: memref<1x128xf32, #tpu.memory_space<vmem>>, %arg5: memref<2048x128xf32, #tpu.memory_space<vmem>>) attributes {dimension_semantics = [#tpu.dimension_semantics<arbitrary>], iteration_bounds = array<i64: 8>, scalar_prefetch = 0 : i64, scratch_operands = 0 : i64, tpu.core_type = #tpu.core_type<tc>, window_params = [{transform_indices = @transform_0, window_bounds = array<i64: 2048, 64>}, {transform_indices = @transform_1, window_bounds = array<i64: 2048, 128>}, {pipeline_mode = #tpu.pipeline_mode<synchronous>, transform_indices = @transform_2, window_bounds = array<i64: 192, 128>}, {pipeline_mode = #tpu.pipeline_mode<synchronous>, transform_indices = @transform_3, window_bounds = array<i64: 1, 128>}, {transform_indices = @transform_4, window_bounds = array<i64: 2048, 128>}]} {
    %get3A = arith.constant 0 : index
    %get3A_0 = arith.constant 0 : index
    %get3A_1 = vector.load %arg3[%get3A, %get3A_0] : memref<192x128xf32, #tpu.memory_space<vmem>>, vector<192x128xf32>
    %get3A_2 = arith.constant 0 : index
    %get3A_3 = arith.constant 0 : index
    %get3A_4 = vector.load %arg1[%get3A_2, %get3A_3] : memref<2048x64xf32, #tpu.memory_space<vmem>>, vector<2048x64xf32>
    %slice3A = vector.extract_strided_slice %get3A_1 {offsets = [0, 0], sizes = [64, 128], strides = [1, 1]} : vector<192x128xf32> to vector<64x128xf32>
    %dot_general3A = arith.constant dense<0.000000e+00> : vector<2048x128xf32>
    %dot_general3A_5 = tpu.matmul %get3A_4, %slice3A, %dot_general3A {dimension_numbers = #tpu.dot_dimension_numbers<[1], [0], [0], [1], [0, 0, 1, 1], [], []>, transpose_lhs_hint = false} : vector<2048x64xf32>, vector<64x128xf32>, vector<2048x128xf32> -> vector<2048x128xf32>
    %get3A_6 = arith.constant 0 : index
    %get3A_7 = arith.constant 0 : index
    %get3A_8 = vector.load %arg2[%get3A_6, %get3A_7] : memref<2048x128xf32, #tpu.memory_space<vmem>>, vector<2048x128xf32>
    %slice3A_9 = vector.extract_strided_slice %get3A_1 {offsets = [64, 0], sizes = [128, 128], strides = [1, 1]} : vector<192x128xf32> to vector<128x128xf32>
    %dot_general3A_10 = arith.constant dense<0.000000e+00> : vector<2048x128xf32>
    %dot_general3A_11 = tpu.matmul %get3A_8, %slice3A_9, %dot_general3A_10 {dimension_numbers = #tpu.dot_dimension_numbers<[1], [0], [0], [1], [0, 0, 1, 1], [], []>, transpose_lhs_hint = false} : vector<2048x128xf32>, vector<128x128xf32>, vector<2048x128xf32> -> vector<2048x128xf32>
    %add3A = arith.addf %dot_general3A_5, %dot_general3A_11 : vector<2048x128xf32>
    %get3A_12 = arith.constant 0 : index
    %get3A_13 = arith.constant 0 : index
    %get3A_14 = vector.load %arg4[%get3A_12, %get3A_13] : memref<1x128xf32, #tpu.memory_space<vmem>>, vector<1x128xf32>
    %add3A_15 = vector.broadcast %get3A_14 : vector<1x128xf32> to vector<2048x128xf32>
    %add3A_16 = arith.addf %add3A, %add3A_15 : vector<2048x128xf32>
    %tanh3A = math.tanh %add3A_16 : vector<2048x128xf32>
    %swap3A = arith.constant 0 : index
    %swap3A_17 = arith.constant 0 : index
    %swap3A_18 = vector.load %arg5[%swap3A, %swap3A_17] : memref<2048x128xf32, #tpu.memory_space<vmem>>, vector<2048x128xf32>
    tpu.vector_store %arg5[%swap3A, %swap3A_17], %tanh3A {strides = array<i32>} : memref<2048x128xf32, #tpu.memory_space<vmem>>, vector<2048x128xf32>,
    return
  }
  func.func @transform_0(%arg0: i32) -> (i32, i32) {
    %c0_i32 = arith.constant 0 : i32
    %c0_i32_0 = arith.constant 0 : i32
    return %arg0, %c0_i32 : i32, i32
  }
  func.func @transform_1(%arg0: i32) -> (i32, i32) {
    %c0_i32 = arith.constant 0 : i32
    %c0_i32_0 = arith.constant 0 : i32
    return %arg0, %c0_i32 : i32, i32
  }
  func.func @transform_2(%arg0: i32) -> (i32, i32) {
    %c0_i32 = arith.constant 0 : i32
    %c0_i32_0 = arith.constant 0 : i32
    %c0_i32_1 = arith.constant 0 : i32
    return %c0_i32, %c0_i32_0 : i32, i32
  }
  func.func @transform_3(%arg0: i32) -> (i32, i32) {
    %c0_i32 = arith.constant 0 : i32
    %c0_i32_0 = arith.constant 0 : i32
    %c0_i32_1 = arith.constant 0 : i32
    return %c0_i32, %c0_i32_0 : i32, i32
  }
  func.func @transform_4(%arg0: i32) -> (i32, i32) {
    %c0_i32 = arith.constant 0 : i32
    %c0_i32_0 = arith.constant 0 : i32
    return %arg0, %c0_i32 : i32, i32
  }
}

</mosaic_0001>

<sc_bundles>
// kernel: kernel.10.cloned.1.call-start
scs
__scs_entry_jumppad:
0x0: {  	(pc) =	sbr.rel $0x88, $3  }
0x1: {  	(tag) =	ssettag $0x0;
	lr =	simm.s32 $0x1  }
0x2: {  	[smem:$0x3F9A] =	sst lr;
	_ =	strace $0xD0000000  }
0x3: {  	_ = 	snop  }
0x4: {  	_ = 	snop  }
0x5: {  	_ = 	snop  }
0x6: {  	_ = 	snop  }
0x7: {  	_ = 	snop  }
__scs_overlays_trampoline_lowered:
0x8: {  	[smem:$0x3FA9] =	sst s0  }
0x9: {  	[smem:$0x3FAA] =	sst s1  }
0xa: {  	[smem:$0x3FAB] =	sst s2  }
0xb: {  	[smem:$0x3FAC] =	sst s3  }
0xc: {  	[smem:$0x3FAD] =	sst s4  }
0xd: {  	[smem:$0x3FAE] =	sst s5  }
0xe: {  	[smem:$0x3FAF] =	sst s6  }
0xf: {  	[smem:$0x3FB0] =	sst s7  }
0x10: {  	[smem:$0x3FB1] =	sst s8  }
0x11: {  	[smem:$0x3FB2] =	sst s9;
	s0 =	simm.s32 @!p0 $0x0  }
0x12: {  	s1 =	sld [smem:$0x3F98];
	s0 =	simm.s32 @p0 $0x1  }
0x13: {  	[smem:$0x3FB3] =	sst s0;
	s0 =	simm.s32 @!p1 $0x0  }
0x14: {  	s2 =	sld [smem:$0x3F97];
	s0 =	simm.s32 @p1 $0x1  }
0x15: {  	[smem:$0x3FB4] =	sst s0;
	s0 =	simm.s32 @!p2 $0x0  }
0x16: {  	s3 =	sld [smem:$0x3FDB];
	s0 =	simm.s32 @p2 $0x1  }
0x17: {  	s4 =	simm.s32 $0x1BF5;
	[smem:$0x3FB6] =	sst s0  }
0x18: {  	s0 =	sld [smem:$0x3F99];
	_ =	swait.ge [sflag:s4], $0x0  }
0x19: {  	s7 =	sld [smem:$0x3F9A]  }
0x1a: {  	s8 =	sadd.s32 $0xFFFFE003, lr  }
0x1b: {  	s9 =	sadd.s32 $0xFFFFFEF7, lr;
	s5 =	simm.s32 $0xFFFFFFFF;
	p2 =	slt.u32 s8, $0xFFFFF086  }
0x1c: {  	p1 =	slt.u32 s9, $0xF7A;
	s5 =	simm.s32 @!p2 $0x0  }
0x1d: {  	s5 =	simm.s32 @p1 $0x1;
	p0 =	seq.s32 s7, s2  }
0x1e: {  	s7 =	smul.u32 @!p0 $0xF7A, s2;
	p2 =	seq.s32 @!p0 s5, $0x0  }
0x1f: {  	s9 =	smul.u32 $0xF7A, s1;
	s8 =	simm.s32 @!p0 $0x1BF5;
	p2 =	por !p2, p0  }
0x20: {  	[sflag:s8] =	ssyncset.s32 @!p0 $0xFFFFF086;
	s6 =	sadd.s32 @!p0 s3, s7;
	s7 =	simm.s32 @!p0 $0x108  }
0x21: {  	s3 =	sadd.s32 s3, s9;
	s6 =	sadd.s32 @!p0 $0x88, s6;
	s7 =	simm.s32 @p2 $0x1082  }
0x22: {  	[simem:s7], [sflag:s8] =	dma.local @!p0 [hbm:s6], $0xF7A  }
0x23: {  	s9 =	sor.u32 $0xD0000000, s2;
	s6 =	simm.s32 $0x108;
	_ =	swait.ge @!p0 [sflag:s8], $0x0  }
0x24: {  	s3 =	sadd.s32 $0x88, s3;
	s6 =	simm.s32 @!p1 $0x1082;
	[sflag:s4] =	ssyncset.s32 $0xFFFFF086  }
0x25: {  	[simem:s6], [sflag:s4] =	dma.local [hbm:s3], $0xF7A  }
0x26: {  	[smem:$0x3F9A] =	sst s1;
	(tag) =	ssettag s2;
	_ =	strace s9  }
0x27: {  	s1 =	sld [smem:$0x3FAA]  }
0x28: {  	s2 =	sld [smem:$0x3FAB]  }
0x29: {  	s4 =	sld [smem:$0x3FAD]  }
0x2a: {  	p0 =	seq.s32 s5, $0x0;
	s5 =	sld [smem:$0x3FAE]  }
0x2b: {  	s6 =	sld [smem:$0x3FAF]  }
0x2c: {  	s7 =	sld [smem:$0x3FB0]  }
0x2d: {  	s3 =	simm.s32 $0x108;
	s8 =	sld [smem:$0x3FB1]  }
0x2e: {  	s3 =	simm.s32 @!p0 $0x1082;
	s9 =	sld [smem:$0x3FB2]  }
0x2f: {  	lr =	sadd.s32 s0, s3;
	s0 =	sld [smem:$0x3FA9]  }
0x30: {  	s3 =	sld [smem:$0x3FAC]  }
0x31: {  	[smem:$0x3FB5] =	sst s10  }
0x32: {  	s10 =	sld [smem:$0x3FB3];
	_ =	sdelay $0x3  }
0x33: {  	p0 =	seq.s32 s10, $0x1;
	s10 =	sld [smem:$0x3FB5];
	_ =	sdelay $0x3  }
0x34: {  	[smem:$0x3FB5] =	sst s10  }
0x35: {  	s10 =	sld [smem:$0x3FB4];
	_ =	sdelay $0x3  }
0x36: {  	p1 =	seq.s32 s10, $0x1;
	s10 =	sld [smem:$0x3FB5];
	_ =	sdelay $0x3  }
0x37: {  	[smem:$0x3FB5] =	sst s10  }
0x38: {  	s10 =	sld [smem:$0x3FB6]  }
0x39: {  	_ = 	snop;
	(pc) =	sbr.ind lr, $3  }
0x3a: {  	_ = 	snop  }
0x3b: {  	_ = 	snop  }
0x3c: {  	p2 =	seq.s32 s10, $0x1;
	s10 =	sld [smem:$0x3FB5]  }
0x3d: {  	_ =	shalt  }
0x3e: {  	_ =	shalt  }
0x3f: {  	_ =	shalt  }
0x40: {  	_ =	shalt  }
0x41: {  	_ =	shalt  }
0x42: {  	_ =	shalt  }
0x43: {  	_ =	shalt  }
0x44: {  	_ =	shalt  }
0x45: {  	_ =	shalt  }
0x46: {  	_ =	shalt  }
0x47: {  	_ =	shalt  }
0x48: {  	_ =	shalt  }
0x49: {  	_ =	shalt  }
0x4a: {  	_ =	shalt  }
0x4b: {  	_ =	shalt  }
0x4c: {  	_ =	shalt  }
0x4d: {  	_ =	shalt  }
0x4e: {  	_ =	shalt  }
0x4f: {  	_ =	shalt  }
0x50: {  	_ =	shalt  }
0x51: {  	_ =	shalt  }
0x52: {  	_ =	shalt  }
0x53: {  	_ =	shalt  }
0x54: {  	_ =	shalt  }
0x55: {  	_ =	shalt  }
0x56: {  	_ =	shalt  }
0x57: {  	_ =	shalt  }
0x58: {  	_ =	shalt  }
0x59: {  	_ =	shalt  }
0x5a: {  	_ =	shalt  }
0x5b: {  	_ =	shalt  }
0x5c: {  	_ =	shalt  }
0x5d: {  	_ =	shalt  }
0x5e: {  	_ =	shalt  }
0x5f: {  	_ =	shalt  }
0x60: {  	_ =	shalt  }
0x61: {  	_ =	shalt  }
0x62: {  	_ =	shalt  }
0x63: {  	_ =	shalt  }
0x64: {  	_ =	shalt  }
0x65: {  	_ =	shalt  }
0x66: {  	_ =	shalt  }
0x67: {  	_ =	shalt  }
0x68: {  	_ =	shalt  }
0x69: {  	_ =	shalt  }
0x6a: {  	_ =	shalt  }
0x6b: {  	_ =	shalt  }
0x6c: {  	_ =	shalt  }
0x6d: {  	_ =	shalt  }
0x6e: {  	_ =	shalt  }
0x6f: {  	_ =	shalt  }
0x70: {  	_ =	shalt  }
0x71: {  	_ =	shalt  }
0x72: {  	_ =	shalt  }
0x73: {  	_ =	shalt  }
0x74: {  	_ =	shalt  }
0x75: {  	_ =	shalt  }
0x76: {  	_ =	shalt  }
0x77: {  	_ =	shalt  }
0x78: {  	_ =	shalt  }
0x79: {  	_ =	shalt  }
0x7a: {  	_ =	shalt  }
0x7b: {  	_ =	shalt  }
0x7c: {  	_ =	shalt  }
0x7d: {  	_ =	shalt  }
0x7e: {  	_ =	shalt  }
0x7f: {  	_ =	shalt  }
0x80: {  	_ =	shalt  }
0x81: {  	_ =	shalt  }
0x82: {  	_ =	shalt  }
0x83: {  	_ =	shalt  }
0x84: {  	_ =	shalt  }
0x85: {  	_ =	shalt  }
0x86: {  	_ =	shalt  }
0x87: {  	_ =	shalt  }
.Lfunc_end0:
.L_simem_size_0:
called_computation.3_lowered:
.L_overlay_start_0:
0x88: {  	s2 =	sld [smem:$0x3FD9]  }
0x89: {  	s3 =	sld [smem:$0x3FFE];
	_ =	sdelay $0x1  }
0x8a: {  	s1 =	srdreg.scid  }
0x8b: {  	s0 =	sand.u32 $0x1, s1  }
0x8c: {  	s17 =	sshll.u32 s0, $0xA;
	s2 =	sadd.s32 s3, s2  }
0x8d: {  	s2 =	sadd.s32 s2, s17  }
0x8e: {  	[smem:$0x3FC1] =	sst s2  }
0x8f: {  	_ = 	snop  }
0x90: {  	s18 =	sld [smem:$0x3FD0];
	(tm) =	ssettm $0x1  }
0x91: {  	s19 =	sld [smem:$0x3FFB];
	_ =	sdelay $0x3  }
0x92: {  	_ =	strace s19  }
0x93: {  	s2 =	sld [smem:$0x3FFC];
	_ =	sdelay $0x3  }
0x94: {  	_ =	strace s2  }
0x95: {  	s2 =	sld [smem:$0x3FFD];
	_ =	sdelay $0x3  }
0x96: {  	_ =	strace s2  }
0x97: {  	_ =	strace $0x8FFFFFFF  }
0x98: {  	s20 =	sld [smem:$0x3FDB];
	_ =	sdelay $0x1  }
0x99: {  	s4 =	simm.s32 $_scs_section_size  }
0x9a: {  	s5 =	simm.s32 $_size__tile_overlayer_lowered;
	s6 =	simm.s32 $_tile_overlayer_lowered  }
0x9b: {  	s7 =	simm.s32 $0x1BFF;
	s21 =	sshll.u32 s6, $0x1;
	s4 =	sadd.s32 s4, s20  }
0x9c: {  	s22 =	simm.s32 $0x0;
	s5 =	sshll.u32 s5, $0x1;
	s6 =	sadd.s32 s21, s4  }
0x9d: {  	[timem:s22], [sflag:s7] =	dma.local [hbm:s6], s5  }
0x9e: {  	_ =	swait.ge [sflag:s7], s5  }
0x9f: {  	s5 =	ssub.s32 $0x0, s5;
	[sflag:s7] =	ssyncset.done $0x0  }
0xa0: {  	[sflag:s7] =	ssyncadd.s32 s5;
	_ =	sdelay $0x1  }
0xa1: {  	s23 =	simm.s32 $0x1B8B  }
0xa2: {  	_ =	swait.ge [sflag:s23], $0x1  }
0xa3: {  	[sflag:s23] =	ssyncset.done $0x0  }
0xa4: {  	[sflag:s23] =	ssyncadd.s32 $0xFFFFFFFF  }
0xa5: {  	s5 =	sld [smem:$0x0]  }
0xa6: {  	s6 =	sand.u32 $0xFFFFFFFE, s1  }
0xa7: {  	p0 =	sne.s32 s1, s6  }
0xa8: {  	s6 =	sshll.u32 @p0 s6, $0xE  }
0xa9: {  	s6 =	sadd.s32 @p0 $0x11B8D, s6;
	s7 =	sshll.u32 @p0 s5, $0x11  }
0xaa: {  	s6 =	sor.u32 @p0 s7, s6  }
0xab: {  	[sflag:s6] =	ssyncadd.remote.s32 @p0 $0x1;
	_ =	sdelay $0x1  }
0xac: {  	s6 =	simm.s32 @p0 $0x1B8D  }
0xad: {  	_ =	swait.eq @p0 [sflag:s6], $0x1  }
0xae: {  	[sflag:s6] =	ssyncadd.s32 @p0 $0xFFFFFFFF  }
0xaf: {  	s7 =	sshll.u32 @!p0 s1, $0xE  }
0xb0: {  	s7 =	sor.u32 @!p0 $0x4000, s7;
	s6 =	simm.s32 @!p0 $0x1B8D  }
0xb1: {  	s5 =	sshll.u32 @!p0 s5, $0x11;
	s7 =	sadd.s32 @!p0 $0x11B8D, s7;
	_ =	swait.eq @!p0 [sflag:s6], $0x1  }
0xb2: {  	s5 =	sor.u32 @!p0 s5, s7;
	[sflag:s6] =	ssyncadd.s32 @!p0 $0xFFFFFFFF  }
0xb3: {  	s25 =	simm.s32 $0x1B8E;
	s24 =	sld [smem:$0x3FFE];
	[sflag:s5] =	ssyncadd.remote.s32 @!p0 $0x1  }
0xb4: {  	s26 =	simm.s32 $execute0_lowered;
	[smem:$0x3FD2] =	sst s25  }
0xb5: {  	s6 =	sshll.u32 s26, $0x1;
	_ =	strace $0x8000004F;
	[dreg:$0x1] =	wrdreg $0xFFFFFFFF  }
0xb6: {  	s28 =	simm.s32 $_size_execute0_lowered;
	s4 =	sadd.s32 s4, s6;
	[dreg:$0x0] =	wrdreg $0x0  }
0xb7: {  	s6 =	sshll.u32 s28, $0x1;
	[dreg:$0x2] =	wrdreg s4  }
0xb8: {  	[dreg:$0x3] =	wrdreg s6  }
0xb9: {  	[dreg:$0x4] =	wrdreg $0xC0  }
0xba: {  	_ =	task [dreg:s22], $0x5FFFF  }
0xbb: {  	[dreg:$0x1] =	wrdreg $0xFFFFFFFF  }
0xbc: {  	[dreg:$0x0] =	wrdreg $0x60  }
0xbd: {  	[dreg:$0x2] =	wrdreg s24  }
0xbe: {  	[dreg:$0x3] =	wrdreg s18  }
0xbf: {  	[dreg:$0x4] =	wrdreg $0x9  }
0xc0: {  	_ =	task.clear_ibuf [dreg:s22], $0x5FFFF;
	_ =	strace $0x9000004F  }
0xc1: {  	s29 =	simm.s32 $0x9;
	_ =	strace $0x80000051  }
0xc2: {  	_ =	swait.ge [sflag:s29], $0x1  }
0xc3: {  	[sflag:s29] =	ssyncadd.s32 $0xFFFFFFFF  }
0xc4: {  	_ =	strace $0x90000051  }
0xc5: {  	_ =	sfence  }
0xc6: {  	s30 =	sld [smem:$0x0];
	_ =	sdelay $0x2  }
0xc7: {  	s31 =	sshll.u32 s1, $0xD;
	s1 =	sshrl.u32 s1, $0x2  }
0xc8: {  	s4 =	sand.u32 $0x4000, s31;
	s1 =	sadd.s32 s1, s30  }
0xc9: {  	s0 =	sor.u32 s4, s0;
	s1 =	sshll.u32 s1, $0x11  }
0xca: {  	s0 =	sor.u32 s1, s0  }
0xcb: {  	s0 =	sadd.s32 $0x8F2B, s0  }
0xcc: {  	[sflag:s0] =	ssyncadd.remote.s32 $0x1  }
0xcd: {  	_ =	sfence.sel $0xFFFF  }
0xce: {  	[dreg:$0x0] =	wrdreg $0xFFFFFFFF;
	(pc) =	sbr.abs _section_cstart, $3  }
0xcf: {  	[dreg:$0x1] =	wrdreg $0xFFFFFFFF  }
0xd0: {  	_ =	task.clear_ibuf [dreg:s22], $0x2FFFF;
	_ =	strace $0x9FFFFFFF  }
0xd1: {  	(tm) =	ssettm $0x7FFFFFFF  }
tec
execute0_lowered:
.L_overlay_start_1:
0x0: {  	(tag) =	ssettag $0x1  }
0x1: {  	s5 =	rddreg [dreg:$0x0]  }
0x2: {  	s2 =	rddreg [dreg:$0x1]  }
0x3: {  	s0 =	rddreg [dreg:$0x2];
	s3 =	simm.s32 $0x0;
	s4 =	srdreg.scid  }
0x4: {  	s1 =	stileid.u32;
	s11 =	simm.s32 $0xA000;
	s12 =	simm.s32 $0xE000  }
0x5: {  	s13 =	simm.s32 $0xE100;
	s6 =	sand.u32 $0x1, s4;
	s31 =	sshll.u32 s1, $0x1  }
0x6: {  	s14 =	simm.s32 $0x0;
	[smem:$0x7FF] =	sst s3;
	s7 =	sor.u32 s6, s31  }
0x7: {  	s4 =	sadd.s32 $0x302600, s5;
	s6 =	ssub.s32 $0x2, s6;
	s8 =	sshll.u32 s7, $0xA  }
0x8: {  	s10 =	sshrl.u32 s6, $0x1;
	s9 =	sadd.s32 s8, s5;
	s8 =	sand.u32 $0x7000, s8  }
0x9: {  	_ =	strace $0x80000050;
	s10 =	ssub.s32 s6, s10;
	s8 =	sadd.s32 s8, s5  }
0xa: {  	v0 =	vimm.s32 $0x0;
	v1 =	vlaneseq.u32;
	s5 =	sshll.u32 s7, $0x8;
	s7 =	sadd.s32 $0x12600, s9;
	s9 =	simm.s32 $0x1  }
0xb: {  	v2 =	vimm.s32 $0xF;
	v3 =	vimm.f32 $0.0e+00;
	v4 =	vor.u32 $0x10, v1;
	s6 =	sadd.s32 $0x1A600, s8;
	s8 =	smax.u32 s10, $0x1;
	s10 =	simm.s32 $0x8000  }
.LBB2_1:
0xc: {  	[tilespmem:s3], [sflag:$0x1] =	stream.linear.gather [hbm4b:s6+s3], $0x8000, $0x38;
	[tilespmem:$0xE500] =	vst v63  }
0xd: {  	_ =	swait.ge [sflag:s9], $0x8000  }
0xe: {  	[sflag:s9] =	ssyncset.done $0x0  }
0xf: {  	[sflag:s9] =	ssyncadd.s32 $0xFFFF8000  }
0x10: {  	[tilespmem:s10], [sflag:$0x1] =	stream.linear.gather [hbm4b:s7+s3], $0x2000, $0x38;
	[tilespmem:$0xE500] =	vst v63  }
0x11: {  	_ =	swait.ge [sflag:s9], $0x2000  }
0x12: {  	[sflag:s9] =	ssyncset.done $0x0  }
0x13: {  	s15 =	simm.s32 $0x0;
	[sflag:s9] =	ssyncadd.s32 $0xFFFFE000  }
.LBB2_2:
0x14: {  	s17 =	sshll.u32 s15, $0x4  }
0x15: {  	s16 =	sadd.s32 s5, s17  }
0x16: {  	s18 =	sshll.u32 s16, $0x7  }
0x17: {  	s19 =	sadd.s32 s4, s18;
	s18 =	simm.s32 $0x0  }
0x18: {  	[tilespmem:s11], [sflag:$0x1] =	stream.linear.gather [hbm4b:s19+s18], $0x4000, $0x38;
	[tilespmem:$0xE500] =	vst v63  }
0x19: {  	_ =	swait.ge [sflag:s9], $0x4000  }
0x1a: {  	[sflag:s9] =	ssyncset.done $0x0  }
0x1b: {  	[sflag:s9] =	ssyncadd.s32 $0xFFFFC000  }
.LBB2_3:
0x1c: {  	s19 =	sshll.u32 s18, $0x1  }
0x1d: {  	s20 =	sadd.s32 s17, s19  }
0x1e: {  	s19 =	sshllo.u32 s18, $0x1;
	s20 =	sshll.u32 s20, $0x5  }
0x1f: {  	s21 =	sadd.s32 s17, s19;
	s20 =	sand.u32 $0x3FFFFFE0, s20  }
0x20: {  	s21 =	sshll.u32 s21, $0x5;
	v9 =	vld [tilespmem:s20+$0x8000]  }
0x21: {  	s31 =	sshll.u32 s18, $0xB;
	s22 =	sshll.u32 s19, $0xA;
	v5 =	vld [tilespmem:s20+$0x8010];
	s30 =	sand.u32 $0x3FFFFFE0, s21  }
0x22: {  	s22 =	sand.u32 $0x3FFFFC00, s22;
	s21 =	sand.u32 $0x3FFFF800, s31;
	v10 =	vld [tilespmem:s30+$0x8000]  }
0x23: {  	v7 =	vimm.s32 $0x0;
	v8 =	vimm.s32 $0x50;
	v6 =	vld [tilespmem:s30+$0x8010];
	s20 =	sadd.s32 $0xA000, s21;
	s21 =	sadd.s32 $0xA000, s22;
	s22 =	simm.s32 $0x0  }
.LBB2_4:
0x24: {  	s23 =	sand.u32 $0x380, s22  }
0x25: {  	s24 =	sand.u32 $0x60, s22;
	s25 =	sadd.s32 s23, s20  }
0x26: {  	s23 =	sadd.s32 s23, s21;
	s26 =	sadd.s32 s24, s25  }
0x27: {  	s31 =	sadd.s32 s24, s23;
	v11 =	vld [tilespmem:s26+$0x0]  }
0x28: {  	v12 =	vld [tilespmem:s31+$0x0];
	_ =	sdelay $0x3  }
0x29: {  	vm0 =	vle.s32 v11, v9  }
0x2a: {  	vm1 =	vle.s32 v12, v10;
	v13 =	vsel vm0, $0x1, v0  }
0x2b: {  	v55 =	vsel vm1, $0x1, v0;
	(xrf0) =	vadd.scan.msk.s32 $0xffff, v13  }
0x2c: {  	(xrf0) =	vadd.scan.msk.s32 $0xffff, v55;
	_ =	sdelay $0x4  }
0x2d: {  	v56, _, _ =	vpop (xrf0)  }
0x2e: {  	v14 =	vadd.s32 v56, v7;
	v15, _, _ =	vpop (xrf0)  }
0x2f: {  	v14 =	vadd.s32 $0xFFFFFFFF, v14;
	v16 =	vadd.s32 v15, v8  }
0x30: {  	v14 =	vnsel vm0, $0x4F, v14;
	v16 =	vadd.s32 $0xFFFFFFFF, v16  }
0x31: {  	v16 =	vnsel vm1, $0x9F, v16;
	_ =	sdelay $0x3  }
0x32: {  	s24 =	sor.u32 $0x10, s24;
	[tilespmem:v14+s12+$0x0] =	vst.idx.msk $0xffff, v11  }
0x33: {  	s25 =	sadd.s32 s24, s25;
	[tilespmem:v16+s12+$0x0] =	vst.idx.msk $0xffff, v12  }
0x34: {  	s23 =	sadd.s32 s24, s23;
	v11 =	vld [tilespmem:s25+$0x0]  }
0x35: {  	v12 =	vld [tilespmem:s23+$0x0];
	_ =	sdelay $0x3  }
0x36: {  	vm11 =	vle.s32 v11, v9  }
0x37: {  	vm12 =	vle.s32 v12, v10;
	v57 =	vsel vm11, $0x1, v0  }
0x38: {  	v58 =	vsel vm12, $0x1, v0;
	(xrf0) =	vadd.scan.msk.s32 $0xffff, v57  }
0x39: {  	(xrf0) =	vadd.scan.msk.s32 $0xffff, v58  }
0x3a: {  	v13 =	vperm.xlane v56, v2  }
0x3b: {  	v59 =	vperm.xlane v15, v2  }
0x3c: {  	v7 =	vadd.s32 v7, v13  }
0x3d: {  	vm2 =	vlt.s32 v7, $0x40;
	v8 =	vadd.s32 v8, v59  }
0x3e: {  	v7 =	vnsel vm2, $0x40, v7;
	vm13 =	vlt.s32 v8, $0x90;
	v60, _, _ =	vpop (xrf0)  }
0x3f: {  	v8 =	vnsel vm13, $0x90, v8;
	v61 =	vadd.s32 v60, v7;
	v62, _, _ =	vpop (xrf0)  }
0x40: {  	v14 =	vadd.s32 $0xFFFFFFFF, v61;
	v63 =	vadd.s32 v62, v8  }
0x41: {  	v14 =	vnsel vm11, $0x4F, v14;
	v16 =	vadd.s32 $0xFFFFFFFF, v63  }
0x42: {  	p0 =	sne.s32 s22, $0x3E0;
	v16 =	vnsel vm12, $0x9F, v16  }
.Ltmp0:
0x43: {  	v13 =	vperm.xlane v60, v2;
	v15 =	vperm.xlane v62, v2;
	(pc) =	sbr.rel @p0 .LBB2_4-.Ltmp0, $4  }
0x44: {  	_ = 	snop  }
0x45: {  	v7 =	vadd.s32 v7, v13;
	v8 =	vadd.s32 v8, v15  }
0x46: {  	vm14 =	vlt.s32 v7, $0x40;
	vm15 =	vlt.s32 v8, $0x90;
	[tilespmem:v14+s12+$0x0] =	vst.idx.msk $0xffff, v11  }
0x47: {  	s22 =	sadd.s32 $0x20, s22;
	v7 =	vnsel vm14, $0x40, v7;
	v8 =	vnsel vm15, $0x90, v8;
	[tilespmem:v16+s12+$0x0] =	vst.idx.msk $0xffff, v12  }
0x48: {  	s20 =	simm.s32 $0x50  }
0x49: {  	s21 =	simm.s32 $0x51;
	v11 =	vmov s20  }
0x4a: {  	s28 =	simm.s32 $0x52;
	v10 =	vmov s21  }
0x4b: {  	s29 =	simm.s32 $0x1;
	v14 =	vmov s28  }
0x4c: {  	s30 =	simm.s32 $0x2;
	v15 =	vmov s29  }
0x4d: {  	s31 =	simm.s32 $0x0;
	v16 =	vmov s30  }
0x4e: {  	v17 =	vmov s31;
	v12 =	vld.idx.msk [tilespmem:v11+s12+$0x0], $0xffff  }
0x4f: {  	v13 =	vld.idx.msk [tilespmem:v10+s12+$0x0], $0xffff  }
0x50: {  	v19 =	vld.idx.msk [tilespmem:v14+s12+$0x0], $0xffff  }
0x51: {  	vm0 =	vge.s32 v15, v7;
	v15 =	vld.idx.msk [tilespmem:v15+s12+$0x0], $0xffff  }
0x52: {  	v9 =	vimm.f32 $-3.000000010e+38;
	v23 =	vld.idx.msk [tilespmem:v16+s12+$0x0], $0xffff  }
0x53: {  	v18 =	vimm.f32 $0.0e+00;
	vm2 =	vge.s32 v17, v7;
	vm3 =	vge.s32 v10, v8;
	v17 =	vld.idx.msk [tilespmem:v17+s12+$0x0], $0xffff  }
0x54: {  	vm15 =	vge.s32 v11, v8;
	vm7 =	vge.s32 v14, v8;
	vm8 =	vge.s32 v16, v7  }
0x55: {  	v20 =	vand.u32 $0xFFFFFC00, v12;
	vm1 =	veq.s32 v12, v6;
	v21 =	vand.u32 $0xFFFFFC00, v13  }
0x56: {  	v12 =	vshll.u32 v12, $0x5;
	v22 =	vshll.u32 v13, $0x5;
	v25 =	vand.u32 $0xFFFFFC00, v19  }
0x57: {  	v27 =	vand.u32 $0xFFFFFC00, v15;
	v28 =	vand.u32 $0xFFFFFC00, v23;
	v21 =	vmul.f32 $-1.000000000e+01, v21  }
0x58: {  	v29 =	vshll.u32 v23, $0x5;
	v30 =	vshll.u32 v15, $0x5;
	v31 =	vand.u32 $0xFFFFFC00, v17  }
0x59: {  	v32 =	vshll.u32 v17, $0x5;
	vm4 =	veq.s32 v13, v6;
	v21 =	vmul.f32 $1.442695020e+00, v21  }
0x5a: {  	vm5 =	veq.s32 v17, v5;
	vm14 =	veq.s32 v15, v5;
	vm6 =	veq.s32 v19, v6  }
0x5b: {  	v20 =	vmul.f32 $-1.000000000e+01, v20;
	v10 =	vor.u32 v1, v22;
	(erf) = vpow2.f32 v21  }
0x5c: {  	v24 =	vor.u32 v4, v12;
	v12 =	vor.u32 v1, v12;
	v27 =	vmul.f32 $-1.000000000e+01, v27  }
0x5d: {  	v22 =	vor.u32 v4, v22;
	v25 =	vmul.f32 $-1.000000000e+01, v25;
	v31 =	vmul.f32 $-1.000000000e+01, v31  }
0x5e: {  	v33 =	vor.u32 v1, v32;
	v34 =	vor.u32 v4, v29;
	v22 =	vand.u32 $0x7FFF, v22  }
0x5f: {  	v62 =	vor.u32 v1, v30;
	v29 =	vor.u32 v1, v29;
	vm3 =	vmor vm3, vm4  }
0x60: {  	v17 =	vmul.f32 $-1.000000000e+01, v28;
	v30 =	vor.u32 v4, v30;
	v31 =	vmul.f32 $1.442695020e+00, v31  }
0x61: {  	vm2 =	vmor vm2, vm5;
	v10 =	vand.u32 $0x7FEF, v10;
	v35 =	vand.u32 $0x7FEF, v12  }
0x62: {  	v12 =	vor.u32 v4, v32;
	v20 =	vmul.f32 $1.442695020e+00, v20;
	(erf) = vpow2.f32 v31  }
0x63: {  	vm1 =	vmor vm15, vm1;
	vm0 =	vmor vm0, vm14;
	v12 =	vand.u32 $0x7FFF, v12;
	v22 =	vld.idx.msk [tilespmem:v22+s3+$0x0], $0xffff  }
0x64: {  	v33 =	vand.u32 $0x7FEF, v33;
	v17 =	vmul.f32 $1.442695020e+00, v17;
	v13 =	vpop (erf);
	(erf) = vpow2.f32 v20  }
0x65: {  	v30 =	vand.u32 $0x7FFF, v30;
	v27 =	vmul.f32 $1.442695020e+00, v27;
	v25 =	vmul.f32 $1.442695020e+00, v25  }
0x66: {  	v21 =	vand.u32 $0x7FFF, v24;
	v24 =	vshll.u32 v19, $0x5;
	v10 =	vld.idx.msk [tilespmem:v10+s3+$0x0], $0xffff;
	(erf) = vpow2.f32 v17  }
0x67: {  	v19 =	vsel vm1, $0xFF61B1E6, v3;
	v28 =	vsel vm3, $0x0, v13;
	(erf) = vpow2.f32 v27  }
0x68: {  	v26 =	vor.u32 v1, v24;
	v20 =	vmul.f32 v28, v22;
	v22 =	vand.u32 $0x7FEF, v29;
	v29 =	vld.idx.msk [tilespmem:v12+s3+$0x0], $0xffff  }
0x69: {  	v31 =	vsel vm3, $0xFF61B1E6, v3;
	v24 =	vor.u32 v4, v24;
	vm3 =	veq.s32 v23, v5;
	v23 =	vld.idx.msk [tilespmem:v33+s3+$0x0], $0xffff  }
0x6a: {  	v63 =	vand.u32 $0x7FEF, v26;
	v26 =	vld.idx.msk [tilespmem:v35+s3+$0x0], $0xffff;
	v15 =	vand.u32 $0x7FFF, v24;
	v17 =	vand.u32 $0x7FEF, v62  }
0x6b: {  	v21 =	vld.idx.msk [tilespmem:v21+s3+$0x0], $0xffff;
	v11 =	vpop (erf);
	v13 =	vmul.f32 v28, v10;
	v28 =	vand.u32 $0x7FFF, v34;
	(erf) = vpow2.f32 v25  }
0x6c: {  	v11 =	vsel vm2, $0x0, v11;
	vm3 =	vmor vm8, vm3;
	v27 =	vsel vm0, $0xFF61B1E6, v3  }
0x6d: {  	v25 =	vsel vm2, $0xFF61B1E6, v3;
	vm2 =	vmor vm7, vm6;
	v16 =	vmul.f32 v11, v29;
	v14 =	vpop (erf)  }
0x6e: {  	v10 =	vadd.f32 v13, v31;
	v11 =	vmul.f32 v11, v23;
	v14 =	vsel vm1, $0x0, v14  }
0x6f: {  	v12 =	vadd.f32 v20, v31;
	v36 =	vld.idx.msk [tilespmem:v22+s3+$0x0], $0xffff;
	v22 =	vadd.f32 v16, v18;
	v23 =	vpop (erf);
	v35 =	vmul.f32 v14, v26  }
0x70: {  	v14 =	vmul.f32 v14, v21;
	v21 =	vadd.f32 v11, v25;
	v26 =	vld.idx.msk [tilespmem:v30+s3+$0x0], $0xffff;
	v30 =	vadd.f32 v16, v25;
	v31 =	vpop (erf)  }
0x71: {  	v24 =	vld.idx.msk [tilespmem:v28+s3+$0x0], $0xffff;
	v29 =	vsel vm3, $0x0, v23;
	v25 =	vsel vm3, $0xFF61B1E6, v3;
	v32 =	vsel vm0, $0x0, v31  }
0x72: {  	v28 =	vld.idx.msk [tilespmem:v17+s3+$0x0], $0xffff;
	v16 =	vmax.f32 v9, v21;
	v33 =	vadd.f32 v14, v19;
	v17 =	vadd.f32 v14, v18  }
0x73: {  	v23 =	vld.idx.msk [tilespmem:v15+s3+$0x0], $0xffff;
	v21 =	vmax.f32 v9, v30;
	v19 =	vadd.f32 v35, v19;
	v30 =	vadd.f32 v11, v18  }
0x74: {  	s21 =	simm.s32 $0x3;
	v15 =	vld.idx.msk [tilespmem:v63+s3+$0x0], $0xffff;
	v31 =	vpop (erf);
	v18 =	vadd.f32 v35, v18;
	v14 =	vmul.f32 v29, v36;
	v11 =	vimm.f32 $-3.000000010e+38  }
.LBB2_6:
0x75: {  	s20 =	sadd.s32 $0x50, s21  }
0x76: {  	s22 =	sadd.s32 $0x51, s21;
	s23 =	sadd.s32 $0x52, s21;
	v9 =	vmax.f32 v9, v33;
	v26 =	vmul.f32 v32, v26;
	v20 =	vadd.f32 v20, v17;
	s24 =	smov.u32 s21  }
0x77: {  	v11 =	vmax.f32 v11, v19;
	v17 =	vmov s20;
	s25 =	sadd.s32 $0x1, s24;
	v33 =	vmov s22;
	s22 =	sadd.s32 $0x2, s24;
	s20 =	sadd.s32 $0x3, s21  }
0x78: {  	p0 =	sne.s32 s21, $0x2D;
	v13 =	vadd.f32 v13, v18;
	v34 =	vmov s25;
	v19 =	vmov s22  }
0x79: {  	v24 =	vmul.f32 v29, v24;
	v18 =	vmul.f32 v32, v28;
	v28 =	vadd.f32 v26, v27  }
0x7a: {  	v29 =	vsel vm2, $0xFF61B1E6, v3;
	v9 =	vmax.f32 v9, v12;
	v12 =	vsel vm2, $0x0, v31  }
0x7b: {  	v27 =	vadd.f32 v18, v27;
	v21 =	vmax.f32 v21, v28;
	v28 =	vadd.f32 v14, v25  }
0x7c: {  	v18 =	vadd.f32 v18, v30;
	v30 =	vmul.f32 v12, v15;
	v12 =	vmul.f32 v12, v23  }
0x7d: {  	v23 =	vmov s23;
	v25 =	vadd.f32 v24, v25;
	v15 =	vmax.f32 v16, v27;
	v31 =	vld.idx.msk [tilespmem:v17+s12+$0x0], $0xffff  }
0x7e: {  	v22 =	vadd.f32 v26, v22;
	v26 =	vadd.f32 v30, v29;
	v16 =	vmax.f32 v15, v28;
	v27 =	vld.idx.msk [tilespmem:v33+s12+$0x0], $0xffff  }
0x7f: {  	v10 =	vmax.f32 v11, v10;
	v14 =	vadd.f32 v14, v18;
	v15 =	vmax.f32 v21, v25  }
0x80: {  	v22 =	vadd.f32 v24, v22;
	v11 =	vmax.f32 v10, v26;
	v10 =	vadd.f32 v12, v29  }
0x81: {  	v24 =	vmov s24;
	v18 =	vadd.f32 v30, v13;
	v21 =	vadd.f32 v12, v20  }
0x82: {  	v9 =	vmax.f32 v9, v10;
	v25 =	vld.idx.msk [tilespmem:v23+s12+$0x0], $0xffff  }
0x83: {  	v10 =	vand.u32 $0xFFFFFC00, v31;
	vm1 =	veq.s32 v31, v6  }
0x84: {  	vm0 =	vge.s32 v34, v7;
	v10 =	vmul.f32 $-1.000000000e+01, v10;
	v12 =	vand.u32 $0xFFFFFC00, v27;
	v26 =	vld.idx.msk [tilespmem:v19+s12+$0x0], $0xffff  }
0x85: {  	v13 =	vshll.u32 v31, $0x5;
	v20 =	vshll.u32 v27, $0x5;
	v12 =	vmul.f32 $-1.000000000e+01, v12;
	v28 =	vld.idx.msk [tilespmem:v34+s12+$0x0], $0xffff  }
0x86: {  	vm3 =	vge.s32 v33, v8;
	vm2 =	vge.s32 v24, v7;
	v29 =	vor.u32 v1, v20  }
0x87: {  	v30 =	vor.u32 v4, v13;
	v29 =	vand.u32 $0x7FEF, v29;
	v12 =	vmul.f32 $1.442695020e+00, v12;
	v24 =	vld.idx.msk [tilespmem:v24+s12+$0x0], $0xffff  }
0x88: {  	v13 =	vor.u32 v1, v13;
	v20 =	vor.u32 v4, v20;
	v31 =	vand.u32 $0xFFFFFC00, v25  }
0x89: {  	v30 =	vand.u32 $0x7FFF, v30;
	v32 =	vshll.u32 v25, $0x5;
	(erf) = vpow2.f32 v12  }
0x8a: {  	v10 =	vmul.f32 $1.442695020e+00, v10;
	v33 =	vor.u32 v1, v32;
	v12 =	vand.u32 $0x7FFF, v20  }
0x8b: {  	v34 =	vand.u32 $0xFFFFFC00, v26;
	v35 =	vshll.u32 v26, $0x5;
	v20 =	vand.u32 $0xFFFFFC00, v28  }
0x8c: {  	v31 =	vmul.f32 $-1.000000000e+01, v31;
	v36 =	vshll.u32 v28, $0x5;
	v20 =	vmul.f32 $-1.000000000e+01, v20  }
0x8d: {  	v39 =	vor.u32 v4, v35;
	v37 =	vand.u32 $0xFFFFFC00, v24;
	v38 =	vshll.u32 v24, $0x5;
	v29 =	vld.idx.msk [tilespmem:v29+s3+$0x0], $0xffff  }
0x8e: {  	v41 =	vand.u32 $0x7FEF, v13;
	v37 =	vmul.f32 $-1.000000000e+01, v37;
	v40 =	vor.u32 v1, v38;
	v30 =	vld.idx.msk [tilespmem:v30+s3+$0x0], $0xffff  }
0x8f: {  	v13 =	vor.u32 v4, v38;
	v38 =	vor.u32 v1, v36;
	v40 =	vand.u32 $0x7FEF, v40;
	v12 =	vld.idx.msk [tilespmem:v12+s3+$0x0], $0xffff  }
0x90: {  	v35 =	vor.u32 v1, v35;
	v42 =	vand.u32 $0x7FFF, v13;
	v37 =	vmul.f32 $1.442695020e+00, v37  }
0x91: {  	vm5 =	veq.s32 v27, v6;
	vm4 =	veq.s32 v24, v5;
	v13 =	vmul.f32 $-1.000000000e+01, v34  }
0x92: {  	vm3 =	vmor vm3, vm5;
	v24 =	vmul.f32 $1.442695020e+00, v20;
	(erf) = vpow2.f32 v37;
	v20 =	vpop (erf)  }
0x93: {  	v27 =	vor.u32 v4, v36;
	v34 =	vmul.f32 $1.442695020e+00, v13;
	v20 =	vsel vm3, $0x0, v20  }
0x94: {  	v27 =	vand.u32 $0x7FFF, v27;
	v13 =	vmul.f32 v20, v29;
	(erf) = vpow2.f32 v10  }
0x95: {  	v35 =	vand.u32 $0x7FEF, v35;
	v29 =	vsel vm3, $0xFF61B1E6, v3;
	v20 =	vmul.f32 v20, v12  }
0x96: {  	v37 =	vand.u32 $0x7FFF, v39;
	v36 =	vld.idx.msk [tilespmem:v41+s3+$0x0], $0xffff;
	v10 =	vadd.f32 v13, v29;
	(erf) = vpow2.f32 v34  }
0x97: {  	v38 =	vand.u32 $0x7FEF, v38;
	v12 =	vadd.f32 v20, v29;
	v29 =	vmul.f32 $1.442695020e+00, v31;
	v34 =	vld.idx.msk [tilespmem:v42+s3+$0x0], $0xffff  }
0x98: {  	v39 =	vand.u32 $0x7FEF, v33;
	vm3 =	veq.s32 v26, v5;
	v31 =	vld.idx.msk [tilespmem:v40+s3+$0x0], $0xffff;
	(erf) = vpow2.f32 v24  }
0x99: {  	vm2 =	vmor vm2, vm4;
	v24 =	vor.u32 v4, v32;
	v26 =	vld.idx.msk [tilespmem:v27+s3+$0x0], $0xffff;
	(erf) = vpow2.f32 v29  }
0x9a: {  	vm4 =	veq.s32 v28, v5;
	v29 =	vsel vm2, $0xFF61B1E6, v3;
	v27 =	vand.u32 $0x7FFF, v24;
	v35 =	vld.idx.msk [tilespmem:v35+s3+$0x0], $0xffff  }
0x9b: {  	vm7 =	vge.s32 v23, v8;
	vm5 =	vge.s32 v17, v8;
	vm6 =	veq.s32 v25, v6;
	v24 =	vld.idx.msk [tilespmem:v37+s3+$0x0], $0xffff;
	v17 =	vpop (erf)  }
0x9c: {  	vm8 =	vge.s32 v19, v7;
	v17 =	vsel vm2, $0x0, v17;
	vm2 =	vmor vm7, vm6  }
0x9d: {  	vm1 =	vmor vm5, vm1;
	vm3 =	vmor vm8, vm3;
	v19 =	vmul.f32 v17, v34;
	v23 =	vpop (erf)  }
0x9e: {  	v32 =	vsel vm1, $0xFF61B1E6, v3;
	v34 =	vmul.f32 v17, v31;
	v17 =	vsel vm1, $0x0, v23;
	v28 =	vld.idx.msk [tilespmem:v38+s3+$0x0], $0xffff  }
0x9f: {  	vm0 =	vmor vm0, vm4;
	v36 =	vmul.f32 v17, v36;
	v17 =	vmul.f32 v17, v30;
	v23 =	vld.idx.msk [tilespmem:v27+s3+$0x0], $0xffff;
	v25 =	vpop (erf)  }
.Ltmp1:
0xa0: {  	v30 =	vadd.f32 v34, v29;
	v22 =	vadd.f32 v19, v22;
	v27 =	vsel vm0, $0xFF61B1E6, v3;
	(pc) =	sbr.rel @p0 .LBB2_6-.Ltmp1, $4  }
0xa1: {  	v19 =	vadd.f32 v19, v29;
	v29 =	vsel vm3, $0x0, v25;
	v25 =	vsel vm3, $0xFF61B1E6, v3;
	v37 =	vpop (erf)  }
0xa2: {  	v16 =	vmax.f32 v16, v30;
	v33 =	vadd.f32 v17, v32;
	v17 =	vadd.f32 v17, v21;
	v31 =	vpop (erf)  }
0xa3: {  	v21 =	vmax.f32 v15, v19;
	v19 =	vadd.f32 v36, v32;
	v32 =	vsel vm0, $0x0, v37;
	v15 =	vld.idx.msk [tilespmem:v39+s3+$0x0], $0xffff  }
0xa4: {  	s21 =	smov.u32 s20;
	v30 =	vadd.f32 v34, v14;
	v18 =	vadd.f32 v36, v18;
	v14 =	vmul.f32 v29, v35  }
0xa5: {  	v5 =	vmax.f32 v9, v33;
	v6 =	vmul.f32 v32, v26  }
0xa6: {  	v7 =	vadd.f32 v20, v17;
	v50 =	vmul.f32 v32, v28;
	v8 =	vadd.f32 v13, v18  }
0xa7: {  	v52 =	vmul.f32 v29, v24;
	v56 =	vadd.f32 v14, v25;
	v51 =	vadd.f32 v6, v27  }
0xa8: {  	v53 =	vsel vm2, $0x0, v31;
	v55 =	vadd.f32 v50, v27;
	v9 =	vadd.f32 v50, v30  }
0xa9: {  	v54 =	vsel vm2, $0xFF61B1E6, v3;
	v6 =	vadd.f32 v6, v22;
	v57 =	vadd.f32 v52, v25  }
0xaa: {  	s20 =	sshll.u32 s18, $0x7;
	v58 =	vmul.f32 v53, v15;
	v16 =	vmax.f32 v16, v55;
	v9 =	vadd.f32 v14, v9  }
0xab: {  	s20 =	sand.u32 $0x3FFFFF80, s20;
	v13 =	vmax.f32 v21, v51;
	v6 =	vadd.f32 v52, v6;
	v59 =	vmax.f32 v16, v56  }
0xac: {  	v60 =	vmul.f32 v53, v23;
	v13 =	vmax.f32 v13, v57;
	[tilespmem:s20+$0xE100] =	vst v59;
	v9 =	vmul.f32 $2.500000040e-02, v9  }
0xad: {  	v11 =	vmax.f32 v11, v19;
	s18 =	sadd.s32 $0x1, s18;
	v61 =	vadd.f32 v58, v54;
	[tilespmem:s20+$0xE110] =	vst v13;
	v6 =	vmul.f32 $2.500000040e-02, v6  }
0xae: {  	v10 =	vmax.f32 v11, v10;
	p0 =	sne.s32 s18, $0x8;
	v62 =	vadd.f32 v60, v54;
	v8 =	vadd.f32 v58, v8;
	[tilespmem:s20+$0xE120] =	vst v9  }
.Ltmp2:
0xaf: {  	s19 =	sshll.u32 s19, $0x6;
	v5 =	vmax.f32 v5, v12;
	v7 =	vadd.f32 v60, v7;
	v63 =	vmax.f32 v10, v61;
	[tilespmem:s20+$0xE130] =	vst v6;
	(pc) =	sbr.rel @p0 .LBB2_3-.Ltmp2, $4  }
0xb0: {  	s30 =	sor.u32 $0x50, s19;
	v5 =	vmax.f32 v5, v62;
	v6 =	vmul.f32 $2.500000040e-02, v8;
	[tilespmem:s19+$0xE100] =	vst v63  }
0xb1: {  	s31 =	sor.u32 $0x60, s19;
	[tilespmem:s30+$0xE100] =	vst v5;
	v5 =	vmul.f32 $2.500000040e-02, v7  }
0xb2: {  	s19 =	sor.u32 $0x70, s19;
	[tilespmem:s31+$0xE100] =	vst v6  }
0xb3: {  	[tilespmem:s19+$0xE100] =	vst v5  }
0xb4: {  	s15 =	sadd.s32 $0x1, s15  }
0xb5: {  	s16 =	sshll.u32 s16, $0x3;
	p0 =	sne.s32 s15, $0x10  }
.Ltmp3:
0xb6: {  	s16 =	sadd.s32 s2, s16;
	(pc) =	sbr.rel @p0 .LBB2_2-.Ltmp3, $4  }
0xb7: {  	[hbm4b:s16+s3] =	stream.linear.scatter [tilespmem:s13], [sflag:$0x1], $0x400, $0x38;
	[tilespmem:$0xE500] =	vst v63  }
0xb8: {  	_ =	swait.ge [sflag:s9], $0x400  }
0xb9: {  	[sflag:s9] =	ssyncset.done $0x0  }
0xba: {  	[sflag:s9] =	ssyncadd.s32 $0xFFFFFC00  }
0xbb: {  	s14 =	sadd.s32 $0x1, s14  }
0xbc: {  	p0 =	sne.s32 s14, s8  }
.Ltmp4:
0xbd: {  	_ = 	snop;
	(pc) =	sbr.rel @p0 .LBB2_1-.Ltmp4, $1  }
0xbe: {  	_ =	sdelay $0x3  }
0xbf: {  	_ =	sfence.sel $0x180000  }
0xc0: {  	[bflag:$0x0] =	sbarrier.arrive $0xFFFF  }
0xc1: {  	p0 =	sne.s32 s1, $0x0;
	_ =	strace $0x90000050  }
0xc2: {  	s0 =	sadd.s32 @!p0 $0x100000, s0;
	[bflag:$0x2] =	sbarrier.arrive $0xFFFF  }
0xc3: {  	[sflag:s0] =	ssyncadd.tile.s32 @!p0 $0x1;
	_ =	shalt  }
.Lfunc_end2:
_tile_overlayer_lowered:
.L_overlay_start_2:
0xc4: {  	(tag) =	ssettag $0x2  }
0xc5: {  	s0 =	rddreg [dreg:$0x0];
	s2 =	stileid.u32  }
0xc6: {  	s1 =	rddreg [dreg:$0x1];
	p0 =	sne.s32 s2, $0x0  }
0xc7: {  	s3 =	rddreg [dreg:$0x2];
	[bflag:$0x3] =	sbarrier.arrive $0xFFFF;
	s2 =	simm.s32 @!p0 $0x1C01  }
0xc8: {  	[timem:s3], [sflag:s2] =	dma.local @!p0 [hbm:s0], s1  }
0xc9: {  	s0 =	simm.s32 @!p0 $0x1  }
0xca: {  	_ =	swait.ge @!p0 [sflag:s0], s1  }
0xcb: {  	s1 =	ssub.s32 @!p0 $0x0, s1;
	[sflag:s0] =	ssyncset.done @!p0 $0x0  }
0xcc: {  	[sflag:s0] =	ssyncadd.s32 @!p0 s1  }
0xcd: {  	[bflag:$0x3] =	sbarrier.arrive $0xFFFF  }
0xce: {  	_ =	shalt  }

// kernel: kernel.7.cloned.1.call-start
scs
__scs_entry_jumppad:
0x0: {  	(pc) =	sbr.rel $0x88, $3  }
0x1: {  	(tag) =	ssettag $0x0;
	lr =	simm.s32 $0x1  }
0x2: {  	[smem:$0x3F9A] =	sst lr;
	_ =	strace $0xD0000000  }
0x3: {  	_ = 	snop  }
0x4: {  	_ = 	snop  }
0x5: {  	_ = 	snop  }
0x6: {  	_ = 	snop  }
0x7: {  	_ = 	snop  }
__scs_overlays_trampoline_lowered:
0x8: {  	[smem:$0x3FA9] =	sst s0  }
0x9: {  	[smem:$0x3FAA] =	sst s1  }
0xa: {  	[smem:$0x3FAB] =	sst s2  }
0xb: {  	[smem:$0x3FAC] =	sst s3  }
0xc: {  	[smem:$0x3FAD] =	sst s4  }
0xd: {  	[smem:$0x3FAE] =	sst s5  }
0xe: {  	[smem:$0x3FAF] =	sst s6  }
0xf: {  	[smem:$0x3FB0] =	sst s7  }
0x10: {  	[smem:$0x3FB1] =	sst s8  }
0x11: {  	[smem:$0x3FB2] =	sst s9;
	s0 =	simm.s32 @!p0 $0x0  }
0x12: {  	s1 =	sld [smem:$0x3F98];
	s0 =	simm.s32 @p0 $0x1  }
0x13: {  	[smem:$0x3FB3] =	sst s0;
	s0 =	simm.s32 @!p1 $0x0  }
0x14: {  	s2 =	sld [smem:$0x3F97];
	s0 =	simm.s32 @p1 $0x1  }
0x15: {  	[smem:$0x3FB4] =	sst s0;
	s0 =	simm.s32 @!p2 $0x0  }
0x16: {  	s3 =	sld [smem:$0x3FDB];
	s0 =	simm.s32 @p2 $0x1  }
0x17: {  	s4 =	simm.s32 $0x1BF5;
	[smem:$0x3FB6] =	sst s0  }
0x18: {  	s0 =	sld [smem:$0x3F99];
	_ =	swait.ge [sflag:s4], $0x0  }
0x19: {  	s7 =	sld [smem:$0x3F9A]  }
0x1a: {  	s8 =	sadd.s32 $0xFFFFE003, lr  }
0x1b: {  	s9 =	sadd.s32 $0xFFFFFEF7, lr;
	s5 =	simm.s32 $0xFFFFFFFF;
	p2 =	slt.u32 s8, $0xFFFFF086  }
0x1c: {  	p1 =	slt.u32 s9, $0xF7A;
	s5 =	simm.s32 @!p2 $0x0  }
0x1d: {  	s5 =	simm.s32 @p1 $0x1;
	p0 =	seq.s32 s7, s2  }
0x1e: {  	s7 =	smul.u32 @!p0 $0xF7A, s2;
	p2 =	seq.s32 @!p0 s5, $0x0  }
0x1f: {  	s9 =	smul.u32 $0xF7A, s1;
	s8 =	simm.s32 @!p0 $0x1BF5;
	p2 =	por !p2, p0  }
0x20: {  	[sflag:s8] =	ssyncset.s32 @!p0 $0xFFFFF086;
	s6 =	sadd.s32 @!p0 s3, s7;
	s7 =	simm.s32 @!p0 $0x108  }
0x21: {  	s3 =	sadd.s32 s3, s9;
	s6 =	sadd.s32 @!p0 $0x88, s6;
	s7 =	simm.s32 @p2 $0x1082  }
0x22: {  	[simem:s7], [sflag:s8] =	dma.local @!p0 [hbm:s6], $0xF7A  }
0x23: {  	s9 =	sor.u32 $0xD0000000, s2;
	s6 =	simm.s32 $0x108;
	_ =	swait.ge @!p0 [sflag:s8], $0x0  }
0x24: {  	s3 =	sadd.s32 $0x88, s3;
	s6 =	simm.s32 @!p1 $0x1082;
	[sflag:s4] =	ssyncset.s32 $0xFFFFF086  }
0x25: {  	[simem:s6], [sflag:s4] =	dma.local [hbm:s3], $0xF7A  }
0x26: {  	[smem:$0x3F9A] =	sst s1;
	(tag) =	ssettag s2;
	_ =	strace s9  }
0x27: {  	s1 =	sld [smem:$0x3FAA]  }
0x28: {  	s2 =	sld [smem:$0x3FAB]  }
0x29: {  	s4 =	sld [smem:$0x3FAD]  }
0x2a: {  	p0 =	seq.s32 s5, $0x0;
	s5 =	sld [smem:$0x3FAE]  }
0x2b: {  	s6 =	sld [smem:$0x3FAF]  }
0x2c: {  	s7 =	sld [smem:$0x3FB0]  }
0x2d: {  	s3 =	simm.s32 $0x108;
	s8 =	sld [smem:$0x3FB1]  }
0x2e: {  	s3 =	simm.s32 @!p0 $0x1082;
	s9 =	sld [smem:$0x3FB2]  }
0x2f: {  	lr =	sadd.s32 s0, s3;
	s0 =	sld [smem:$0x3FA9]  }
0x30: {  	s3 =	sld [smem:$0x3FAC]  }
0x31: {  	[smem:$0x3FB5] =	sst s10  }
0x32: {  	s10 =	sld [smem:$0x3FB3];
	_ =	sdelay $0x3  }
0x33: {  	p0 =	seq.s32 s10, $0x1;
	s10 =	sld [smem:$0x3FB5];
	_ =	sdelay $0x3  }
0x34: {  	[smem:$0x3FB5] =	sst s10  }
0x35: {  	s10 =	sld [smem:$0x3FB4];
	_ =	sdelay $0x3  }
0x36: {  	p1 =	seq.s32 s10, $0x1;
	s10 =	sld [smem:$0x3FB5];
	_ =	sdelay $0x3  }
0x37: {  	[smem:$0x3FB5] =	sst s10  }
0x38: {  	s10 =	sld [smem:$0x3FB6]  }
0x39: {  	_ = 	snop;
	(pc) =	sbr.ind lr, $3  }
0x3a: {  	_ = 	snop  }
0x3b: {  	_ = 	snop  }
0x3c: {  	p2 =	seq.s32 s10, $0x1;
	s10 =	sld [smem:$0x3FB5]  }
0x3d: {  	_ =	shalt  }
0x3e: {  	_ =	shalt  }
0x3f: {  	_ =	shalt  }
0x40: {  	_ =	shalt  }
0x41: {  	_ =	shalt  }
0x42: {  	_ =	shalt  }
0x43: {  	_ =	shalt  }
0x44: {  	_ =	shalt  }
0x45: {  	_ =	shalt  }
0x46: {  	_ =	shalt  }
0x47: {  	_ =	shalt  }
0x48: {  	_ =	shalt  }
0x49: {  	_ =	shalt  }
0x4a: {  	_ =	shalt  }
0x4b: {  	_ =	shalt  }
0x4c: {  	_ =	shalt  }
0x4d: {  	_ =	shalt  }
0x4e: {  	_ =	shalt  }
0x4f: {  	_ =	shalt  }
0x50: {  	_ =	shalt  }
0x51: {  	_ =	shalt  }
0x52: {  	_ =	shalt  }
0x53: {  	_ =	shalt  }
0x54: {  	_ =	shalt  }
0x55: {  	_ =	shalt  }
0x56: {  	_ =	shalt  }
0x57: {  	_ =	shalt  }
0x58: {  	_ =	shalt  }
0x59: {  	_ =	shalt  }
0x5a: {  	_ =	shalt  }
0x5b: {  	_ =	shalt  }
0x5c: {  	_ =	shalt  }
0x5d: {  	_ =	shalt  }
0x5e: {  	_ =	shalt  }
0x5f: {  	_ =	shalt  }
0x60: {  	_ =	shalt  }
0x61: {  	_ =	shalt  }
0x62: {  	_ =	shalt  }
0x63: {  	_ =	shalt  }
0x64: {  	_ =	shalt  }
0x65: {  	_ =	shalt  }
0x66: {  	_ =	shalt  }
0x67: {  	_ =	shalt  }
0x68: {  	_ =	shalt  }
0x69: {  	_ =	shalt  }
0x6a: {  	_ =	shalt  }
0x6b: {  	_ =	shalt  }
0x6c: {  	_ =	shalt  }
0x6d: {  	_ =	shalt  }
0x6e: {  	_ =	shalt  }
0x6f: {  	_ =	shalt  }
0x70: {  	_ =	shalt  }
0x71: {  	_ =	shalt  }
0x72: {  	_ =	shalt  }
0x73: {  	_ =	shalt  }
0x74: {  	_ =	shalt  }
0x75: {  	_ =	shalt  }
0x76: {  	_ =	shalt  }
0x77: {  	_ =	shalt  }
0x78: {  	_ =	shalt  }
0x79: {  	_ =	shalt  }
0x7a: {  	_ =	shalt  }
0x7b: {  	_ =	shalt  }
0x7c: {  	_ =	shalt  }
0x7d: {  	_ =	shalt  }
0x7e: {  	_ =	shalt  }
0x7f: {  	_ =	shalt  }
0x80: {  	_ =	shalt  }
0x81: {  	_ =	shalt  }
0x82: {  	_ =	shalt  }
0x83: {  	_ =	shalt  }
0x84: {  	_ =	shalt  }
0x85: {  	_ =	shalt  }
0x86: {  	_ =	shalt  }
0x87: {  	_ =	shalt  }
.Lfunc_end0:
.L_simem_size_0:
called_computation.2_lowered:
.L_overlay_start_0:
0x88: {  	s2 =	sld [smem:$0x3FD9]  }
0x89: {  	s3 =	sld [smem:$0x3FFE];
	_ =	sdelay $0x1  }
0x8a: {  	s1 =	srdreg.scid  }
0x8b: {  	s0 =	sand.u32 $0x1, s1  }
0x8c: {  	s17 =	sshll.u32 s0, $0xA;
	s2 =	sadd.s32 s3, s2  }
0x8d: {  	s2 =	sadd.s32 s2, s17  }
0x8e: {  	[smem:$0x3FC1] =	sst s2  }
0x8f: {  	_ = 	snop  }
0x90: {  	(tm) =	ssettm $0x1  }
0x91: {  	s18 =	sld [smem:$0x3FFB];
	_ =	sdelay $0x3  }
0x92: {  	_ =	strace s18  }
0x93: {  	s2 =	sld [smem:$0x3FFC];
	_ =	sdelay $0x3  }
0x94: {  	_ =	strace s2  }
0x95: {  	s2 =	sld [smem:$0x3FFD];
	_ =	sdelay $0x3  }
0x96: {  	_ =	strace s2  }
0x97: {  	_ =	strace $0x8FFFFFFF  }
0x98: {  	s19 =	sld [smem:$0x3FDB];
	_ =	sdelay $0x1  }
0x99: {  	s20 =	simm.s32 $_scs_section_size  }
0x9a: {  	s4 =	simm.s32 $_size__tile_overlayer_lowered;
	s5 =	simm.s32 $_tile_overlayer_lowered  }
0x9b: {  	s6 =	simm.s32 $0x1BFF;
	s21 =	sshll.u32 s5, $0x1;
	s3 =	sadd.s32 s20, s19  }
0x9c: {  	s22 =	simm.s32 $0x0;
	s4 =	sshll.u32 s4, $0x1;
	s5 =	sadd.s32 s21, s3  }
0x9d: {  	[timem:s22], [sflag:s6] =	dma.local [hbm:s5], s4  }
0x9e: {  	_ =	swait.ge [sflag:s6], s4  }
0x9f: {  	s4 =	ssub.s32 $0x0, s4;
	[sflag:s6] =	ssyncset.done $0x0  }
0xa0: {  	[sflag:s6] =	ssyncadd.s32 s4;
	_ =	sdelay $0x1  }
0xa1: {  	s23 =	simm.s32 $0x1B8B  }
0xa2: {  	_ =	swait.ge [sflag:s23], $0x1  }
0xa3: {  	[sflag:s23] =	ssyncset.done $0x0  }
0xa4: {  	[sflag:s23] =	ssyncadd.s32 $0xFFFFFFFF  }
0xa5: {  	s4 =	sld [smem:$0x0]  }
0xa6: {  	s5 =	sand.u32 $0xFFFFFFFE, s1  }
0xa7: {  	p0 =	sne.s32 s1, s5  }
0xa8: {  	s5 =	sshll.u32 @p0 s5, $0xE  }
0xa9: {  	s5 =	sadd.s32 @p0 $0x11B8D, s5;
	s6 =	sshll.u32 @p0 s4, $0x11  }
0xaa: {  	s5 =	sor.u32 @p0 s6, s5  }
0xab: {  	[sflag:s5] =	ssyncadd.remote.s32 @p0 $0x1;
	_ =	sdelay $0x1  }
0xac: {  	s5 =	simm.s32 @p0 $0x1B8D  }
0xad: {  	_ =	swait.eq @p0 [sflag:s5], $0x1  }
0xae: {  	[sflag:s5] =	ssyncadd.s32 @p0 $0xFFFFFFFF  }
0xaf: {  	s6 =	sshll.u32 @!p0 s1, $0xE  }
0xb0: {  	s6 =	sor.u32 @!p0 $0x4000, s6;
	s5 =	simm.s32 @!p0 $0x1B8D  }
0xb1: {  	s4 =	sshll.u32 @!p0 s4, $0x11;
	s6 =	sadd.s32 @!p0 $0x11B8D, s6;
	_ =	swait.eq @!p0 [sflag:s5], $0x1  }
0xb2: {  	s4 =	sor.u32 @!p0 s4, s6;
	[sflag:s5] =	ssyncadd.s32 @!p0 $0xFFFFFFFF  }
0xb3: {  	s25 =	simm.s32 $0x1B8E;
	s24 =	sld [smem:$0x3FFE];
	[sflag:s4] =	ssyncadd.remote.s32 @!p0 $0x1  }
0xb4: {  	s26 =	simm.s32 $execute0_lowered;
	[smem:$0x3FD2] =	sst s25  }
0xb5: {  	s5 =	sshll.u32 s26, $0x1;
	_ =	strace $0x8000004C;
	[dreg:$0x1] =	wrdreg $0xFFFFFFFF  }
0xb6: {  	s28 =	simm.s32 $_size_execute0_lowered;
	s3 =	sadd.s32 s3, s5;
	[dreg:$0x0] =	wrdreg $0x0  }
0xb7: {  	s5 =	sshll.u32 s28, $0x1;
	[dreg:$0x2] =	wrdreg s3  }
0xb8: {  	[dreg:$0x3] =	wrdreg s5  }
0xb9: {  	[dreg:$0x4] =	wrdreg $0xC0  }
0xba: {  	_ =	task [dreg:s22], $0x5FFFF  }
0xbb: {  	[dreg:$0x1] =	wrdreg $0xFFFFFFFF  }
0xbc: {  	[dreg:$0x0] =	wrdreg $0x60  }
0xbd: {  	[dreg:$0x2] =	wrdreg s24  }
0xbe: {  	[dreg:$0x3] =	wrdreg $0xA  }
0xbf: {  	_ =	task.clear_ibuf [dreg:s22], $0x4FFFF;
	_ =	strace $0x9000004C  }
0xc0: {  	s29 =	simm.s32 $0xA;
	_ =	strace $0x8000004E  }
0xc1: {  	_ =	swait.ge [sflag:s29], $0x1  }
0xc2: {  	[sflag:s29] =	ssyncadd.s32 $0xFFFFFFFF  }
0xc3: {  	_ =	strace $0x9000004E  }
0xc4: {  	_ =	sfence  }
0xc5: {  	s30 =	sld [smem:$0x0];
	_ =	sdelay $0x2  }
0xc6: {  	s31 =	sshll.u32 s1, $0xD;
	s1 =	sshrl.u32 s1, $0x2  }
0xc7: {  	s4 =	sand.u32 $0x4000, s31;
	s1 =	sadd.s32 s1, s30  }
0xc8: {  	s0 =	sor.u32 s4, s0;
	s1 =	sshll.u32 s1, $0x11  }
0xc9: {  	s0 =	sor.u32 s1, s0  }
0xca: {  	s0 =	sadd.s32 $0x8F2B, s0  }
0xcb: {  	[sflag:s0] =	ssyncadd.remote.s32 $0x1  }
0xcc: {  	_ =	sfence.sel $0xFFFF  }
0xcd: {  	[dreg:$0x0] =	wrdreg $0xFFFFFFFF;
	(pc) =	sbr.abs _section_cstart, $3  }
0xce: {  	[dreg:$0x1] =	wrdreg $0xFFFFFFFF  }
0xcf: {  	_ =	task.clear_ibuf [dreg:s22], $0x2FFFF;
	_ =	strace $0x9FFFFFFF  }
0xd0: {  	(tm) =	ssettm $0x7FFFFFFF  }
0xd1: {  	_ =	shalt  }
tec
execute0_lowered:
.L_overlay_start_1:
0x0: {  	(tag) =	ssettag $0x1  }
0x1: {  	s4 =	rddreg [dreg:$0x0]  }
0x2: {  	s0 =	rddreg [dreg:$0x1]  }
0x3: {  	s3 =	srdreg.scid;
	s1 =	stileid.u32;
	s2 =	simm.s32 $0x0  }
0x4: {  	s10 =	simm.s32 $0x8000;
	s11 =	simm.s32 $0xA000;
	s12 =	simm.s32 $0xE000  }
0x5: {  	s13 =	simm.s32 $0xE100;
	s5 =	sand.u32 $0x1, s3;
	s31 =	sshll.u32 s1, $0x1  }
0x6: {  	s14 =	simm.s32 $0x0;
	[smem:$0x7FF] =	sst s2;
	s6 =	sor.u32 s5, s31  }
0x7: {  	s3 =	sadd.s32 $0x102600, s4;
	s5 =	ssub.s32 $0x2, s5;
	s7 =	sshll.u32 s6, $0xA  }
0x8: {  	_ =	strace $0x8000004D;
	s9 =	sshrl.u32 s5, $0x1;
	s8 =	sand.u32 $0x7000, s7  }
0x9: {  	s7 =	sadd.s32 s7, s4;
	s9 =	ssub.s32 s5, s9;
	s5 =	sshll.u32 s6, $0x8  }
0xa: {  	v0 =	vimm.s32 $0x0;
	v1 =	vlaneseq.u32;
	s8 =	sadd.s32 s8, s4;
	s4 =	sadd.s32 $0x2600, s4;
	s7 =	sadd.s32 $0x402600, s7  }
0xb: {  	v2 =	vimm.s32 $0xF;
	v3 =	vimm.f32 $0.0e+00;
	v4 =	vor.u32 $0x10, v1;
	s6 =	sadd.s32 $0x40A600, s8;
	s8 =	smax.u32 s9, $0x1;
	s9 =	simm.s32 $0x1  }
.LBB2_1:
0xc: {  	[tilespmem:s2], [sflag:$0x1] =	stream.linear.gather [hbm4b:s6+s2], $0x8000, $0x38;
	[tilespmem:$0xE500] =	vst v63  }
0xd: {  	_ =	swait.ge [sflag:s9], $0x8000  }
0xe: {  	[sflag:s9] =	ssyncset.done $0x0  }
0xf: {  	[sflag:s9] =	ssyncadd.s32 $0xFFFF8000  }
0x10: {  	[tilespmem:s10], [sflag:$0x1] =	stream.linear.gather [hbm4b:s7+s2], $0x2000, $0x38;
	[tilespmem:$0xE500] =	vst v63  }
0x11: {  	_ =	swait.ge [sflag:s9], $0x2000  }
0x12: {  	[sflag:s9] =	ssyncset.done $0x0  }
0x13: {  	s15 =	simm.s32 $0x0;
	[sflag:s9] =	ssyncadd.s32 $0xFFFFE000  }
.LBB2_2:
0x14: {  	s17 =	sshll.u32 s15, $0x4  }
0x15: {  	s16 =	sadd.s32 s5, s17  }
0x16: {  	s18 =	sshll.u32 s16, $0x7  }
0x17: {  	s19 =	sadd.s32 s3, s18;
	s18 =	simm.s32 $0x0  }
0x18: {  	[tilespmem:s11], [sflag:$0x1] =	stream.linear.gather [hbm4b:s19+s18], $0x4000, $0x38;
	[tilespmem:$0xE500] =	vst v63  }
0x19: {  	_ =	swait.ge [sflag:s9], $0x4000  }
0x1a: {  	[sflag:s9] =	ssyncset.done $0x0  }
0x1b: {  	[sflag:s9] =	ssyncadd.s32 $0xFFFFC000  }
.LBB2_3:
0x1c: {  	s19 =	sshll.u32 s18, $0x1  }
0x1d: {  	s20 =	sadd.s32 s17, s19  }
0x1e: {  	s19 =	sshllo.u32 s18, $0x1;
	s20 =	sshll.u32 s20, $0x5  }
0x1f: {  	s21 =	sadd.s32 s17, s19;
	s20 =	sand.u32 $0x3FFFFFE0, s20  }
0x20: {  	s21 =	sshll.u32 s21, $0x5;
	v9 =	vld [tilespmem:s20+$0x8000]  }
0x21: {  	s31 =	sshll.u32 s18, $0xB;
	s22 =	sshll.u32 s19, $0xA;
	v5 =	vld [tilespmem:s20+$0x8010];
	s30 =	sand.u32 $0x3FFFFFE0, s21  }
0x22: {  	s22 =	sand.u32 $0x3FFFFC00, s22;
	s21 =	sand.u32 $0x3FFFF800, s31;
	v10 =	vld [tilespmem:s30+$0x8000]  }
0x23: {  	v7 =	vimm.s32 $0x0;
	v8 =	vimm.s32 $0x50;
	v6 =	vld [tilespmem:s30+$0x8010];
	s20 =	sadd.s32 $0xA000, s21;
	s21 =	sadd.s32 $0xA000, s22;
	s22 =	simm.s32 $0x0  }
.LBB2_4:
0x24: {  	s23 =	sand.u32 $0x380, s22  }
0x25: {  	s24 =	sand.u32 $0x60, s22;
	s25 =	sadd.s32 s23, s20  }
0x26: {  	s23 =	sadd.s32 s23, s21;
	s26 =	sadd.s32 s24, s25  }
0x27: {  	s31 =	sadd.s32 s24, s23;
	v11 =	vld [tilespmem:s26+$0x0]  }
0x28: {  	v12 =	vld [tilespmem:s31+$0x0];
	_ =	sdelay $0x3  }
0x29: {  	vm0 =	vle.s32 v11, v9  }
0x2a: {  	vm1 =	vle.s32 v12, v10;
	v13 =	vsel vm0, $0x1, v0  }
0x2b: {  	v55 =	vsel vm1, $0x1, v0;
	(xrf0) =	vadd.scan.msk.s32 $0xffff, v13  }
0x2c: {  	(xrf0) =	vadd.scan.msk.s32 $0xffff, v55;
	_ =	sdelay $0x4  }
0x2d: {  	v56, _, _ =	vpop (xrf0)  }
0x2e: {  	v14 =	vadd.s32 v56, v7;
	v15, _, _ =	vpop (xrf0)  }
0x2f: {  	v14 =	vadd.s32 $0xFFFFFFFF, v14;
	v16 =	vadd.s32 v15, v8  }
0x30: {  	v14 =	vnsel vm0, $0x4F, v14;
	v16 =	vadd.s32 $0xFFFFFFFF, v16  }
0x31: {  	v16 =	vnsel vm1, $0x9F, v16;
	_ =	sdelay $0x3  }
0x32: {  	s24 =	sor.u32 $0x10, s24;
	[tilespmem:v14+s12+$0x0] =	vst.idx.msk $0xffff, v11  }
0x33: {  	s25 =	sadd.s32 s24, s25;
	[tilespmem:v16+s12+$0x0] =	vst.idx.msk $0xffff, v12  }
0x34: {  	s23 =	sadd.s32 s24, s23;
	v11 =	vld [tilespmem:s25+$0x0]  }
0x35: {  	v12 =	vld [tilespmem:s23+$0x0];
	_ =	sdelay $0x3  }
0x36: {  	vm11 =	vle.s32 v11, v9  }
0x37: {  	vm12 =	vle.s32 v12, v10;
	v57 =	vsel vm11, $0x1, v0  }
0x38: {  	v58 =	vsel vm12, $0x1, v0;
	(xrf0) =	vadd.scan.msk.s32 $0xffff, v57  }
0x39: {  	(xrf0) =	vadd.scan.msk.s32 $0xffff, v58  }
0x3a: {  	v13 =	vperm.xlane v56, v2  }
0x3b: {  	v59 =	vperm.xlane v15, v2  }
0x3c: {  	v7 =	vadd.s32 v7, v13  }
0x3d: {  	vm2 =	vlt.s32 v7, $0x40;
	v8 =	vadd.s32 v8, v59  }
0x3e: {  	v7 =	vnsel vm2, $0x40, v7;
	vm13 =	vlt.s32 v8, $0x90;
	v60, _, _ =	vpop (xrf0)  }
0x3f: {  	v8 =	vnsel vm13, $0x90, v8;
	v61 =	vadd.s32 v60, v7;
	v62, _, _ =	vpop (xrf0)  }
0x40: {  	v14 =	vadd.s32 $0xFFFFFFFF, v61;
	v63 =	vadd.s32 v62, v8  }
0x41: {  	v14 =	vnsel vm11, $0x4F, v14;
	v16 =	vadd.s32 $0xFFFFFFFF, v63  }
0x42: {  	p0 =	sne.s32 s22, $0x3E0;
	v16 =	vnsel vm12, $0x9F, v16  }
.Ltmp0:
0x43: {  	v13 =	vperm.xlane v60, v2;
	v15 =	vperm.xlane v62, v2;
	(pc) =	sbr.rel @p0 .LBB2_4-.Ltmp0, $4  }
0x44: {  	_ = 	snop  }
0x45: {  	v7 =	vadd.s32 v7, v13;
	v8 =	vadd.s32 v8, v15  }
0x46: {  	vm14 =	vlt.s32 v7, $0x40;
	vm15 =	vlt.s32 v8, $0x90;
	[tilespmem:v14+s12+$0x0] =	vst.idx.msk $0xffff, v11  }
0x47: {  	s22 =	sadd.s32 $0x20, s22;
	v7 =	vnsel vm14, $0x40, v7;
	v8 =	vnsel vm15, $0x90, v8;
	[tilespmem:v16+s12+$0x0] =	vst.idx.msk $0xffff, v12  }
0x48: {  	s20 =	simm.s32 $0x50  }
0x49: {  	s21 =	simm.s32 $0x51;
	v11 =	vmov s20  }
0x4a: {  	s28 =	simm.s32 $0x52;
	v10 =	vmov s21  }
0x4b: {  	s29 =	simm.s32 $0x1;
	v14 =	vmov s28  }
0x4c: {  	s30 =	simm.s32 $0x2;
	v15 =	vmov s29  }
0x4d: {  	s31 =	simm.s32 $0x0;
	v16 =	vmov s30  }
0x4e: {  	v17 =	vmov s31;
	v12 =	vld.idx.msk [tilespmem:v11+s12+$0x0], $0xffff  }
0x4f: {  	v13 =	vld.idx.msk [tilespmem:v10+s12+$0x0], $0xffff  }
0x50: {  	v19 =	vld.idx.msk [tilespmem:v14+s12+$0x0], $0xffff  }
0x51: {  	vm0 =	vge.s32 v15, v7;
	v15 =	vld.idx.msk [tilespmem:v15+s12+$0x0], $0xffff  }
0x52: {  	v9 =	vimm.f32 $-3.000000010e+38;
	v23 =	vld.idx.msk [tilespmem:v16+s12+$0x0], $0xffff  }
0x53: {  	v18 =	vimm.f32 $0.0e+00;
	vm2 =	vge.s32 v17, v7;
	vm3 =	vge.s32 v10, v8;
	v17 =	vld.idx.msk [tilespmem:v17+s12+$0x0], $0xffff  }
0x54: {  	vm15 =	vge.s32 v11, v8;
	vm7 =	vge.s32 v14, v8;
	vm8 =	vge.s32 v16, v7  }
0x55: {  	v20 =	vand.u32 $0xFFFFFC00, v12;
	vm1 =	veq.s32 v12, v6;
	v21 =	vand.u32 $0xFFFFFC00, v13  }
0x56: {  	v12 =	vshll.u32 v12, $0x5;
	v22 =	vshll.u32 v13, $0x5;
	v25 =	vand.u32 $0xFFFFFC00, v19  }
0x57: {  	v27 =	vand.u32 $0xFFFFFC00, v15;
	v28 =	vand.u32 $0xFFFFFC00, v23;
	v21 =	vmul.f32 $-1.000000000e+01, v21  }
0x58: {  	v29 =	vshll.u32 v23, $0x5;
	v30 =	vshll.u32 v15, $0x5;
	v31 =	vand.u32 $0xFFFFFC00, v17  }
0x59: {  	v32 =	vshll.u32 v17, $0x5;
	vm4 =	veq.s32 v13, v6;
	v21 =	vmul.f32 $1.442695020e+00, v21  }
0x5a: {  	vm5 =	veq.s32 v17, v5;
	vm14 =	veq.s32 v15, v5;
	vm6 =	veq.s32 v19, v6  }
0x5b: {  	v20 =	vmul.f32 $-1.000000000e+01, v20;
	v10 =	vor.u32 v1, v22;
	(erf) = vpow2.f32 v21  }
0x5c: {  	v24 =	vor.u32 v4, v12;
	v12 =	vor.u32 v1, v12;
	v27 =	vmul.f32 $-1.000000000e+01, v27  }
0x5d: {  	v22 =	vor.u32 v4, v22;
	v25 =	vmul.f32 $-1.000000000e+01, v25;
	v31 =	vmul.f32 $-1.000000000e+01, v31  }
0x5e: {  	v33 =	vor.u32 v1, v32;
	v34 =	vor.u32 v4, v29;
	v22 =	vand.u32 $0x7FFF, v22  }
0x5f: {  	v62 =	vor.u32 v1, v30;
	v29 =	vor.u32 v1, v29;
	vm3 =	vmor vm3, vm4  }
0x60: {  	v17 =	vmul.f32 $-1.000000000e+01, v28;
	v30 =	vor.u32 v4, v30;
	v31 =	vmul.f32 $1.442695020e+00, v31  }
0x61: {  	vm2 =	vmor vm2, vm5;
	v10 =	vand.u32 $0x7FEF, v10;
	v35 =	vand.u32 $0x7FEF, v12  }
0x62: {  	v12 =	vor.u32 v4, v32;
	v20 =	vmul.f32 $1.442695020e+00, v20;
	(erf) = vpow2.f32 v31  }
0x63: {  	vm1 =	vmor vm15, vm1;
	vm0 =	vmor vm0, vm14;
	v12 =	vand.u32 $0x7FFF, v12;
	v22 =	vld.idx.msk [tilespmem:v22+s2+$0x0], $0xffff  }
0x64: {  	v33 =	vand.u32 $0x7FEF, v33;
	v17 =	vmul.f32 $1.442695020e+00, v17;
	v13 =	vpop (erf);
	(erf) = vpow2.f32 v20  }
0x65: {  	v30 =	vand.u32 $0x7FFF, v30;
	v27 =	vmul.f32 $1.442695020e+00, v27;
	v25 =	vmul.f32 $1.442695020e+00, v25  }
0x66: {  	v21 =	vand.u32 $0x7FFF, v24;
	v24 =	vshll.u32 v19, $0x5;
	v10 =	vld.idx.msk [tilespmem:v10+s2+$0x0], $0xffff;
	(erf) = vpow2.f32 v17  }
0x67: {  	v19 =	vsel vm1, $0xFF61B1E6, v3;
	v28 =	vsel vm3, $0x0, v13;
	(erf) = vpow2.f32 v27  }
0x68: {  	v26 =	vor.u32 v1, v24;
	v20 =	vmul.f32 v28, v22;
	v22 =	vand.u32 $0x7FEF, v29;
	v29 =	vld.idx.msk [tilespmem:v12+s2+$0x0], $0xffff  }
0x69: {  	v31 =	vsel vm3, $0xFF61B1E6, v3;
	v24 =	vor.u32 v4, v24;
	vm3 =	veq.s32 v23, v5;
	v23 =	vld.idx.msk [tilespmem:v33+s2+$0x0], $0xffff  }
0x6a: {  	v63 =	vand.u32 $0x7FEF, v26;
	v26 =	vld.idx.msk [tilespmem:v35+s2+$0x0], $0xffff;
	v15 =	vand.u32 $0x7FFF, v24;
	v17 =	vand.u32 $0x7FEF, v62  }
0x6b: {  	v21 =	vld.idx.msk [tilespmem:v21+s2+$0x0], $0xffff;
	v11 =	vpop (erf);
	v13 =	vmul.f32 v28, v10;
	v28 =	vand.u32 $0x7FFF, v34;
	(erf) = vpow2.f32 v25  }
0x6c: {  	v11 =	vsel vm2, $0x0, v11;
	vm3 =	vmor vm8, vm3;
	v27 =	vsel vm0, $0xFF61B1E6, v3  }
0x6d: {  	v25 =	vsel vm2, $0xFF61B1E6, v3;
	vm2 =	vmor vm7, vm6;
	v16 =	vmul.f32 v11, v29;
	v14 =	vpop (erf)  }
0x6e: {  	v10 =	vadd.f32 v13, v31;
	v11 =	vmul.f32 v11, v23;
	v14 =	vsel vm1, $0x0, v14  }
0x6f: {  	v12 =	vadd.f32 v20, v31;
	v36 =	vld.idx.msk [tilespmem:v22+s2+$0x0], $0xffff;
	v22 =	vadd.f32 v16, v18;
	v23 =	vpop (erf);
	v35 =	vmul.f32 v14, v26  }
0x70: {  	v14 =	vmul.f32 v14, v21;
	v21 =	vadd.f32 v11, v25;
	v26 =	vld.idx.msk [tilespmem:v30+s2+$0x0], $0xffff;
	v30 =	vadd.f32 v16, v25;
	v31 =	vpop (erf)  }
0x71: {  	v24 =	vld.idx.msk [tilespmem:v28+s2+$0x0], $0xffff;
	v29 =	vsel vm3, $0x0, v23;
	v25 =	vsel vm3, $0xFF61B1E6, v3;
	v32 =	vsel vm0, $0x0, v31  }
0x72: {  	v28 =	vld.idx.msk [tilespmem:v17+s2+$0x0], $0xffff;
	v16 =	vmax.f32 v9, v21;
	v33 =	vadd.f32 v14, v19;
	v17 =	vadd.f32 v14, v18  }
0x73: {  	v23 =	vld.idx.msk [tilespmem:v15+s2+$0x0], $0xffff;
	v21 =	vmax.f32 v9, v30;
	v19 =	vadd.f32 v35, v19;
	v30 =	vadd.f32 v11, v18  }
0x74: {  	s21 =	simm.s32 $0x3;
	v15 =	vld.idx.msk [tilespmem:v63+s2+$0x0], $0xffff;
	v31 =	vpop (erf);
	v18 =	vadd.f32 v35, v18;
	v14 =	vmul.f32 v29, v36;
	v11 =	vimm.f32 $-3.000000010e+38  }
.LBB2_6:
0x75: {  	s20 =	sadd.s32 $0x50, s21  }
0x76: {  	s22 =	sadd.s32 $0x51, s21;
	s23 =	sadd.s32 $0x52, s21;
	v9 =	vmax.f32 v9, v33;
	v26 =	vmul.f32 v32, v26;
	v20 =	vadd.f32 v20, v17;
	s24 =	smov.u32 s21  }
0x77: {  	v11 =	vmax.f32 v11, v19;
	v17 =	vmov s20;
	s25 =	sadd.s32 $0x1, s24;
	v33 =	vmov s22;
	s22 =	sadd.s32 $0x2, s24;
	s20 =	sadd.s32 $0x3, s21  }
0x78: {  	p0 =	sne.s32 s21, $0x2D;
	v13 =	vadd.f32 v13, v18;
	v34 =	vmov s25;
	v19 =	vmov s22  }
0x79: {  	v24 =	vmul.f32 v29, v24;
	v18 =	vmul.f32 v32, v28;
	v28 =	vadd.f32 v26, v27  }
0x7a: {  	v29 =	vsel vm2, $0xFF61B1E6, v3;
	v9 =	vmax.f32 v9, v12;
	v12 =	vsel vm2, $0x0, v31  }
0x7b: {  	v27 =	vadd.f32 v18, v27;
	v21 =	vmax.f32 v21, v28;
	v28 =	vadd.f32 v14, v25  }
0x7c: {  	v18 =	vadd.f32 v18, v30;
	v30 =	vmul.f32 v12, v15;
	v12 =	vmul.f32 v12, v23  }
0x7d: {  	v23 =	vmov s23;
	v25 =	vadd.f32 v24, v25;
	v15 =	vmax.f32 v16, v27;
	v31 =	vld.idx.msk [tilespmem:v17+s12+$0x0], $0xffff  }
0x7e: {  	v22 =	vadd.f32 v26, v22;
	v26 =	vadd.f32 v30, v29;
	v16 =	vmax.f32 v15, v28;
	v27 =	vld.idx.msk [tilespmem:v33+s12+$0x0], $0xffff  }
0x7f: {  	v10 =	vmax.f32 v11, v10;
	v14 =	vadd.f32 v14, v18;
	v15 =	vmax.f32 v21, v25  }
0x80: {  	v22 =	vadd.f32 v24, v22;
	v11 =	vmax.f32 v10, v26;
	v10 =	vadd.f32 v12, v29  }
0x81: {  	v24 =	vmov s24;
	v18 =	vadd.f32 v30, v13;
	v21 =	vadd.f32 v12, v20  }
0x82: {  	v9 =	vmax.f32 v9, v10;
	v25 =	vld.idx.msk [tilespmem:v23+s12+$0x0], $0xffff  }
0x83: {  	v10 =	vand.u32 $0xFFFFFC00, v31;
	vm1 =	veq.s32 v31, v6  }
0x84: {  	vm0 =	vge.s32 v34, v7;
	v10 =	vmul.f32 $-1.000000000e+01, v10;
	v12 =	vand.u32 $0xFFFFFC00, v27;
	v26 =	vld.idx.msk [tilespmem:v19+s12+$0x0], $0xffff  }
0x85: {  	v13 =	vshll.u32 v31, $0x5;
	v20 =	vshll.u32 v27, $0x5;
	v12 =	vmul.f32 $-1.000000000e+01, v12;
	v28 =	vld.idx.msk [tilespmem:v34+s12+$0x0], $0xffff  }
0x86: {  	vm3 =	vge.s32 v33, v8;
	vm2 =	vge.s32 v24, v7;
	v29 =	vor.u32 v1, v20  }
0x87: {  	v30 =	vor.u32 v4, v13;
	v29 =	vand.u32 $0x7FEF, v29;
	v12 =	vmul.f32 $1.442695020e+00, v12;
	v24 =	vld.idx.msk [tilespmem:v24+s12+$0x0], $0xffff  }
0x88: {  	v13 =	vor.u32 v1, v13;
	v20 =	vor.u32 v4, v20;
	v31 =	vand.u32 $0xFFFFFC00, v25  }
0x89: {  	v30 =	vand.u32 $0x7FFF, v30;
	v32 =	vshll.u32 v25, $0x5;
	(erf) = vpow2.f32 v12  }
0x8a: {  	v10 =	vmul.f32 $1.442695020e+00, v10;
	v33 =	vor.u32 v1, v32;
	v12 =	vand.u32 $0x7FFF, v20  }
0x8b: {  	v34 =	vand.u32 $0xFFFFFC00, v26;
	v35 =	vshll.u32 v26, $0x5;
	v20 =	vand.u32 $0xFFFFFC00, v28  }
0x8c: {  	v31 =	vmul.f32 $-1.000000000e+01, v31;
	v36 =	vshll.u32 v28, $0x5;
	v20 =	vmul.f32 $-1.000000000e+01, v20  }
0x8d: {  	v39 =	vor.u32 v4, v35;
	v37 =	vand.u32 $0xFFFFFC00, v24;
	v38 =	vshll.u32 v24, $0x5;
	v29 =	vld.idx.msk [tilespmem:v29+s2+$0x0], $0xffff  }
0x8e: {  	v41 =	vand.u32 $0x7FEF, v13;
	v37 =	vmul.f32 $-1.000000000e+01, v37;
	v40 =	vor.u32 v1, v38;
	v30 =	vld.idx.msk [tilespmem:v30+s2+$0x0], $0xffff  }
0x8f: {  	v13 =	vor.u32 v4, v38;
	v38 =	vor.u32 v1, v36;
	v40 =	vand.u32 $0x7FEF, v40;
	v12 =	vld.idx.msk [tilespmem:v12+s2+$0x0], $0xffff  }
0x90: {  	v35 =	vor.u32 v1, v35;
	v42 =	vand.u32 $0x7FFF, v13;
	v37 =	vmul.f32 $1.442695020e+00, v37  }
0x91: {  	vm5 =	veq.s32 v27, v6;
	vm4 =	veq.s32 v24, v5;
	v13 =	vmul.f32 $-1.000000000e+01, v34  }
0x92: {  	vm3 =	vmor vm3, vm5;
	v24 =	vmul.f32 $1.442695020e+00, v20;
	(erf) = vpow2.f32 v37;
	v20 =	vpop (erf)  }
0x93: {  	v27 =	vor.u32 v4, v36;
	v34 =	vmul.f32 $1.442695020e+00, v13;
	v20 =	vsel vm3, $0x0, v20  }
0x94: {  	v27 =	vand.u32 $0x7FFF, v27;
	v13 =	vmul.f32 v20, v29;
	(erf) = vpow2.f32 v10  }
0x95: {  	v35 =	vand.u32 $0x7FEF, v35;
	v29 =	vsel vm3, $0xFF61B1E6, v3;
	v20 =	vmul.f32 v20, v12  }
0x96: {  	v37 =	vand.u32 $0x7FFF, v39;
	v36 =	vld.idx.msk [tilespmem:v41+s2+$0x0], $0xffff;
	v10 =	vadd.f32 v13, v29;
	(erf) = vpow2.f32 v34  }
0x97: {  	v38 =	vand.u32 $0x7FEF, v38;
	v12 =	vadd.f32 v20, v29;
	v29 =	vmul.f32 $1.442695020e+00, v31;
	v34 =	vld.idx.msk [tilespmem:v42+s2+$0x0], $0xffff  }
0x98: {  	v39 =	vand.u32 $0x7FEF, v33;
	vm3 =	veq.s32 v26, v5;
	v31 =	vld.idx.msk [tilespmem:v40+s2+$0x0], $0xffff;
	(erf) = vpow2.f32 v24  }
0x99: {  	vm2 =	vmor vm2, vm4;
	v24 =	vor.u32 v4, v32;
	v26 =	vld.idx.msk [tilespmem:v27+s2+$0x0], $0xffff;
	(erf) = vpow2.f32 v29  }
0x9a: {  	vm4 =	veq.s32 v28, v5;
	v29 =	vsel vm2, $0xFF61B1E6, v3;
	v27 =	vand.u32 $0x7FFF, v24;
	v35 =	vld.idx.msk [tilespmem:v35+s2+$0x0], $0xffff  }
0x9b: {  	vm7 =	vge.s32 v23, v8;
	vm5 =	vge.s32 v17, v8;
	vm6 =	veq.s32 v25, v6;
	v24 =	vld.idx.msk [tilespmem:v37+s2+$0x0], $0xffff;
	v17 =	vpop (erf)  }
0x9c: {  	vm8 =	vge.s32 v19, v7;
	v17 =	vsel vm2, $0x0, v17;
	vm2 =	vmor vm7, vm6  }
0x9d: {  	vm1 =	vmor vm5, vm1;
	vm3 =	vmor vm8, vm3;
	v19 =	vmul.f32 v17, v34;
	v23 =	vpop (erf)  }
0x9e: {  	v32 =	vsel vm1, $0xFF61B1E6, v3;
	v34 =	vmul.f32 v17, v31;
	v17 =	vsel vm1, $0x0, v23;
	v28 =	vld.idx.msk [tilespmem:v38+s2+$0x0], $0xffff  }
0x9f: {  	vm0 =	vmor vm0, vm4;
	v36 =	vmul.f32 v17, v36;
	v17 =	vmul.f32 v17, v30;
	v23 =	vld.idx.msk [tilespmem:v27+s2+$0x0], $0xffff;
	v25 =	vpop (erf)  }
.Ltmp1:
0xa0: {  	v30 =	vadd.f32 v34, v29;
	v22 =	vadd.f32 v19, v22;
	v27 =	vsel vm0, $0xFF61B1E6, v3;
	(pc) =	sbr.rel @p0 .LBB2_6-.Ltmp1, $4  }
0xa1: {  	v19 =	vadd.f32 v19, v29;
	v29 =	vsel vm3, $0x0, v25;
	v25 =	vsel vm3, $0xFF61B1E6, v3;
	v37 =	vpop (erf)  }
0xa2: {  	v16 =	vmax.f32 v16, v30;
	v33 =	vadd.f32 v17, v32;
	v17 =	vadd.f32 v17, v21;
	v31 =	vpop (erf)  }
0xa3: {  	v21 =	vmax.f32 v15, v19;
	v19 =	vadd.f32 v36, v32;
	v32 =	vsel vm0, $0x0, v37;
	v15 =	vld.idx.msk [tilespmem:v39+s2+$0x0], $0xffff  }
0xa4: {  	s21 =	smov.u32 s20;
	v30 =	vadd.f32 v34, v14;
	v18 =	vadd.f32 v36, v18;
	v14 =	vmul.f32 v29, v35  }
0xa5: {  	v5 =	vmax.f32 v9, v33;
	v6 =	vmul.f32 v32, v26  }
0xa6: {  	v7 =	vadd.f32 v20, v17;
	v50 =	vmul.f32 v32, v28;
	v8 =	vadd.f32 v13, v18  }
0xa7: {  	v52 =	vmul.f32 v29, v24;
	v56 =	vadd.f32 v14, v25;
	v51 =	vadd.f32 v6, v27  }
0xa8: {  	v53 =	vsel vm2, $0x0, v31;
	v55 =	vadd.f32 v50, v27;
	v9 =	vadd.f32 v50, v30  }
0xa9: {  	v54 =	vsel vm2, $0xFF61B1E6, v3;
	v6 =	vadd.f32 v6, v22;
	v57 =	vadd.f32 v52, v25  }
0xaa: {  	s20 =	sshll.u32 s18, $0x7;
	v58 =	vmul.f32 v53, v15;
	v16 =	vmax.f32 v16, v55;
	v9 =	vadd.f32 v14, v9  }
0xab: {  	s20 =	sand.u32 $0x3FFFFF80, s20;
	v13 =	vmax.f32 v21, v51;
	v6 =	vadd.f32 v52, v6;
	v59 =	vmax.f32 v16, v56  }
0xac: {  	v60 =	vmul.f32 v53, v23;
	v13 =	vmax.f32 v13, v57;
	[tilespmem:s20+$0xE100] =	vst v59;
	v9 =	vmul.f32 $2.500000040e-02, v9  }
0xad: {  	v11 =	vmax.f32 v11, v19;
	s18 =	sadd.s32 $0x1, s18;
	v61 =	vadd.f32 v58, v54;
	[tilespmem:s20+$0xE110] =	vst v13;
	v6 =	vmul.f32 $2.500000040e-02, v6  }
0xae: {  	v10 =	vmax.f32 v11, v10;
	p0 =	sne.s32 s18, $0x8;
	v62 =	vadd.f32 v60, v54;
	v8 =	vadd.f32 v58, v8;
	[tilespmem:s20+$0xE120] =	vst v9  }
.Ltmp2:
0xaf: {  	s19 =	sshll.u32 s19, $0x6;
	v5 =	vmax.f32 v5, v12;
	v7 =	vadd.f32 v60, v7;
	v63 =	vmax.f32 v10, v61;
	[tilespmem:s20+$0xE130] =	vst v6;
	(pc) =	sbr.rel @p0 .LBB2_3-.Ltmp2, $4  }
0xb0: {  	s30 =	sor.u32 $0x50, s19;
	v5 =	vmax.f32 v5, v62;
	v6 =	vmul.f32 $2.500000040e-02, v8;
	[tilespmem:s19+$0xE100] =	vst v63  }
0xb1: {  	s31 =	sor.u32 $0x60, s19;
	[tilespmem:s30+$0xE100] =	vst v5;
	v5 =	vmul.f32 $2.500000040e-02, v7  }
0xb2: {  	s19 =	sor.u32 $0x70, s19;
	[tilespmem:s31+$0xE100] =	vst v6  }
0xb3: {  	[tilespmem:s19+$0xE100] =	vst v5  }
0xb4: {  	s15 =	sadd.s32 $0x1, s15  }
0xb5: {  	s16 =	sshll.u32 s16, $0x3;
	p0 =	sne.s32 s15, $0x10  }
.Ltmp3:
0xb6: {  	s16 =	sadd.s32 s4, s16;
	(pc) =	sbr.rel @p0 .LBB2_2-.Ltmp3, $4  }
0xb7: {  	[hbm4b:s16+s2] =	stream.linear.scatter [tilespmem:s13], [sflag:$0x1], $0x400, $0x38;
	[tilespmem:$0xE500] =	vst v63  }
0xb8: {  	_ =	swait.ge [sflag:s9], $0x400  }
0xb9: {  	[sflag:s9] =	ssyncset.done $0x0  }
0xba: {  	[sflag:s9] =	ssyncadd.s32 $0xFFFFFC00  }
0xbb: {  	s14 =	sadd.s32 $0x1, s14  }
0xbc: {  	p0 =	sne.s32 s14, s8  }
.Ltmp4:
0xbd: {  	_ = 	snop;
	(pc) =	sbr.rel @p0 .LBB2_1-.Ltmp4, $1  }
0xbe: {  	_ =	sdelay $0x3  }
0xbf: {  	_ =	sfence.sel $0x180000  }
0xc0: {  	[bflag:$0x0] =	sbarrier.arrive $0xFFFF  }
0xc1: {  	p0 =	sne.s32 s1, $0x0;
	_ =	strace $0x9000004D  }
0xc2: {  	s0 =	sadd.s32 @!p0 $0x100000, s0;
	[bflag:$0x2] =	sbarrier.arrive $0xFFFF  }
0xc3: {  	[sflag:s0] =	ssyncadd.tile.s32 @!p0 $0x1;
	_ =	shalt  }
.Lfunc_end2:
_tile_overlayer_lowered:
.L_overlay_start_2:
0xc4: {  	(tag) =	ssettag $0x2  }
0xc5: {  	s0 =	rddreg [dreg:$0x0];
	s2 =	stileid.u32  }
0xc6: {  	s1 =	rddreg [dreg:$0x1];
	p0 =	sne.s32 s2, $0x0  }
0xc7: {  	s3 =	rddreg [dreg:$0x2];
	[bflag:$0x3] =	sbarrier.arrive $0xFFFF;
	s2 =	simm.s32 @!p0 $0x1C01  }
0xc8: {  	[timem:s3], [sflag:s2] =	dma.local @!p0 [hbm:s0], s1  }
0xc9: {  	s0 =	simm.s32 @!p0 $0x1  }
0xca: {  	_ =	swait.ge @!p0 [sflag:s0], s1  }
0xcb: {  	s1 =	ssub.s32 @!p0 $0x0, s1;
	[sflag:s0] =	ssyncset.done @!p0 $0x0  }
0xcc: {  	[sflag:s0] =	ssyncadd.s32 @!p0 s1  }
0xcd: {  	[bflag:$0x3] =	sbarrier.arrive $0xFFFF  }
0xce: {  	_ =	shalt  }

// kernel: sparse-core-data-format-call.1.cloned.1.call-start
scs
called_computation.1_lowered:
.L_overlay_start_0:
0x0: {  	s2 =	sld [smem:$0x3FD9]  }
0x1: {  	s3 =	sld [smem:$0x3FFE];
	_ =	sdelay $0x1  }
0x2: {  	s1 =	srdreg.scid  }
0x3: {  	s0 =	sand.u32 $0x1, s1  }
0x4: {  	s18 =	sshll.u32 s0, $0xA;
	s2 =	sadd.s32 s3, s2  }
0x5: {  	s2 =	sadd.s32 s2, s18  }
0x6: {  	[smem:$0x3FC1] =	sst s2  }
0x7: {  	_ = 	snop  }
0x8: {  	(tm) =	ssettm $0x1  }
0x9: {  	s19 =	sld [smem:$0x3FFB];
	_ =	sdelay $0x3  }
0xa: {  	_ =	strace s19  }
0xb: {  	s2 =	sld [smem:$0x3FFC];
	_ =	sdelay $0x3  }
0xc: {  	_ =	strace s2  }
0xd: {  	s2 =	sld [smem:$0x3FFD];
	_ =	sdelay $0x3  }
0xe: {  	_ =	strace s2  }
0xf: {  	_ =	strace $0x8FFFFFFF  }
0x10: {  	s20 =	sld [smem:$0x3FDB];
	_ =	sdelay $0x1  }
0x11: {  	s21 =	simm.s32 $_scs_section_size  }
0x12: {  	s4 =	simm.s32 $_size__tile_overlayer_lowered;
	s5 =	simm.s32 $_tile_overlayer_lowered  }
0x13: {  	s6 =	simm.s32 $0x1BFF;
	s22 =	sshll.u32 s5, $0x1;
	s3 =	sadd.s32 s21, s20  }
0x14: {  	s23 =	simm.s32 $0x0;
	s4 =	sshll.u32 s4, $0x1;
	s5 =	sadd.s32 s22, s3  }
0x15: {  	[timem:s23], [sflag:s6] =	dma.local [hbm:s5], s4  }
0x16: {  	_ =	swait.ge [sflag:s6], s4  }
0x17: {  	s4 =	ssub.s32 $0x0, s4;
	[sflag:s6] =	ssyncset.done $0x0  }
0x18: {  	[sflag:s6] =	ssyncadd.s32 s4;
	_ =	sdelay $0x1  }
0x19: {  	s24 =	simm.s32 $0x1B8B  }
0x1a: {  	_ =	swait.ge [sflag:s24], $0x1  }
0x1b: {  	[sflag:s24] =	ssyncset.done $0x0  }
0x1c: {  	[sflag:s24] =	ssyncadd.s32 $0xFFFFFFFF  }
0x1d: {  	s4 =	sld [smem:$0x0]  }
0x1e: {  	s5 =	sand.u32 $0xFFFFFFFE, s1  }
0x1f: {  	p0 =	sne.s32 s1, s5  }
0x20: {  	s5 =	sshll.u32 @p0 s5, $0xE  }
0x21: {  	s5 =	sadd.s32 @p0 $0x11B8D, s5;
	s6 =	sshll.u32 @p0 s4, $0x11  }
0x22: {  	s5 =	sor.u32 @p0 s6, s5  }
0x23: {  	[sflag:s5] =	ssyncadd.remote.s32 @p0 $0x1;
	_ =	sdelay $0x1  }
0x24: {  	s5 =	simm.s32 @p0 $0x1B8D  }
0x25: {  	_ =	swait.eq @p0 [sflag:s5], $0x1  }
0x26: {  	[sflag:s5] =	ssyncadd.s32 @p0 $0xFFFFFFFF  }
0x27: {  	s6 =	sshll.u32 @!p0 s1, $0xE  }
0x28: {  	s6 =	sor.u32 @!p0 $0x4000, s6;
	s5 =	simm.s32 @!p0 $0x1B8D  }
0x29: {  	s4 =	sshll.u32 @!p0 s4, $0x11;
	s6 =	sadd.s32 @!p0 $0x11B8D, s6;
	_ =	swait.eq @!p0 [sflag:s5], $0x1  }
0x2a: {  	s4 =	sor.u32 @!p0 s4, s6;
	[sflag:s5] =	ssyncadd.s32 @!p0 $0xFFFFFFFF  }
0x2b: {  	s26 =	simm.s32 $0x1B8E;
	s25 =	sld [smem:$0x3FFE];
	[sflag:s4] =	ssyncadd.remote.s32 @!p0 $0x1  }
0x2c: {  	s27 =	simm.s32 $execute0_lowered;
	[smem:$0x3FD2] =	sst s26  }
0x2d: {  	s5 =	sshll.u32 s27, $0x1;
	_ =	strace $0x80000049;
	[dreg:$0x1] =	wrdreg $0xFFFFFFFF  }
0x2e: {  	s28 =	simm.s32 $_size_execute0_lowered;
	s3 =	sadd.s32 s3, s5;
	[dreg:$0x0] =	wrdreg $0x0  }
0x2f: {  	s5 =	sshll.u32 s28, $0x1;
	[dreg:$0x2] =	wrdreg s3  }
0x30: {  	[dreg:$0x3] =	wrdreg s5  }
0x31: {  	[dreg:$0x4] =	wrdreg $0xC0  }
0x32: {  	_ =	task [dreg:s23], $0x5FFFF  }
0x33: {  	[dreg:$0x1] =	wrdreg $0xFFFFFFFF  }
0x34: {  	[dreg:$0x0] =	wrdreg $0x60  }
0x35: {  	[dreg:$0x2] =	wrdreg s25  }
0x36: {  	[dreg:$0x3] =	wrdreg $0x9  }
0x37: {  	_ =	task.clear_ibuf [dreg:s23], $0x4FFFF;
	_ =	strace $0x90000049  }
0x38: {  	s29 =	simm.s32 $0x9;
	_ =	strace $0x8000004B  }
0x39: {  	_ =	swait.ge [sflag:s29], $0x1  }
0x3a: {  	[sflag:s29] =	ssyncadd.s32 $0xFFFFFFFF  }
0x3b: {  	_ =	strace $0x9000004B  }
0x3c: {  	_ =	sfence  }
0x3d: {  	s30 =	sld [smem:$0x0];
	_ =	sdelay $0x2  }
0x3e: {  	s31 =	sshll.u32 s1, $0xD;
	s1 =	sshrl.u32 s1, $0x2  }
0x3f: {  	s4 =	sand.u32 $0x4000, s31;
	s1 =	sadd.s32 s1, s30  }
0x40: {  	s0 =	sor.u32 s4, s0;
	s1 =	sshll.u32 s1, $0x11  }
0x41: {  	s0 =	sor.u32 s1, s0  }
0x42: {  	s0 =	sadd.s32 $0x8F2B, s0  }
0x43: {  	[sflag:s0] =	ssyncadd.remote.s32 $0x1  }
0x44: {  	_ =	sfence.sel $0xFFFF  }
0x45: {  	[dreg:$0x0] =	wrdreg $0xFFFFFFFF;
	(pc) =	sbr.abs _section_cstart, $3  }
0x46: {  	[dreg:$0x1] =	wrdreg $0xFFFFFFFF  }
0x47: {  	_ =	task.clear_ibuf [dreg:s23], $0x2FFFF;
	_ =	strace $0x9FFFFFFF  }
0x48: {  	(tm) =	ssettm $0x7FFFFFFF  }
0x49: {  	_ =	shalt  }
tec
execute0_lowered:
.L_overlay_start_1:
0x0: {  	(tag) =	ssettag $0x1  }
0x1: {  	s0 =	srdreg.scid  }
0x2: {  	s1 =	sshll.u32 s0, $0x4  }
0x3: {  	s4 =	rddreg [dreg:$0x0];
	s0 =	stileid.u32;
	s1 =	sand.u32 $0x10, s1  }
0x4: {  	s7 =	simm.s32 $0x1;
	s8 =	simm.s32 $0x2;
	s2 =	sor.u32 s0, s1  }
0x5: {  	s9 =	simm.s32 $0x0;
	s12 =	simm.s32 $0x0;
	s2 =	sshll.u32 s2, $0x1  }
0x6: {  	s11 =	simm.s32 $0x0;
	s3 =	sadd.s32 $0x202600, s4;
	s6 =	ssub.s32 $0x400, s2  }
.Ltmp0:
0x7: {  	s4 =	sadd.s32 $0x302600, s4;
	s5 =	sand.u32 $0x3E, s6;
	(pc) =	sbr.rel .LBB1_1-.Ltmp0, $4  }
0x8: {  	s1 =	rddreg [dreg:$0x1];
	_ =	strace $0x8000004A;
	p0 =	sne.s32 s5, $0x0  }
0x9: {  	s6 =	sshrl.u32 s6, $0x6;
	s5 =	simm.s32 $0x1;
	s7 =	simm.s32 @!p0 $0x0  }
0xa: {  	s10 =	smov.u32 s2;
	[sflag:s5] =	ssyncpa.u1 $0x0;
	s6 =	sadd.s32 s7, s6  }
0xb: {  	[sflag:s8] =	ssyncpa.u1 $0x0;
	s8 =	simm.s32 $0x0;
	s7 =	sadd.s32 $0x1, s6  }
.LBB1_9:
0xc: {  	s14 =	sadd.s32 $0x40, s10  }
0xd: {  	p1 =	sgt.s32 s14, $0x3FF  }
0xe: {  	s14 =	smov.u32 @p1 s2;
	p1 =	sne.s32 s11, s7  }
.Ltmp1:
0xf: {  	p0 =	slt.u32 s11, $0x2;
	(pc) =	sbr.rel @!p1 .LBB1_10-.Ltmp1, $4  }
0x10: {  	s13 =	simm.s32 @!p0 $0x2  }
0x11: {  	s15 =	sadd.s32 $0x1, s11;
	_ =	swait.ge @!p0 [sflag:s13], $0x4000  }
0x12: {  	s12 =	smov.u32 s10;
	s9 =	sadd.s32 $0x4000, s9;
	[sflag:s13] =	ssyncset.done @!p0 $0x0  }
0x13: {  	s11 =	smov.u32 s15;
	s10 =	smov.u32 s14;
	[sflag:s13] =	ssyncadd.s32 @!p0 $0xFFFFC000  }
.LBB1_1:
0x14: {  	p0 =	sge.u32 s11, s6  }
0x15: {  	s13 =	sxor.u32 @!p0 $0xFFFFFFFF, s11  }
0x16: {  	s31 =	sadd.s32 $0xFFFFFFFF, s11;
	s14 =	sshll.u32 @!p0 s10, $0xA;
	s13 =	sshll.u32 @!p0 s13, $0xE  }
0x17: {  	s15 =	simm.s32 @!p0 $0x0;
	s14 =	sadd.s32 @!p0 s3, s14;
	s13 =	sand.u32 @!p0 $0x4000, s13  }
0x18: {  	[tilespmem:s13], [sflag:$0x1] =	stream.linear.gather @!p0 [hbm4b:s14+s15], $0x4000, $0x38;
	[tilespmem:$0x10000] =	vst v63  }
0x19: {  	p0 =	sge.u32 s31, s6  }
.Ltmp2:
0x1a: {  	_ = 	snop;
	(pc) =	sbr.rel @p0 .LBB1_9-.Ltmp2, $1  }
0x1b: {  	_ =	sdelay $0x3  }
0x1c: {  	s13 =	sshll.u32 s9, $0x2  }
0x1d: {  	_ =	swait.ge [sflag:s5], $0x4000;
	s14 =	sshll.u32 s11, $0xE;
	s16 =	simm.s32 $0x0  }
0x1e: {  	p1 =	por $0x1, $0x1;
	s13 =	sand.u32 $0x10000, s13;
	[sflag:s5] =	ssyncset.done $0x0  }
0x1f: {  	s14 =	sand.u32 $0x4000, s14;
	s15 =	sshrl.u32 s13, $0x2;
	[sflag:s5] =	ssyncadd.s32 $0xFFFFC000  }
0x20: {  	s13 =	sor.u32 $0x8000, s14;
	s14 =	sadd.s32 $0x8040, s15;
	s15 =	sadd.s32 $0x40, s15  }
.LBB1_3:
0x21: {  	s16 =	sshll.u32 s16, $0x2  }
0x22: {  	p0 =	por p1, p1;
	s17 =	sshra.s32 s16, $0x2  }
0x23: {  	s18 =	simm.s32 $0x0;
	s16 =	sadd.s32 s17, s14;
	s17 =	sadd.s32 s17, s15  }
.LBB1_4:
0x24: {  	v0 =	vmov s17;
	_ =	sdelay $0x3  }
0x25: {  	s20 =	simm.s32 $0x0  }
0x26: {  	v6 =	vld.idx.msk [tilespmem:v0+s20+$0x30 ss:$0x1], $0xffff  }
0x27: {  	v7 =	vld.idx.msk [tilespmem:v0+s20+$0xFFFFFFC0 ss:$0x1], $0xffff  }
0x28: {  	v5 =	vld.idx.msk [tilespmem:v0+s20+$0xFFFFFFD0 ss:$0x1], $0xffff  }
0x29: {  	v4 =	vld.idx.msk [tilespmem:v0+s20+$0xFFFFFFE0 ss:$0x1], $0xffff  }
0x2a: {  	v3 =	vld.idx.msk [tilespmem:v0+s20+$0xFFFFFFF0 ss:$0x1], $0xffff  }
0x2b: {  	v1 =	vld.idx.msk [tilespmem:v0+s20+$0x0 ss:$0x1], $0xffff  }
0x2c: {  	v2 =	vld.idx.msk [tilespmem:v0+s20+$0x10 ss:$0x1], $0xffff;
	[tilespmem:s16+$0x30] =	vst v6  }
0x2d: {  	s19 =	simm.s32 $0x80;
	s21 =	simm.s32 $0x400;
	[tilespmem:s16+$0xFFFFFFC0] =	vst v7;
	v6 =	vld.idx.msk [tilespmem:v0+s20+$0x20 ss:$0x1], $0xffff;
	s20 =	smov.u32 s16  }
.LBB1_5:
0x2e: {  	p1 =	sne.s32 s21, $0xE00;
	v7 =	vld.idx.msk [tilespmem:v0+s19+$0x30 ss:$0x1], $0xffff;
	[tilespmem:s20+$0xFFFFFFD0] =	vst v5  }
0x2f: {  	v8 =	vld.idx.msk [tilespmem:v0+s19+$0xFFFFFFC0 ss:$0x1], $0xffff;
	[tilespmem:s20+$0xFFFFFFE0] =	vst v4  }
0x30: {  	v5 =	vld.idx.msk [tilespmem:v0+s19+$0xFFFFFFD0 ss:$0x1], $0xffff;
	[tilespmem:s20+$0xFFFFFFF0] =	vst v3  }
.Ltmp3:
0x31: {  	v4 =	vld.idx.msk [tilespmem:v0+s19+$0xFFFFFFE0 ss:$0x1], $0xffff;
	[tilespmem:s20+$0x0] =	vst v1;
	(pc) =	sbr.rel @p1 .LBB1_5-.Ltmp3, $4  }
0x32: {  	v3 =	vld.idx.msk [tilespmem:v0+s19+$0xFFFFFFF0 ss:$0x1], $0xffff;
	[tilespmem:s20+$0x10] =	vst v2  }
0x33: {  	v1 =	vld.idx.msk [tilespmem:v0+s19+$0x0 ss:$0x1], $0xffff;
	[tilespmem:s20+$0x20] =	vst v6;
	s20 =	sadd.s32 $0x400, s20  }
0x34: {  	v2 =	vld.idx.msk [tilespmem:v0+s19+$0x10 ss:$0x1], $0xffff;
	[tilespmem:s20+$0x30] =	vst v7  }
0x35: {  	[tilespmem:s20+$0xFFFFFFC0] =	vst v8;
	v6 =	vld.idx.msk [tilespmem:v0+s19+$0x20 ss:$0x1], $0xffff;
	s19 =	sshra.s32 s21, $0x2;
	s21 =	sadd.s32 $0x200, s21  }
0x36: {  	_ =	sdelay $0x2  }
0x37: {  	[tilespmem:s20+$0xFFFFFFD0] =	vst v5  }
0x38: {  	v56 =	vld.idx.msk [tilespmem:v0+s19+$0x30 ss:$0x1], $0xffff;
	[tilespmem:s20+$0xFFFFFFE0] =	vst v4  }
0x39: {  	v57 =	vld.idx.msk [tilespmem:v0+s19+$0xFFFFFFC0 ss:$0x1], $0xffff;
	[tilespmem:s20+$0xFFFFFFF0] =	vst v3  }
0x3a: {  	v58 =	vld.idx.msk [tilespmem:v0+s19+$0xFFFFFFD0 ss:$0x1], $0xffff;
	[tilespmem:s20+$0x0] =	vst v1  }
0x3b: {  	v59 =	vld.idx.msk [tilespmem:v0+s19+$0xFFFFFFE0 ss:$0x1], $0xffff;
	[tilespmem:s20+$0x10] =	vst v2  }
0x3c: {  	v60 =	vld.idx.msk [tilespmem:v0+s19+$0xFFFFFFF0 ss:$0x1], $0xffff;
	s31 =	sadd.s32 $0x400, s20;
	[tilespmem:s20+$0x20] =	vst v6  }
0x3d: {  	v61 =	vld.idx.msk [tilespmem:v0+s19+$0x0 ss:$0x1], $0xffff;
	[tilespmem:s31+$0x30] =	vst v56  }
0x3e: {  	v62 =	vld.idx.msk [tilespmem:v0+s19+$0x10 ss:$0x1], $0xffff;
	s18 =	sadd.s32 $0x1, s18;
	[tilespmem:s31+$0xFFFFFFC0] =	vst v57  }
0x3f: {  	v63 =	vld.idx.msk [tilespmem:v0+s19+$0x20 ss:$0x1], $0xffff;
	p1 =	sne.s32 s18, $0x8;
	[tilespmem:s31+$0xFFFFFFD0] =	vst v58  }
.Ltmp4:
0x40: {  	[tilespmem:s31+$0xFFFFFFE0] =	vst v59;
	(pc) =	sbr.rel @p1 .LBB1_4-.Ltmp4, $4  }
0x41: {  	[tilespmem:s31+$0xFFFFFFF0] =	vst v60  }
0x42: {  	[tilespmem:s31+$0x0] =	vst v61  }
0x43: {  	[tilespmem:s31+$0x10] =	vst v62  }
0x44: {  	s16 =	sadd.s32 $0x80, s16;
	s17 =	sadd.s32 $0x400, s17;
	[tilespmem:s31+$0x20] =	vst v63  }
.Ltmp5:
0x45: {  	(pc) =	sbr.rel @p0 .LBB1_3-.Ltmp5, $2  }
0x46: {  	_ =	sdelay $0x2  }
0x47: {  	s16 =	simm.s32 $0x2000;
	p1 =	por $0x0, $0x0  }
.Ltmp6:
0x48: {  	(pc) =	sbr.rel .LBB1_9-.Ltmp6, $4  }
0x49: {  	_ = 	snop  }
0x4a: {  	s12 =	sshll.u32 s12, $0xA  }
0x4b: {  	s12 =	sadd.s32 s4, s12  }
0x4c: {  	[hbm4b:s12+s8] =	stream.linear.scatter [tilespmem:s13], [sflag:$0x2], $0x4000, $0x38;
	[tilespmem:$0x10000] =	vst v63  }
.LBB1_10:
0x4d: {  	_ =	sfence.sel $0x180000  }
0x4e: {  	s2 =	simm.s32 $0x1;
	[bflag:$0x0] =	sbarrier.arrive $0xFFFF  }
0x4f: {  	s31 =	simm.s32 $0x2;
	[sflag:s2] =	ssyncpa.u1 $0x1  }
0x50: {  	[sflag:s31] =	ssyncpa.u1 $0x1  }
0x51: {  	p0 =	sne.s32 s0, $0x0;
	_ =	strace $0x9000004A  }
0x52: {  	s0 =	sadd.s32 @!p0 $0x100000, s1;
	[bflag:$0x2] =	sbarrier.arrive $0xFFFF  }
0x53: {  	[sflag:s0] =	ssyncadd.tile.s32 @!p0 $0x1;
	_ =	shalt  }
.Lfunc_end1:
_tile_overlayer_lowered:
.L_overlay_start_2:
0x54: {  	(tag) =	ssettag $0x2  }
0x55: {  	s0 =	rddreg [dreg:$0x0];
	s2 =	stileid.u32  }
0x56: {  	s1 =	rddreg [dreg:$0x1];
	p0 =	sne.s32 s2, $0x0  }
0x57: {  	s3 =	rddreg [dreg:$0x2];
	[bflag:$0x3] =	sbarrier.arrive $0xFFFF;
	s2 =	simm.s32 @!p0 $0x1C01  }
0x58: {  	[timem:s3], [sflag:s2] =	dma.local @!p0 [hbm:s0], s1  }
0x59: {  	s0 =	simm.s32 @!p0 $0x1  }
0x5a: {  	_ =	swait.ge @!p0 [sflag:s0], s1  }
0x5b: {  	s1 =	ssub.s32 @!p0 $0x0, s1;
	[sflag:s0] =	ssyncset.done @!p0 $0x0  }
0x5c: {  	[sflag:s0] =	ssyncadd.s32 @!p0 s1  }
0x5d: {  	[bflag:$0x3] =	sbarrier.arrive $0xFFFF  }
0x5e: {  	_ =	shalt  }

// kernel: sparse-core-data-format-call.cloned.1.call-start
scs
called_computation_lowered:
.L_overlay_start_0:
0x0: {  	s1 =	sld [smem:$0x3FD9]  }
0x1: {  	s2 =	sld [smem:$0x3FFE];
	_ =	sdelay $0x1  }
0x2: {  	s3 =	srdreg.scid  }
0x3: {  	s0 =	sand.u32 $0x1, s3  }
0x4: {  	s17 =	sshll.u32 s0, $0xA;
	s1 =	sadd.s32 s2, s1  }
0x5: {  	s1 =	sadd.s32 s1, s17  }
0x6: {  	[smem:$0x3FC1] =	sst s1  }
0x7: {  	_ = 	snop  }
0x8: {  	(tm) =	ssettm $0x1  }
0x9: {  	s18 =	sld [smem:$0x3FFB];
	_ =	sdelay $0x3  }
0xa: {  	_ =	strace s18  }
0xb: {  	s1 =	sld [smem:$0x3FFC];
	_ =	sdelay $0x3  }
0xc: {  	_ =	strace s1  }
0xd: {  	s1 =	sld [smem:$0x3FFD];
	_ =	sdelay $0x3  }
0xe: {  	_ =	strace s1  }
0xf: {  	_ =	strace $0x8FFFFFFF  }
0x10: {  	s19 =	sld [smem:$0x3FDB];
	_ =	sdelay $0x1  }
0x11: {  	s20 =	simm.s32 $_scs_section_size  }
0x12: {  	s4 =	simm.s32 $_size__tile_overlayer_lowered;
	s5 =	simm.s32 $_tile_overlayer_lowered  }
0x13: {  	s23 =	simm.s32 $0x1BFF;
	s22 =	sshll.u32 s5, $0x1;
	s1 =	sadd.s32 s20, s19  }
0x14: {  	s6 =	simm.s32 $0x0;
	s21 =	sshll.u32 s4, $0x1;
	s4 =	sadd.s32 s22, s1  }
0x15: {  	[timem:s6], [sflag:s23] =	dma.local [hbm:s4], s21  }
0x16: {  	_ =	swait.ge [sflag:s23], s21  }
0x17: {  	s2 =	ssub.s32 $0x0, s21;
	[sflag:s23] =	ssyncset.done $0x0  }
0x18: {  	[sflag:s23] =	ssyncadd.s32 s2;
	_ =	sdelay $0x1  }
0x19: {  	s24 =	simm.s32 $0x1B8B  }
0x1a: {  	_ =	swait.ge [sflag:s24], $0x1  }
0x1b: {  	[sflag:s24] =	ssyncset.done $0x0  }
0x1c: {  	s26 =	simm.s32 $0x1B8E;
	s25 =	sld [smem:$0x3FFE];
	[sflag:s24] =	ssyncadd.s32 $0xFFFFFFFF  }
0x1d: {  	s27 =	simm.s32 $execute0_lowered;
	[smem:$0x3FD2] =	sst s26  }
0x1e: {  	s4 =	sshll.u32 s27, $0x1;
	_ =	strace $0x80000046;
	[dreg:$0x1] =	wrdreg $0xFFFFFFFF  }
0x1f: {  	s28 =	simm.s32 $_size_execute0_lowered;
	s1 =	sadd.s32 s1, s4;
	[dreg:$0x0] =	wrdreg $0x0  }
0x20: {  	s4 =	sshll.u32 s28, $0x1;
	[dreg:$0x2] =	wrdreg s1  }
0x21: {  	[dreg:$0x3] =	wrdreg s4  }
0x22: {  	[dreg:$0x4] =	wrdreg $0xC0  }
0x23: {  	_ =	task [dreg:s6], $0x5FFFF  }
0x24: {  	[dreg:$0x1] =	wrdreg $0xFFFFFFFF  }
0x25: {  	[dreg:$0x0] =	wrdreg $0x60  }
0x26: {  	[dreg:$0x2] =	wrdreg s25  }
0x27: {  	[dreg:$0x3] =	wrdreg $0xA  }
0x28: {  	_ =	task.clear_ibuf [dreg:s6], $0x4FFFF;
	_ =	strace $0x90000046  }
0x29: {  	s29 =	simm.s32 $0xA;
	_ =	strace $0x80000048  }
0x2a: {  	_ =	swait.ge [sflag:s29], $0x1  }
0x2b: {  	[sflag:s29] =	ssyncadd.s32 $0xFFFFFFFF  }
0x2c: {  	_ =	strace $0x90000048  }
0x2d: {  	_ =	sfence  }
0x2e: {  	s30 =	sld [smem:$0x0];
	_ =	sdelay $0x2  }
0x2f: {  	s31 =	sshll.u32 s3, $0xD;
	s3 =	sshrl.u32 s3, $0x2  }
0x30: {  	s2 =	sand.u32 $0x4000, s31;
	s1 =	sadd.s32 s3, s30  }
0x31: {  	s0 =	sor.u32 s2, s0;
	s1 =	sshll.u32 s1, $0x11  }
0x32: {  	s0 =	sor.u32 s1, s0  }
0x33: {  	s0 =	sadd.s32 $0x8F2B, s0  }
0x34: {  	[sflag:s0] =	ssyncadd.remote.s32 $0x1  }
0x35: {  	_ =	sfence.sel $0xFFFF  }
0x36: {  	[dreg:$0x0] =	wrdreg $0xFFFFFFFF;
	(pc) =	sbr.abs _section_cstart, $3  }
0x37: {  	[dreg:$0x1] =	wrdreg $0xFFFFFFFF  }
0x38: {  	_ =	task.clear_ibuf [dreg:s6], $0x2FFFF;
	_ =	strace $0x9FFFFFFF  }
0x39: {  	(tm) =	ssettm $0x7FFFFFFF  }
tec
execute0_lowered:
.L_overlay_start_1:
0x0: {  	(tag) =	ssettag $0x1  }
0x1: {  	s0 =	srdreg.scid  }
0x2: {  	s1 =	sshll.u32 s0, $0x4  }
0x3: {  	s4 =	rddreg [dreg:$0x0];
	s0 =	stileid.u32;
	s1 =	sand.u32 $0x10, s1  }
0x4: {  	s7 =	simm.s32 $0x1;
	s8 =	simm.s32 $0x2;
	s1 =	sor.u32 s0, s1  }
0x5: {  	s9 =	simm.s32 $0x0;
	s12 =	simm.s32 $0x0;
	s2 =	sshll.u32 s1, $0x1  }
0x6: {  	s11 =	simm.s32 $0x0;
	s3 =	sadd.s32 $0x2600, s4;
	s6 =	ssub.s32 $0x400, s2  }
.Ltmp0:
0x7: {  	s4 =	sadd.s32 $0x102600, s4;
	s5 =	sand.u32 $0x3E, s6;
	(pc) =	sbr.rel .LBB1_1-.Ltmp0, $4  }
0x8: {  	s1 =	rddreg [dreg:$0x1];
	_ =	strace $0x80000047;
	p0 =	sne.s32 s5, $0x0  }
0x9: {  	s6 =	sshrl.u32 s6, $0x6;
	s5 =	simm.s32 $0x1;
	s7 =	simm.s32 @!p0 $0x0  }
0xa: {  	s10 =	smov.u32 s2;
	[sflag:s5] =	ssyncpa.u1 $0x0;
	s6 =	sadd.s32 s7, s6  }
0xb: {  	[sflag:s8] =	ssyncpa.u1 $0x0;
	s8 =	simm.s32 $0x0;
	s7 =	sadd.s32 $0x1, s6  }
.LBB1_9:
0xc: {  	s14 =	sadd.s32 $0x40, s10  }
0xd: {  	p1 =	sgt.s32 s14, $0x3FF  }
0xe: {  	s14 =	smov.u32 @p1 s2;
	p1 =	sne.s32 s11, s7  }
.Ltmp1:
0xf: {  	p0 =	slt.u32 s11, $0x2;
	(pc) =	sbr.rel @!p1 .LBB1_10-.Ltmp1, $4  }
0x10: {  	s13 =	simm.s32 @!p0 $0x2  }
0x11: {  	s15 =	sadd.s32 $0x1, s11;
	_ =	swait.ge @!p0 [sflag:s13], $0x4000  }
0x12: {  	s12 =	smov.u32 s10;
	s9 =	sadd.s32 $0x4000, s9;
	[sflag:s13] =	ssyncset.done @!p0 $0x0  }
0x13: {  	s11 =	smov.u32 s15;
	s10 =	smov.u32 s14;
	[sflag:s13] =	ssyncadd.s32 @!p0 $0xFFFFC000  }
.LBB1_1:
0x14: {  	p0 =	sge.u32 s11, s6  }
0x15: {  	s13 =	sxor.u32 @!p0 $0xFFFFFFFF, s11  }
0x16: {  	s31 =	sadd.s32 $0xFFFFFFFF, s11;
	s14 =	sshll.u32 @!p0 s10, $0xA;
	s13 =	sshll.u32 @!p0 s13, $0xE  }
0x17: {  	s15 =	simm.s32 @!p0 $0x0;
	s14 =	sadd.s32 @!p0 s3, s14;
	s13 =	sand.u32 @!p0 $0x4000, s13  }
0x18: {  	[tilespmem:s13], [sflag:$0x1] =	stream.linear.gather @!p0 [hbm4b:s14+s15], $0x4000, $0x38;
	[tilespmem:$0x10000] =	vst v63  }
0x19: {  	p0 =	sge.u32 s31, s6  }
.Ltmp2:
0x1a: {  	_ = 	snop;
	(pc) =	sbr.rel @p0 .LBB1_9-.Ltmp2, $1  }
0x1b: {  	_ =	sdelay $0x3  }
0x1c: {  	s13 =	sshll.u32 s9, $0x2  }
0x1d: {  	_ =	swait.ge [sflag:s5], $0x4000;
	s14 =	sshll.u32 s11, $0xE;
	s16 =	simm.s32 $0x0  }
0x1e: {  	p1 =	por $0x1, $0x1;
	s13 =	sand.u32 $0x10000, s13;
	[sflag:s5] =	ssyncset.done $0x0  }
0x1f: {  	s14 =	sand.u32 $0x4000, s14;
	s15 =	sshrl.u32 s13, $0x2;
	[sflag:s5] =	ssyncadd.s32 $0xFFFFC000  }
0x20: {  	s13 =	sor.u32 $0x8000, s14;
	s14 =	sadd.s32 $0x8040, s15;
	s15 =	sadd.s32 $0x40, s15  }
.LBB1_3:
0x21: {  	s16 =	sshll.u32 s16, $0x2  }
0x22: {  	p0 =	por p1, p1;
	s17 =	sshra.s32 s16, $0x2  }
0x23: {  	s18 =	simm.s32 $0x0;
	s16 =	sadd.s32 s17, s14;
	s17 =	sadd.s32 s17, s15  }
.LBB1_4:
0x24: {  	v0 =	vmov s17;
	_ =	sdelay $0x3  }
0x25: {  	s20 =	simm.s32 $0x0  }
0x26: {  	v6 =	vld.idx.msk [tilespmem:v0+s20+$0x30 ss:$0x1], $0xffff  }
0x27: {  	v7 =	vld.idx.msk [tilespmem:v0+s20+$0xFFFFFFC0 ss:$0x1], $0xffff  }
0x28: {  	v5 =	vld.idx.msk [tilespmem:v0+s20+$0xFFFFFFD0 ss:$0x1], $0xffff  }
0x29: {  	v4 =	vld.idx.msk [tilespmem:v0+s20+$0xFFFFFFE0 ss:$0x1], $0xffff  }
0x2a: {  	v3 =	vld.idx.msk [tilespmem:v0+s20+$0xFFFFFFF0 ss:$0x1], $0xffff  }
0x2b: {  	v1 =	vld.idx.msk [tilespmem:v0+s20+$0x0 ss:$0x1], $0xffff  }
0x2c: {  	v2 =	vld.idx.msk [tilespmem:v0+s20+$0x10 ss:$0x1], $0xffff;
	[tilespmem:s16+$0x30] =	vst v6  }
0x2d: {  	s19 =	simm.s32 $0x80;
	s21 =	simm.s32 $0x400;
	[tilespmem:s16+$0xFFFFFFC0] =	vst v7;
	v6 =	vld.idx.msk [tilespmem:v0+s20+$0x20 ss:$0x1], $0xffff;
	s20 =	smov.u32 s16  }
.LBB1_5:
0x2e: {  	p1 =	sne.s32 s21, $0xE00;
	v7 =	vld.idx.msk [tilespmem:v0+s19+$0x30 ss:$0x1], $0xffff;
	[tilespmem:s20+$0xFFFFFFD0] =	vst v5  }
0x2f: {  	v8 =	vld.idx.msk [tilespmem:v0+s19+$0xFFFFFFC0 ss:$0x1], $0xffff;
	[tilespmem:s20+$0xFFFFFFE0] =	vst v4  }
0x30: {  	v5 =	vld.idx.msk [tilespmem:v0+s19+$0xFFFFFFD0 ss:$0x1], $0xffff;
	[tilespmem:s20+$0xFFFFFFF0] =	vst v3  }
.Ltmp3:
0x31: {  	v4 =	vld.idx.msk [tilespmem:v0+s19+$0xFFFFFFE0 ss:$0x1], $0xffff;
	[tilespmem:s20+$0x0] =	vst v1;
	(pc) =	sbr.rel @p1 .LBB1_5-.Ltmp3, $4  }
0x32: {  	v3 =	vld.idx.msk [tilespmem:v0+s19+$0xFFFFFFF0 ss:$0x1], $0xffff;
	[tilespmem:s20+$0x10] =	vst v2  }
0x33: {  	v1 =	vld.idx.msk [tilespmem:v0+s19+$0x0 ss:$0x1], $0xffff;
	[tilespmem:s20+$0x20] =	vst v6;
	s20 =	sadd.s32 $0x400, s20  }
0x34: {  	v2 =	vld.idx.msk [tilespmem:v0+s19+$0x10 ss:$0x1], $0xffff;
	[tilespmem:s20+$0x30] =	vst v7  }
0x35: {  	[tilespmem:s20+$0xFFFFFFC0] =	vst v8;
	v6 =	vld.idx.msk [tilespmem:v0+s19+$0x20 ss:$0x1], $0xffff;
	s19 =	sshra.s32 s21, $0x2;
	s21 =	sadd.s32 $0x200, s21  }
0x36: {  	_ =	sdelay $0x2  }
0x37: {  	[tilespmem:s20+$0xFFFFFFD0] =	vst v5  }
0x38: {  	v56 =	vld.idx.msk [tilespmem:v0+s19+$0x30 ss:$0x1], $0xffff;
	[tilespmem:s20+$0xFFFFFFE0] =	vst v4  }
0x39: {  	v57 =	vld.idx.msk [tilespmem:v0+s19+$0xFFFFFFC0 ss:$0x1], $0xffff;
	[tilespmem:s20+$0xFFFFFFF0] =	vst v3  }
0x3a: {  	v58 =	vld.idx.msk [tilespmem:v0+s19+$0xFFFFFFD0 ss:$0x1], $0xffff;
	[tilespmem:s20+$0x0] =	vst v1  }
0x3b: {  	v59 =	vld.idx.msk [tilespmem:v0+s19+$0xFFFFFFE0 ss:$0x1], $0xffff;
	[tilespmem:s20+$0x10] =	vst v2  }
0x3c: {  	v60 =	vld.idx.msk [tilespmem:v0+s19+$0xFFFFFFF0 ss:$0x1], $0xffff;
	s31 =	sadd.s32 $0x400, s20;
	[tilespmem:s20+$0x20] =	vst v6  }
0x3d: {  	v61 =	vld.idx.msk [tilespmem:v0+s19+$0x0 ss:$0x1], $0xffff;
	[tilespmem:s31+$0x30] =	vst v56  }
0x3e: {  	v62 =	vld.idx.msk [tilespmem:v0+s19+$0x10 ss:$0x1], $0xffff;
	s18 =	sadd.s32 $0x1, s18;
	[tilespmem:s31+$0xFFFFFFC0] =	vst v57  }
0x3f: {  	v63 =	vld.idx.msk [tilespmem:v0+s19+$0x20 ss:$0x1], $0xffff;
	p1 =	sne.s32 s18, $0x8;
	[tilespmem:s31+$0xFFFFFFD0] =	vst v58  }
.Ltmp4:
0x40: {  	[tilespmem:s31+$0xFFFFFFE0] =	vst v59;
	(pc) =	sbr.rel @p1 .LBB1_4-.Ltmp4, $4  }
0x41: {  	[tilespmem:s31+$0xFFFFFFF0] =	vst v60  }
0x42: {  	[tilespmem:s31+$0x0] =	vst v61  }
0x43: {  	[tilespmem:s31+$0x10] =	vst v62  }
0x44: {  	s16 =	sadd.s32 $0x80, s16;
	s17 =	sadd.s32 $0x400, s17;
	[tilespmem:s31+$0x20] =	vst v63  }
.Ltmp5:
0x45: {  	(pc) =	sbr.rel @p0 .LBB1_3-.Ltmp5, $2  }
0x46: {  	_ =	sdelay $0x2  }
0x47: {  	s16 =	simm.s32 $0x2000;
	p1 =	por $0x0, $0x0  }
.Ltmp6:
0x48: {  	(pc) =	sbr.rel .LBB1_9-.Ltmp6, $4  }
0x49: {  	_ = 	snop  }
0x4a: {  	s12 =	sshll.u32 s12, $0xA  }
0x4b: {  	s12 =	sadd.s32 s4, s12  }
0x4c: {  	[hbm4b:s12+s8] =	stream.linear.scatter [tilespmem:s13], [sflag:$0x2], $0x4000, $0x38;
	[tilespmem:$0x10000] =	vst v63  }
.LBB1_10:
0x4d: {  	_ =	sfence.sel $0x180000  }
0x4e: {  	s2 =	simm.s32 $0x1;
	[bflag:$0x0] =	sbarrier.arrive $0xFFFF  }
0x4f: {  	s31 =	simm.s32 $0x2;
	[sflag:s2] =	ssyncpa.u1 $0x1  }
0x50: {  	[sflag:s31] =	ssyncpa.u1 $0x1  }
0x51: {  	p0 =	sne.s32 s0, $0x0;
	_ =	strace $0x90000047  }
0x52: {  	s0 =	sadd.s32 @!p0 $0x100000, s1;
	[bflag:$0x2] =	sbarrier.arrive $0xFFFF  }
0x53: {  	[sflag:s0] =	ssyncadd.tile.s32 @!p0 $0x1;
	_ =	shalt  }
.Lfunc_end1:
_tile_overlayer_lowered:
.L_overlay_start_2:
0x54: {  	(tag) =	ssettag $0x2  }
0x55: {  	s0 =	rddreg [dreg:$0x0];
	s2 =	stileid.u32  }
0x56: {  	s1 =	rddreg [dreg:$0x1];
	p0 =	sne.s32 s2, $0x0  }
0x57: {  	s3 =	rddreg [dreg:$0x2];
	[bflag:$0x3] =	sbarrier.arrive $0xFFFF;
	s2 =	simm.s32 @!p0 $0x1C01  }
0x58: {  	[timem:s3], [sflag:s2] =	dma.local @!p0 [hbm:s0], s1  }
0x59: {  	s0 =	simm.s32 @!p0 $0x1  }
0x5a: {  	_ =	swait.ge @!p0 [sflag:s0], s1  }
0x5b: {  	s1 =	ssub.s32 @!p0 $0x0, s1;
	[sflag:s0] =	ssyncset.done @!p0 $0x0  }
0x5c: {  	[sflag:s0] =	ssyncadd.s32 @!p0 s1  }
0x5d: {  	[bflag:$0x3] =	sbarrier.arrive $0xFFFF  }
0x5e: {  	_ =	shalt  }

</sc_bundles>
